<compile_context>
chip_gen: v7x
topology: tpu7x:2x2x1
jax: 0.10.2.dev20260603
libtpu: 0.0.44.dev20260713+nightly
codegen_flags: <defaults>
</compile_context>

<pallas_src>
import functools

import numpy as np
import jax
import jax.numpy as jnp
from jax import lax
from jax.experimental import pallas as pl
from jax.experimental.pallas import tpu as pltpu
from jax.experimental.pallas import tpu_sc as plsc

N = 20000
E = 160000
IN_CH = 30
H = 16

NC = 2
NS = 16
NW = NC * NS
CHUNK = 128
ECH = E // CHUNK
BLK = 1600
NBLK = E // BLK

_DEF = jax.lax.Precision.DEFAULT

_EB1 = np.kron(np.eye(IN_CH, dtype=np.float32), np.ones((1, H), np.float32))
_ES1 = np.kron(np.ones((IN_CH, 1), np.float32), np.eye(H, dtype=np.float32))
_EB2 = np.kron(np.eye(H, dtype=np.float32), np.ones((1, H), np.float32))
_ES2 = np.kron(np.ones((H, 1), np.float32), np.eye(H, dtype=np.float32))


def _mesh():
    return plsc.VectorSubcoreMesh(
        core_axis_name="c", subcore_axis_name="s",
        num_cores=NC, num_subcores=NS)


def _exact_dot(a, b):
    f32, bf = jnp.float32, jnp.bfloat16
    t1 = a.astype(bf)
    r1 = a - t1.astype(f32)
    t2 = r1.astype(bf)
    r2 = r1 - t2.astype(f32)
    t3 = r2.astype(bf)
    b16 = b.astype(bf)
    return (jnp.dot(t1, b16, preferred_element_type=f32)
            + jnp.dot(t2, b16, preferred_element_type=f32)
            + jnp.dot(t3, b16, preferred_element_type=f32))


def _sc_gather(table, idx2d):
    R, W = table.shape
    CH = idx2d.shape[0]
    q, r = divmod(CH, NW)

    @functools.partial(
        pl.kernel,
        out_type=jax.ShapeDtypeStruct((CH * CHUNK, W), jnp.float32),
        mesh=_mesh(),
        scratch_types=[
            pltpu.VMEM((q + 1, CHUNK), jnp.int32),
            pltpu.VMEM((CHUNK, W), jnp.float32),
            pltpu.SemaphoreType.DMA,
        ],
        compiler_params=pltpu.CompilerParams(use_tc_tiling_on_sc=False),
    )
    def k(table_hbm, idx_hbm, out_hbm, idx_v, rows_v, sem):
        wid = lax.axis_index("s") * NC + lax.axis_index("c")
        base = wid * q
        pltpu.sync_copy(idx_hbm.at[pl.ds(base, q)], idx_v.at[pl.ds(0, q)])
        if r:
            @pl.when(wid < r)
            def _():
                pltpu.sync_copy(idx_hbm.at[pl.ds(NW * q + wid, 1)],
                                idx_v.at[pl.ds(q, 1)])

        def body(j, carry):
            pltpu.async_copy(table_hbm.at[idx_v.at[j]], rows_v, sem).wait()
            pltpu.sync_copy(rows_v, out_hbm.at[pl.ds((base + j) * CHUNK, CHUNK)])
            return carry

        lax.fori_loop(0, q, body, 0, unroll=False)
        if r:
            @pl.when(wid < r)
            def _():
                pltpu.async_copy(table_hbm.at[idx_v.at[q]], rows_v, sem).wait()
                pltpu.sync_copy(
                    rows_v, out_hbm.at[pl.ds((NW * q + wid) * CHUNK, CHUNK)])

    return k(table, idx2d)


def _sc_scatter_add(msg, dst2d):
    CH = dst2d.shape[0]
    q, r = divmod(CH, NW)
    rows_per_tile = N // NS

    @functools.partial(
        pl.kernel,
        out_type=jax.ShapeDtypeStruct((NC, N, H), jnp.float32),
        mesh=_mesh(),
        scratch_types=[
            pltpu.VMEM((q + 1, CHUNK), jnp.int32),
            pltpu.VMEM((CHUNK, H), jnp.float32),
            pltpu.VMEM((rows_per_tile, H), jnp.float32),
            pltpu.VMEM_SHARED((N, H), jnp.float32),
        ],
        compiler_params=pltpu.CompilerParams(use_tc_tiling_on_sc=False),
    )
    def k(msg_hbm, dst_hbm, agg_hbm, idx_v, mrow_v, zbuf_v, agg_sh):
        c = lax.axis_index("c")
        s = lax.axis_index("s")
        wid = s * NC + c

        def zb(i, carry):
            zbuf_v[i, :] = jnp.zeros((H,), jnp.float32)
            return carry
        lax.fori_loop(0, rows_per_tile, zb, 0)
        pltpu.sync_copy(zbuf_v, agg_sh.at[pl.ds(s * rows_per_tile, rows_per_tile)])
        plsc.subcore_barrier()

        base = wid * q
        pltpu.sync_copy(dst_hbm.at[pl.ds(base, q)], idx_v.at[pl.ds(0, q)])
        if r:
            @pl.when(wid < r)
            def _():
                pltpu.sync_copy(dst_hbm.at[pl.ds(NW * q + wid, 1)],
                                idx_v.at[pl.ds(q, 1)])

        def body(j, carry):
            pltpu.sync_copy(msg_hbm.at[pl.ds((base + j) * CHUNK, CHUNK)], mrow_v)
            pltpu.sync_copy(mrow_v, agg_sh.at[idx_v.at[j]], add=True)
            return carry
        lax.fori_loop(0, q, body, 0, unroll=False)
        if r:
            @pl.when(wid < r)
            def _():
                pltpu.sync_copy(
                    msg_hbm.at[pl.ds((NW * q + wid) * CHUNK, CHUNK)], mrow_v)
                pltpu.sync_copy(mrow_v, agg_sh.at[idx_v.at[q]], add=True)
        plsc.subcore_barrier()

        pltpu.sync_copy(
            agg_sh.at[pl.ds(s * rows_per_tile, rows_per_tile)],
            agg_hbm.at[c].at[pl.ds(s * rows_per_tile, rows_per_tile)])

    return k(msg, dst2d)


def _tc_msg(xsd, feat_src, w_in, b_in, eb, es, in_ch):
    K = in_ch * H

    def body(xs_ref, xd_ref, f_ref, w_ref, b_ref, eb_ref, es_ref, out_ref):
        rel = xs_ref[:, 0:2] - xd_ref[:, 0:2]
        scaling = jnp.dot(rel.astype(jnp.bfloat16),
                          w_ref[...].astype(jnp.bfloat16),
                          preferred_element_type=jnp.float32)
        scaling = jnp.maximum(scaling + b_ref[...], 0.0)
        if f_ref.shape[1] == 32:
            feat = f_ref[:, 2:32]
        else:
            feat = f_ref[...]
        frep = _exact_dot(feat, eb_ref[...])
        out_ref[...] = _exact_dot(scaling * frep, es_ref[...])

    fw = feat_src.shape[1]
    return pl.pallas_call(
        body,
        grid=(NBLK,),
        in_specs=[
            pl.BlockSpec((BLK, 32), lambda i: (i, 0)),
            pl.BlockSpec((BLK, 32), lambda i: (i + NBLK, 0)),
            pl.BlockSpec((BLK, fw), lambda i: (i, 0)),
            pl.BlockSpec((2, K), lambda i: (0, 0)),
            pl.BlockSpec((1, K), lambda i: (0, 0)),
            pl.BlockSpec((in_ch, K), lambda i: (0, 0)),
            pl.BlockSpec((K, H), lambda i: (0, 0)),
        ],
        out_specs=pl.BlockSpec((BLK, H), lambda i: (i, 0)),
        out_shape=jax.ShapeDtypeStruct((E, H), jnp.float32),
    )(xsd, xsd, feat_src, w_in, b_in.reshape(1, K), eb, es)


def _tc_update(agg, w_out, b_out):
    RB = 4000
    def body(a0_ref, a1_ref, w_ref, b_ref, out_ref):
        a = (a0_ref[0] + a1_ref[0]).astype(jnp.bfloat16)
        out_ref[...] = jnp.dot(a, w_ref[...].astype(jnp.bfloat16),
                               preferred_element_type=jnp.float32) + b_ref[...]

    return pl.pallas_call(
        body,
        grid=(N // RB,),
        in_specs=[
            pl.BlockSpec((1, RB, H), lambda i: (0, i, 0)),
            pl.BlockSpec((1, RB, H), lambda i: (1, i, 0)),
            pl.BlockSpec((H, H), lambda i: (0, 0)),
            pl.BlockSpec((1, H), lambda i: (0, 0)),
        ],
        out_specs=pl.BlockSpec((RB, H), lambda i: (i, 0)),
        out_shape=jax.ShapeDtypeStruct((N, H), jnp.float32),
    )(agg, agg, w_out, b_out.reshape(1, H))


def _tc_decoder(hsd, dw1, db1, dw2, db2, dw3, db3):
    DB = 3200
    ND = E // DB

    def body(hs_ref, hd_ref, w1a_ref, w1b_ref, b1_ref, w2_ref, b2_ref,
             w3_ref, b3_ref, out_ref):
        f32 = jnp.float32
        bf = jnp.bfloat16
        z = (jnp.dot(hs_ref[...].astype(bf), w1a_ref[...].astype(bf),
                     preferred_element_type=f32)
             + jnp.dot(hd_ref[...].astype(bf), w1b_ref[...].astype(bf),
                       preferred_element_type=f32)
             + b1_ref[...])
        z = jnp.maximum(z, 0.0)
        z = jnp.maximum(jnp.dot(z.astype(bf), w2_ref[...].astype(bf),
                                preferred_element_type=f32) + b2_ref[...], 0.0)
        z = jnp.dot(z.astype(bf), w3_ref[...].astype(bf),
                    preferred_element_type=f32) + b3_ref[...]
        out_ref[...] = jax.nn.sigmoid(z)

    return pl.pallas_call(
        body,
        grid=(ND,),
        in_specs=[
            pl.BlockSpec((DB, H), lambda i: (i, 0)),
            pl.BlockSpec((DB, H), lambda i: (i + ND, 0)),
            pl.BlockSpec((H, H), lambda i: (0, 0)),
            pl.BlockSpec((H, H), lambda i: (0, 0)),
            pl.BlockSpec((1, H), lambda i: (0, 0)),
            pl.BlockSpec((H, H), lambda i: (0, 0)),
            pl.BlockSpec((1, H), lambda i: (0, 0)),
            pl.BlockSpec((H, 1), lambda i: (0, 0)),
            pl.BlockSpec((1, 1), lambda i: (0, 0)),
        ],
        out_specs=pl.BlockSpec((DB, 1), lambda i: (i, 0)),
        out_shape=jax.ShapeDtypeStruct((E, 1), jnp.float32),
    )(hsd, hsd, dw1[:H], dw1[H:], db1.reshape(1, H), dw2, db2.reshape(1, H),
      dw3, db3.reshape(1, 1))


def kernel(x, edge_index, w1_in, b1_in, w1_out, b1_out, w2_in, b2_in, w2_out,
           b2_out, w3_in, b3_in, w3_out, b3_out, dw1, db1, dw2, db2, dw3, db3):
    ei = edge_index.astype(jnp.int32)
    idx_sd = ei.reshape(2 * ECH, CHUNK)
    idx_s = ei[0].reshape(ECH, CHUNK)
    idx_d = ei[1].reshape(ECH, CHUNK)

    eb1, es1 = jnp.asarray(_EB1), jnp.asarray(_ES1)
    eb2, es2 = jnp.asarray(_EB2), jnp.asarray(_ES2)

    xsd = _sc_gather(x, idx_sd)
    msg1 = _tc_msg(xsd, xsd, w1_in, b1_in, eb1, es1, IN_CH)
    agg1 = _sc_scatter_add(msg1, idx_d)
    h1 = _tc_update(agg1, w1_out, b1_out)
    hs1 = _sc_gather(h1, idx_s)
    msg2 = _tc_msg(xsd, hs1, w2_in, b2_in, eb2, es2, H)
    agg2 = _sc_scatter_add(msg2, idx_d)
    h2 = _tc_update(agg2, w2_out, b2_out)
    hs2 = _sc_gather(h2, idx_s)
    msg3 = _tc_msg(xsd, hs2, w3_in, b3_in, eb2, es2, H)
    agg3 = _sc_scatter_add(msg3, idx_d)
    h3 = _tc_update(agg3, w3_out, b3_out)
    hsd3 = _sc_gather(h3, idx_sd)
    z = _tc_decoder(hsd3, dw1, db1, dw2, db2, dw3, db3)
    return z.reshape(-1)

# --- scband reference (transcript-rebuilt; emitter-appended) ---
"""Pipeline reference for scband-spatial-gcnmodel-13795434955218 (READ-ONLY COPY).

The authoritative reference and input builder live on the scoring server;
editing this copy changes nothing except your own understanding.
"""

import jax, jax.numpy as jnp
import numpy as np

N = 20000
E = 160000
IN_CH = 30
H = 16

def _glorot(key, shape):
    fan_in = shape[0]
    return jax.random.normal(key, shape, dtype=jnp.float32) * (1.0 / np.sqrt(fan_in))

def setup_inputs(seed: int = 0):
    key = jax.random.key(seed)
    ks = jax.random.split(key, 16)
    inp = {}
    inp["x"] = jax.random.normal(ks[0], (N, IN_CH + 2), dtype=jnp.float32)
    inp["edge_index"] = jax.random.randint(ks[1], (2, E), 0, N, dtype=jnp.int32)
    # conv1: lin_in Linear(2, in*hidden), lin_out Linear(hidden, out)
    inp["w1_in"] = _glorot(ks[2], (2, IN_CH * H))
    inp["b1_in"] = jnp.zeros((IN_CH * H,), jnp.float32)
    inp["w1_out"] = _glorot(ks[3], (H, H))
    inp["b1_out"] = jnp.zeros((H,), jnp.float32)
    # conv2
    inp["w2_in"] = _glorot(ks[4], (2, H * H))
    inp["b2_in"] = jnp.zeros((H * H,), jnp.float32)
    inp["w2_out"] = _glorot(ks[5], (H, H))
    inp["b2_out"] = jnp.zeros((H,), jnp.float32)
    # conv3
    inp["w3_in"] = _glorot(ks[6], (2, H * H))
    inp["b3_in"] = jnp.zeros((H * H,), jnp.float32)
    inp["w3_out"] = _glorot(ks[7], (H, H))
    inp["b3_out"] = jnp.zeros((H,), jnp.float32)
    # decoder
    inp["dw1"] = _glorot(ks[8], (2 * H, H))
    inp["db1"] = jnp.zeros((H,), jnp.float32)
    inp["dw2"] = _glorot(ks[9], (H, H))
    inp["db2"] = jnp.zeros((H,), jnp.float32)
    inp["dw3"] = _glorot(ks[10], (H, 1))
    inp["db3"] = jnp.zeros((1,), jnp.float32)
    return inp

def _sgcn_conv(h, pos, src, dst, w_in, b_in, w_out, b_out, in_ch):
    # message: relative pos -> relu(lin_in) -> scale gathered x_j, sum over in_ch
    rel = pos[src] - pos[dst]  # pos_j - pos_i
    scaling = jax.nn.relu(rel @ w_in + b_in)  # [E, in_ch*H]
    msg = (scaling.reshape(-1, in_ch, H) * h[src][:, :, None]).sum(axis=1)  # [E, H]
    # aggregate: scatter-add into dst nodes
    agg = jax.ops.segment_sum(msg, dst, num_segments=N)  # [N, H]
    # update: dropout (eval mode = identity) then lin_out
    return agg @ w_out + b_out

def reference(x, edge_index, w1_in, b1_in, w1_out, b1_out, w2_in, b2_in, w2_out, b2_out, w3_in, b3_in, w3_out, b3_out, dw1, db1, dw2, db2, dw3, db3):
    pos = x[:, :2]
    feat = x[:, 2:]
    src = edge_index[0]
    dst = edge_index[1]
    h = _sgcn_conv(feat, pos, src, dst, w1_in, b1_in, w1_out, b1_out, IN_CH)
    h = _sgcn_conv(h, pos, src, dst, w2_in, b2_in, w2_out, b2_out, H)
    h = _sgcn_conv(h, pos, src, dst, w3_in, b3_in, w3_out, b3_out, H)
    # decoder: edge-wise link prediction
    z = jnp.concatenate([h[src], h[dst]], axis=-1)  # [E, 2H]
    z = jax.nn.relu(z @ dw1 + db1)
    z = jax.nn.relu(z @ dw2 + db2)
    z = jax.nn.sigmoid(z @ dw3 + db3)
    return z.reshape(-1)

if __name__ == "__main__":
    import jax
    _d = setup_inputs()
    print(jax.jit(kernel)(*tuple(_d.values())))

</pallas_src>

<mosaic_0001>
#map = affine_map<(d0, d1) -> (0, 0)>
#map1 = affine_map<(d0, d1) -> (0, 0, 0)>
module attributes {stable_mosaic.version = 14 : i64} {
  func.func @k(%arg0: i32, %arg1: i32, %arg2: memref<160000x16xf32, #tpu.memory_space<hbm>>, %arg3: memref<1250x128xi32, #tpu.memory_space<hbm>>, %arg4: memref<2x20000x16xf32, #tpu.memory_space<hbm>>, %arg5: memref<40x128xi32, #tpu.memory_space<vmem>>, %arg6: memref<128x16xf32, #tpu.memory_space<vmem>>, %arg7: memref<1250x16xf32, #tpu.memory_space<vmem>>, %arg8: memref<20000x16xf32, #tpu.memory_space<vmem_shared>>) attributes {dimension_semantics = [#tpu.dimension_semantics<core_parallel>, #tpu.dimension_semantics<subcore_parallel>], iteration_bounds = array<i64: 2, 16>, scalar_prefetch = 0 : i64, scratch_operands = 4 : i64, tpu.core_type = #tpu.core_type<sc_vector_subcore>, window_params = [{transform_indices = #map}, {transform_indices = #map}, {transform_indices = #map1}]} {
    %mul3A = arith.constant 2 : i32
    %mul3A_0 = arith.muli %arg1, %mul3A : i32
    %add3A = arith.addi %mul3A_0, %arg0 : i32
    %scan3A = arith.constant 0 : i32
    %scan3A_1 = arith.constant 0 : i32
    %scan3A_2 = arith.constant 1250 : i32
    %scan3A_3 = arith.addi %scan3A_1, %scan3A_2 : i32
    %scan3A_4 = arith.constant 1 : i32
    scf.for %scan3A_28 = %scan3A_1 to %scan3A_3 step %scan3A_4  : i32 {
      %broadcast_in_dim3A = arith.constant 0.000000e+00 : f32
      %broadcast_in_dim3A_29 = vector.broadcast %broadcast_in_dim3A : f32 to vector<16xf32>
      %swap3A = arith.index_cast %scan3A_28 : i32 to index
      %swap3A_30 = arith.constant 0 : index
      %swap3A_31 = tpu.vector_load %arg7[%swap3A, %swap3A_30] {strides = array<i32>} : memref<1250x16xf32, #tpu.memory_space<vmem>>, vector<1x16xf32>,
      %swap3A_32 = vector.shape_cast %swap3A_31 : vector<1x16xf32> to vector<16xf32>
      %swap3A_33 = vector.shape_cast %broadcast_in_dim3A_29 : vector<16xf32> to vector<1x16xf32>
      tpu.vector_store %arg7[%swap3A, %swap3A_30], %swap3A_33 {strides = array<i32>} : memref<1250x16xf32, #tpu.memory_space<vmem>>, vector<1x16xf32>,
    }
    %scan3A_5 = arith.constant 1250 : i32
    %mul3A_6 = arith.constant 1250 : i32
    %mul3A_7 = arith.muli %arg1, %mul3A_6 : i32
    "tpu.region"() ({
      %run_scoped3A = tpu.sem_alloc : memref<!tpu.dma_semaphore, #tpu.memory_space<semaphore_mem>>
      %dma_start3A = arith.constant 0 : i32
      %dma_start3A_28 = tpu.memref_slice %arg8[%mul3A_7, %dma_start3A] : memref<20000x16xf32, #tpu.memory_space<vmem_shared>> -> memref<1250x16xf32, #tpu.memory_space<vmem_shared>>
      %dma_start3A_29 = arith.constant 0 : i32
      %dma_start3A_30 = tpu.memref_slice %arg8[%mul3A_7, %dma_start3A_29] : memref<20000x16xf32, #tpu.memory_space<vmem_shared>> -> memref<1250x16xf32, #tpu.memory_space<vmem_shared>>
      tpu.enqueue_dma source(%arg7 : memref<1250x16xf32, #tpu.memory_space<vmem>>) target(%dma_start3A_30 : memref<1250x16xf32, #tpu.memory_space<vmem_shared>>) target_semaphore(%run_scoped3A : memref<!tpu.dma_semaphore, #tpu.memory_space<semaphore_mem>>)
      %dma_wait3A = arith.constant 0 : i32
      %dma_wait3A_31 = tpu.memref_slice %arg8[%mul3A_7, %dma_wait3A] : memref<20000x16xf32, #tpu.memory_space<vmem_shared>> -> memref<1250x16xf32, #tpu.memory_space<vmem_shared>>
      %dma_wait3A_32 = arith.constant 0 : i32
      %dma_wait3A_33 = tpu.memref_slice %arg8[%mul3A_7, %dma_wait3A_32] : memref<20000x16xf32, #tpu.memory_space<vmem_shared>> -> memref<1250x16xf32, #tpu.memory_space<vmem_shared>>
      tpu.wait_dma2 semaphore(%run_scoped3A : memref<!tpu.dma_semaphore, #tpu.memory_space<semaphore_mem>>) src(%arg7 : memref<1250x16xf32, #tpu.memory_space<vmem>>) dst(%dma_wait3A_33 : memref<1250x16xf32, #tpu.memory_space<vmem_shared>>)
      tpu.yield
    }) : () -> ()
    %barrier3A = arith.constant 0 : index
    tpu.barrier barrier_id(%barrier3A)
    %mul3A_8 = arith.constant 39 : i32
    %mul3A_9 = arith.muli %add3A, %mul3A_8 : i32
    "tpu.region"() ({
      %run_scoped3A = tpu.sem_alloc : memref<!tpu.dma_semaphore, #tpu.memory_space<semaphore_mem>>
      %dma_start3A = arith.constant 0 : i32
      %dma_start3A_28 = arith.constant 0 : i32
      %dma_start3A_29 = tpu.memref_slice %arg5[%dma_start3A, %dma_start3A_28] : memref<40x128xi32, #tpu.memory_space<vmem>> -> memref<39x128xi32, #tpu.memory_space<vmem>>
      %dma_start3A_30 = arith.constant 0 : i32
      %dma_start3A_31 = tpu.memref_slice %arg3[%mul3A_9, %dma_start3A_30] : memref<1250x128xi32, #tpu.memory_space<hbm>> -> memref<39x128xi32, #tpu.memory_space<hbm>>
      %dma_start3A_32 = arith.constant 0 : i32
      %dma_start3A_33 = arith.constant 0 : i32
      %dma_start3A_34 = tpu.memref_slice %arg5[%dma_start3A_32, %dma_start3A_33] : memref<40x128xi32, #tpu.memory_space<vmem>> -> memref<39x128xi32, #tpu.memory_space<vmem>>
      %dma_start3A_35 = arith.constant 0 : i32
      %dma_start3A_36 = tpu.memref_slice %arg3[%mul3A_9, %dma_start3A_35] : memref<1250x128xi32, #tpu.memory_space<hbm>> -> memref<39x128xi32, #tpu.memory_space<hbm>>
      tpu.enqueue_dma source(%dma_start3A_36 : memref<39x128xi32, #tpu.memory_space<hbm>>) target(%dma_start3A_34 : memref<39x128xi32, #tpu.memory_space<vmem>>) target_semaphore(%run_scoped3A : memref<!tpu.dma_semaphore, #tpu.memory_space<semaphore_mem>>)
      %dma_wait3A = arith.constant 0 : i32
      %dma_wait3A_37 = arith.constant 0 : i32
      %dma_wait3A_38 = tpu.memref_slice %arg5[%dma_wait3A, %dma_wait3A_37] : memref<40x128xi32, #tpu.memory_space<vmem>> -> memref<39x128xi32, #tpu.memory_space<vmem>>
      %dma_wait3A_39 = arith.constant 0 : i32
      %dma_wait3A_40 = tpu.memref_slice %arg3[%mul3A_9, %dma_wait3A_39] : memref<1250x128xi32, #tpu.memory_space<hbm>> -> memref<39x128xi32, #tpu.memory_space<hbm>>
      %dma_wait3A_41 = arith.constant 0 : i32
      %dma_wait3A_42 = arith.constant 0 : i32
      %dma_wait3A_43 = tpu.memref_slice %arg5[%dma_wait3A_41, %dma_wait3A_42] : memref<40x128xi32, #tpu.memory_space<vmem>> -> memref<39x128xi32, #tpu.memory_space<vmem>>
      %dma_wait3A_44 = arith.constant 0 : i32
      %dma_wait3A_45 = tpu.memref_slice %arg3[%mul3A_9, %dma_wait3A_44] : memref<1250x128xi32, #tpu.memory_space<hbm>> -> memref<39x128xi32, #tpu.memory_space<hbm>>
      tpu.wait_dma2 semaphore(%run_scoped3A : memref<!tpu.dma_semaphore, #tpu.memory_space<semaphore_mem>>) src(%dma_wait3A_45 : memref<39x128xi32, #tpu.memory_space<hbm>>) dst(%dma_wait3A_43 : memref<39x128xi32, #tpu.memory_space<vmem>>)
      tpu.yield
    }) : () -> ()
    %lt3A = arith.constant 2 : i32
    %lt3A_10 = arith.cmpi slt, %add3A, %lt3A : i32
    %convert_element_type3A = arith.extui %lt3A_10 : i1 to i32
    %cond3A = arith.constant 0 : i32
    %cond3A_11 = arith.cmpi ne, %convert_element_type3A, %cond3A : i32
    scf.if %cond3A_11 {
      %add3A_28 = arith.constant 1248 : i32
      %add3A_29 = arith.addi %add3A_28, %add3A : i32
      "tpu.region"() ({
        %run_scoped3A = tpu.sem_alloc : memref<!tpu.dma_semaphore, #tpu.memory_space<semaphore_mem>>
        %dma_start3A = arith.constant 39 : i32
        %dma_start3A_30 = arith.constant 0 : i32
        %dma_start3A_31 = tpu.memref_slice %arg5[%dma_start3A, %dma_start3A_30] : memref<40x128xi32, #tpu.memory_space<vmem>> -> memref<1x128xi32, #tpu.memory_space<vmem>>
        %dma_start3A_32 = arith.constant 0 : i32
        %dma_start3A_33 = tpu.memref_slice %arg3[%add3A_29, %dma_start3A_32] : memref<1250x128xi32, #tpu.memory_space<hbm>> -> memref<1x128xi32, #tpu.memory_space<hbm>>
        %dma_start3A_34 = arith.constant 39 : i32
        %dma_start3A_35 = arith.constant 0 : i32
        %dma_start3A_36 = tpu.memref_slice %arg5[%dma_start3A_34, %dma_start3A_35] : memref<40x128xi32, #tpu.memory_space<vmem>> -> memref<1x128xi32, #tpu.memory_space<vmem>>
        %dma_start3A_37 = arith.constant 0 : i32
        %dma_start3A_38 = tpu.memref_slice %arg3[%add3A_29, %dma_start3A_37] : memref<1250x128xi32, #tpu.memory_space<hbm>> -> memref<1x128xi32, #tpu.memory_space<hbm>>
        tpu.enqueue_dma source(%dma_start3A_38 : memref<1x128xi32, #tpu.memory_space<hbm>>) target(%dma_start3A_36 : memref<1x128xi32, #tpu.memory_space<vmem>>) target_semaphore(%run_scoped3A : memref<!tpu.dma_semaphore, #tpu.memory_space<semaphore_mem>>)
        %dma_wait3A = arith.constant 39 : i32
        %dma_wait3A_39 = arith.constant 0 : i32
        %dma_wait3A_40 = tpu.memref_slice %arg5[%dma_wait3A, %dma_wait3A_39] : memref<40x128xi32, #tpu.memory_space<vmem>> -> memref<1x128xi32, #tpu.memory_space<vmem>>
        %dma_wait3A_41 = arith.constant 0 : i32
        %dma_wait3A_42 = tpu.memref_slice %arg3[%add3A_29, %dma_wait3A_41] : memref<1250x128xi32, #tpu.memory_space<hbm>> -> memref<1x128xi32, #tpu.memory_space<hbm>>
        %dma_wait3A_43 = arith.constant 39 : i32
        %dma_wait3A_44 = arith.constant 0 : i32
        %dma_wait3A_45 = tpu.memref_slice %arg5[%dma_wait3A_43, %dma_wait3A_44] : memref<40x128xi32, #tpu.memory_space<vmem>> -> memref<1x128xi32, #tpu.memory_space<vmem>>
        %dma_wait3A_46 = arith.constant 0 : i32
        %dma_wait3A_47 = tpu.memref_slice %arg3[%add3A_29, %dma_wait3A_46] : memref<1250x128xi32, #tpu.memory_space<hbm>> -> memref<1x128xi32, #tpu.memory_space<hbm>>
        tpu.wait_dma2 semaphore(%run_scoped3A : memref<!tpu.dma_semaphore, #tpu.memory_space<semaphore_mem>>) src(%dma_wait3A_47 : memref<1x128xi32, #tpu.memory_space<hbm>>) dst(%dma_wait3A_45 : memref<1x128xi32, #tpu.memory_space<vmem>>)
        tpu.yield
      }) : () -> ()
    } else {
    }
    %scan3A_12 = arith.constant 0 : i32
    %scan3A_13 = arith.constant 0 : i32
    %scan3A_14 = arith.constant 39 : i32
    %scan3A_15 = arith.addi %scan3A_13, %scan3A_14 : i32
    %scan3A_16 = arith.constant 1 : i32
    scf.for %scan3A_28 = %scan3A_13 to %scan3A_15 step %scan3A_16  : i32 {
      %add3A_29 = arith.addi %mul3A_9, %scan3A_28 : i32
      %mul3A_30 = arith.constant 128 : i32
      %mul3A_31 = arith.muli %add3A_29, %mul3A_30 : i32
      "tpu.region"() ({
        %run_scoped3A = tpu.sem_alloc : memref<!tpu.dma_semaphore, #tpu.memory_space<semaphore_mem>>
        %dma_start3A = arith.constant 0 : i32
        %dma_start3A_32 = tpu.memref_slice %arg2[%mul3A_31, %dma_start3A] : memref<160000x16xf32, #tpu.memory_space<hbm>> -> memref<128x16xf32, #tpu.memory_space<hbm>>
        %dma_start3A_33 = arith.constant 0 : i32
        %dma_start3A_34 = tpu.memref_slice %arg2[%mul3A_31, %dma_start3A_33] : memref<160000x16xf32, #tpu.memory_space<hbm>> -> memref<128x16xf32, #tpu.memory_space<hbm>>
        tpu.enqueue_dma source(%dma_start3A_34 : memref<128x16xf32, #tpu.memory_space<hbm>>) target(%arg6 : memref<128x16xf32, #tpu.memory_space<vmem>>) target_semaphore(%run_scoped3A : memref<!tpu.dma_semaphore, #tpu.memory_space<semaphore_mem>>)
        %dma_wait3A = arith.constant 0 : i32
        %dma_wait3A_35 = tpu.memref_slice %arg2[%mul3A_31, %dma_wait3A] : memref<160000x16xf32, #tpu.memory_space<hbm>> -> memref<128x16xf32, #tpu.memory_space<hbm>>
        %dma_wait3A_36 = arith.constant 0 : i32
        %dma_wait3A_37 = tpu.memref_slice %arg2[%mul3A_31, %dma_wait3A_36] : memref<160000x16xf32, #tpu.memory_space<hbm>> -> memref<128x16xf32, #tpu.memory_space<hbm>>
        tpu.wait_dma2 semaphore(%run_scoped3A : memref<!tpu.dma_semaphore, #tpu.memory_space<semaphore_mem>>) src(%dma_wait3A_37 : memref<128x16xf32, #tpu.memory_space<hbm>>) dst(%arg6 : memref<128x16xf32, #tpu.memory_space<vmem>>)
        tpu.yield
      }) : () -> ()
      "tpu.region"() ({
        %run_scoped3A = tpu.sem_alloc : memref<!tpu.dma_semaphore, #tpu.memory_space<semaphore_mem>>
        %dma_start3A = arith.constant 0 : i32
        %dma_start3A_32 = tpu.memref_slice %arg5[%scan3A_28, %dma_start3A] : memref<40x128xi32, #tpu.memory_space<vmem>> -> memref<1x128xi32, #tpu.memory_space<vmem>>
        %dma_start3A_33 = tpu.memref_squeeze %dma_start3A_32 : memref<1x128xi32, #tpu.memory_space<vmem>> -> memref<128xi32, #tpu.memory_space<vmem>>
        %dma_start3A_34 = arith.constant 0 : i32
        %dma_start3A_35 = arith.constant 0 : i32
        %dma_start3A_36 = tpu.memref_slice %arg8[%dma_start3A_34, %dma_start3A_35] : memref<20000x16xf32, #tpu.memory_space<vmem_shared>> -> memref<20000x16xf32, #tpu.memory_space<vmem_shared>>
        tpu.enqueue_indirect_dma source(%arg6 : memref<128x16xf32, #tpu.memory_space<vmem>>) target(%dma_start3A_36 : memref<20000x16xf32, #tpu.memory_space<vmem_shared>>) offsets(%dma_start3A_33 : memref<128xi32, #tpu.memory_space<vmem>>) semaphore(%run_scoped3A : memref<!tpu.dma_semaphore, #tpu.memory_space<semaphore_mem>>) {add = true}
        %dma_wait3A = arith.constant 0 : i32
        %dma_wait3A_37 = tpu.memref_slice %arg5[%scan3A_28, %dma_wait3A] : memref<40x128xi32, #tpu.memory_space<vmem>> -> memref<1x128xi32, #tpu.memory_space<vmem>>
        %dma_wait3A_38 = tpu.memref_squeeze %dma_wait3A_37 : memref<1x128xi32, #tpu.memory_space<vmem>> -> memref<128xi32, #tpu.memory_space<vmem>>
        %dma_wait3A_39 = arith.constant 0 : i32
        %dma_wait3A_40 = arith.constant 0 : i32
        %dma_wait3A_41 = tpu.memref_slice %arg8[%dma_wait3A_39, %dma_wait3A_40] : memref<20000x16xf32, #tpu.memory_space<vmem_shared>> -> memref<20000x16xf32, #tpu.memory_space<vmem_shared>>
        tpu.wait_indirect_dma semaphore(%run_scoped3A : memref<!tpu.dma_semaphore, #tpu.memory_space<semaphore_mem>>) src(%arg6 : memref<128x16xf32, #tpu.memory_space<vmem>>) dst(%dma_wait3A_41 : memref<20000x16xf32, #tpu.memory_space<vmem_shared>>)
        tpu.yield
      }) : () -> ()
    }
    %scan3A_17 = arith.constant 39 : i32
    %lt3A_18 = arith.constant 2 : i32
    %lt3A_19 = arith.cmpi slt, %add3A, %lt3A_18 : i32
    %convert_element_type3A_20 = arith.extui %lt3A_19 : i1 to i32
    %cond3A_21 = arith.constant 0 : i32
    %cond3A_22 = arith.cmpi ne, %convert_element_type3A_20, %cond3A_21 : i32
    scf.if %cond3A_22 {
      %add3A_28 = arith.constant 1248 : i32
      %add3A_29 = arith.addi %add3A_28, %add3A : i32
      %mul3A_30 = arith.constant 128 : i32
      %mul3A_31 = arith.muli %add3A_29, %mul3A_30 : i32
      "tpu.region"() ({
        %run_scoped3A_32 = tpu.sem_alloc : memref<!tpu.dma_semaphore, #tpu.memory_space<semaphore_mem>>
        %dma_start3A = arith.constant 0 : i32
        %dma_start3A_33 = tpu.memref_slice %arg2[%mul3A_31, %dma_start3A] : memref<160000x16xf32, #tpu.memory_space<hbm>> -> memref<128x16xf32, #tpu.memory_space<hbm>>
        %dma_start3A_34 = arith.constant 0 : i32
        %dma_start3A_35 = tpu.memref_slice %arg2[%mul3A_31, %dma_start3A_34] : memref<160000x16xf32, #tpu.memory_space<hbm>> -> memref<128x16xf32, #tpu.memory_space<hbm>>
        tpu.enqueue_dma source(%dma_start3A_35 : memref<128x16xf32, #tpu.memory_space<hbm>>) target(%arg6 : memref<128x16xf32, #tpu.memory_space<vmem>>) target_semaphore(%run_scoped3A_32 : memref<!tpu.dma_semaphore, #tpu.memory_space<semaphore_mem>>)
        %dma_wait3A = arith.constant 0 : i32
        %dma_wait3A_36 = tpu.memref_slice %arg2[%mul3A_31, %dma_wait3A] : memref<160000x16xf32, #tpu.memory_space<hbm>> -> memref<128x16xf32, #tpu.memory_space<hbm>>
        %dma_wait3A_37 = arith.constant 0 : i32
        %dma_wait3A_38 = tpu.memref_slice %arg2[%mul3A_31, %dma_wait3A_37] : memref<160000x16xf32, #tpu.memory_space<hbm>> -> memref<128x16xf32, #tpu.memory_space<hbm>>
        tpu.wait_dma2 semaphore(%run_scoped3A_32 : memref<!tpu.dma_semaphore, #tpu.memory_space<semaphore_mem>>) src(%dma_wait3A_38 : memref<128x16xf32, #tpu.memory_space<hbm>>) dst(%arg6 : memref<128x16xf32, #tpu.memory_space<vmem>>)
        tpu.yield
      }) : () -> ()
      %run_scoped3A = arith.constant 39 : i32
      "tpu.region"() ({
        %run_scoped3A_32 = tpu.sem_alloc : memref<!tpu.dma_semaphore, #tpu.memory_space<semaphore_mem>>
        %dma_start3A = arith.constant 0 : i32
        %dma_start3A_33 = tpu.memref_slice %arg5[%run_scoped3A, %dma_start3A] : memref<40x128xi32, #tpu.memory_space<vmem>> -> memref<1x128xi32, #tpu.memory_space<vmem>>
        %dma_start3A_34 = tpu.memref_squeeze %dma_start3A_33 : memref<1x128xi32, #tpu.memory_space<vmem>> -> memref<128xi32, #tpu.memory_space<vmem>>
        %dma_start3A_35 = arith.constant 0 : i32
        %dma_start3A_36 = arith.constant 0 : i32
        %dma_start3A_37 = tpu.memref_slice %arg8[%dma_start3A_35, %dma_start3A_36] : memref<20000x16xf32, #tpu.memory_space<vmem_shared>> -> memref<20000x16xf32, #tpu.memory_space<vmem_shared>>
        tpu.enqueue_indirect_dma source(%arg6 : memref<128x16xf32, #tpu.memory_space<vmem>>) target(%dma_start3A_37 : memref<20000x16xf32, #tpu.memory_space<vmem_shared>>) offsets(%dma_start3A_34 : memref<128xi32, #tpu.memory_space<vmem>>) semaphore(%run_scoped3A_32 : memref<!tpu.dma_semaphore, #tpu.memory_space<semaphore_mem>>) {add = true}
        %dma_wait3A = arith.constant 0 : i32
        %dma_wait3A_38 = tpu.memref_slice %arg5[%run_scoped3A, %dma_wait3A] : memref<40x128xi32, #tpu.memory_space<vmem>> -> memref<1x128xi32, #tpu.memory_space<vmem>>
        %dma_wait3A_39 = tpu.memref_squeeze %dma_wait3A_38 : memref<1x128xi32, #tpu.memory_space<vmem>> -> memref<128xi32, #tpu.memory_space<vmem>>
        %dma_wait3A_40 = arith.constant 0 : i32
        %dma_wait3A_41 = arith.constant 0 : i32
        %dma_wait3A_42 = tpu.memref_slice %arg8[%dma_wait3A_40, %dma_wait3A_41] : memref<20000x16xf32, #tpu.memory_space<vmem_shared>> -> memref<20000x16xf32, #tpu.memory_space<vmem_shared>>
        tpu.wait_indirect_dma semaphore(%run_scoped3A_32 : memref<!tpu.dma_semaphore, #tpu.memory_space<semaphore_mem>>) src(%arg6 : memref<128x16xf32, #tpu.memory_space<vmem>>) dst(%dma_wait3A_42 : memref<20000x16xf32, #tpu.memory_space<vmem_shared>>)
        tpu.yield
      }) : () -> ()
    } else {
    }
    %barrier3A_23 = arith.constant 0 : index
    tpu.barrier barrier_id(%barrier3A_23)
    %mul3A_24 = arith.constant 1250 : i32
    %mul3A_25 = arith.muli %arg1, %mul3A_24 : i32
    %mul3A_26 = arith.constant 1250 : i32
    %mul3A_27 = arith.muli %arg1, %mul3A_26 : i32
    "tpu.region"() ({
      %run_scoped3A = tpu.sem_alloc : memref<!tpu.dma_semaphore, #tpu.memory_space<semaphore_mem>>
      %dma_start3A = arith.constant 0 : i32
      %dma_start3A_28 = arith.constant 0 : i32
      %dma_start3A_29 = tpu.memref_slice %arg4[%arg0, %dma_start3A, %dma_start3A_28] : memref<2x20000x16xf32, #tpu.memory_space<hbm>> -> memref<1x20000x16xf32, #tpu.memory_space<hbm>>
      %dma_start3A_30 = tpu.memref_squeeze %dma_start3A_29 : memref<1x20000x16xf32, #tpu.memory_space<hbm>> -> memref<20000x16xf32, #tpu.memory_space<hbm>>
      %dma_start3A_31 = arith.constant 0 : i32
      %dma_start3A_32 = tpu.memref_slice %dma_start3A_30[%mul3A_27, %dma_start3A_31] : memref<20000x16xf32, #tpu.memory_space<hbm>> -> memref<1250x16xf32, #tpu.memory_space<hbm>>
      %dma_start3A_33 = arith.constant 0 : i32
      %dma_start3A_34 = tpu.memref_slice %arg8[%mul3A_25, %dma_start3A_33] : memref<20000x16xf32, #tpu.memory_space<vmem_shared>> -> memref<1250x16xf32, #tpu.memory_space<vmem_shared>>
      tpu.enqueue_dma source(%dma_start3A_34 : memref<1250x16xf32, #tpu.memory_space<vmem_shared>>) target(%dma_start3A_32 : memref<1250x16xf32, #tpu.memory_space<hbm>>) target_semaphore(%run_scoped3A : memref<!tpu.dma_semaphore, #tpu.memory_space<semaphore_mem>>)
      %dma_wait3A = arith.constant 0 : i32
      %dma_wait3A_35 = arith.constant 0 : i32
      %dma_wait3A_36 = tpu.memref_slice %arg4[%arg0, %dma_wait3A, %dma_wait3A_35] : memref<2x20000x16xf32, #tpu.memory_space<hbm>> -> memref<1x20000x16xf32, #tpu.memory_space<hbm>>
      %dma_wait3A_37 = tpu.memref_squeeze %dma_wait3A_36 : memref<1x20000x16xf32, #tpu.memory_space<hbm>> -> memref<20000x16xf32, #tpu.memory_space<hbm>>
      %dma_wait3A_38 = arith.constant 0 : i32
      %dma_wait3A_39 = tpu.memref_slice %dma_wait3A_37[%mul3A_27, %dma_wait3A_38] : memref<20000x16xf32, #tpu.memory_space<hbm>> -> memref<1250x16xf32, #tpu.memory_space<hbm>>
      %dma_wait3A_40 = arith.constant 0 : i32
      %dma_wait3A_41 = tpu.memref_slice %arg8[%mul3A_25, %dma_wait3A_40] : memref<20000x16xf32, #tpu.memory_space<vmem_shared>> -> memref<1250x16xf32, #tpu.memory_space<vmem_shared>>
      tpu.wait_dma2 semaphore(%run_scoped3A : memref<!tpu.dma_semaphore, #tpu.memory_space<semaphore_mem>>) src(%dma_wait3A_41 : memref<1250x16xf32, #tpu.memory_space<vmem_shared>>) dst(%dma_wait3A_39 : memref<1250x16xf32, #tpu.memory_space<hbm>>)
      tpu.yield
    }) : () -> ()
    return
  }
}

#map = affine_map<(d0, d1) -> (0, 0)>
module attributes {stable_mosaic.version = 14 : i64} {
  func.func @k(%arg0: i32, %arg1: i32, %arg2: memref<20000x32xf32, #tpu.memory_space<hbm>>, %arg3: memref<2500x128xi32, #tpu.memory_space<hbm>>, %arg4: memref<320000x32xf32, #tpu.memory_space<hbm>>, %arg5: memref<79x128xi32, #tpu.memory_space<vmem>>, %arg6: memref<128x32xf32, #tpu.memory_space<vmem>>, %arg7: memref<!tpu.dma_semaphore, #tpu.memory_space<semaphore_mem>>) attributes {dimension_semantics = [#tpu.dimension_semantics<core_parallel>, #tpu.dimension_semantics<subcore_parallel>], iteration_bounds = array<i64: 2, 16>, scalar_prefetch = 0 : i64, scratch_operands = 3 : i64, tpu.core_type = #tpu.core_type<sc_vector_subcore>, window_params = [{transform_indices = #map}, {transform_indices = #map}, {transform_indices = #map}]} {
    %mul3A = arith.constant 2 : i32
    %mul3A_0 = arith.muli %arg1, %mul3A : i32
    %add3A = arith.addi %mul3A_0, %arg0 : i32
    %mul3A_1 = arith.constant 78 : i32
    %mul3A_2 = arith.muli %add3A, %mul3A_1 : i32
    "tpu.region"() ({
      %run_scoped3A = tpu.sem_alloc : memref<!tpu.dma_semaphore, #tpu.memory_space<semaphore_mem>>
      %dma_start3A = arith.constant 0 : i32
      %dma_start3A_15 = arith.constant 0 : i32
      %dma_start3A_16 = tpu.memref_slice %arg5[%dma_start3A, %dma_start3A_15] : memref<79x128xi32, #tpu.memory_space<vmem>> -> memref<78x128xi32, #tpu.memory_space<vmem>>
      %dma_start3A_17 = arith.constant 0 : i32
      %dma_start3A_18 = tpu.memref_slice %arg3[%mul3A_2, %dma_start3A_17] : memref<2500x128xi32, #tpu.memory_space<hbm>> -> memref<78x128xi32, #tpu.memory_space<hbm>>
      %dma_start3A_19 = arith.constant 0 : i32
      %dma_start3A_20 = arith.constant 0 : i32
      %dma_start3A_21 = tpu.memref_slice %arg5[%dma_start3A_19, %dma_start3A_20] : memref<79x128xi32, #tpu.memory_space<vmem>> -> memref<78x128xi32, #tpu.memory_space<vmem>>
      %dma_start3A_22 = arith.constant 0 : i32
      %dma_start3A_23 = tpu.memref_slice %arg3[%mul3A_2, %dma_start3A_22] : memref<2500x128xi32, #tpu.memory_space<hbm>> -> memref<78x128xi32, #tpu.memory_space<hbm>>
      tpu.enqueue_dma source(%dma_start3A_23 : memref<78x128xi32, #tpu.memory_space<hbm>>) target(%dma_start3A_21 : memref<78x128xi32, #tpu.memory_space<vmem>>) target_semaphore(%run_scoped3A : memref<!tpu.dma_semaphore, #tpu.memory_space<semaphore_mem>>)
      %dma_wait3A = arith.constant 0 : i32
      %dma_wait3A_24 = arith.constant 0 : i32
      %dma_wait3A_25 = tpu.memref_slice %arg5[%dma_wait3A, %dma_wait3A_24] : memref<79x128xi32, #tpu.memory_space<vmem>> -> memref<78x128xi32, #tpu.memory_space<vmem>>
      %dma_wait3A_26 = arith.constant 0 : i32
      %dma_wait3A_27 = tpu.memref_slice %arg3[%mul3A_2, %dma_wait3A_26] : memref<2500x128xi32, #tpu.memory_space<hbm>> -> memref<78x128xi32, #tpu.memory_space<hbm>>
      %dma_wait3A_28 = arith.constant 0 : i32
      %dma_wait3A_29 = arith.constant 0 : i32
      %dma_wait3A_30 = tpu.memref_slice %arg5[%dma_wait3A_28, %dma_wait3A_29] : memref<79x128xi32, #tpu.memory_space<vmem>> -> memref<78x128xi32, #tpu.memory_space<vmem>>
      %dma_wait3A_31 = arith.constant 0 : i32
      %dma_wait3A_32 = tpu.memref_slice %arg3[%mul3A_2, %dma_wait3A_31] : memref<2500x128xi32, #tpu.memory_space<hbm>> -> memref<78x128xi32, #tpu.memory_space<hbm>>
      tpu.wait_dma2 semaphore(%run_scoped3A : memref<!tpu.dma_semaphore, #tpu.memory_space<semaphore_mem>>) src(%dma_wait3A_32 : memref<78x128xi32, #tpu.memory_space<hbm>>) dst(%dma_wait3A_30 : memref<78x128xi32, #tpu.memory_space<vmem>>)
      tpu.yield
    }) : () -> ()
    %lt3A = arith.constant 4 : i32
    %lt3A_3 = arith.cmpi slt, %add3A, %lt3A : i32
    %convert_element_type3A = arith.extui %lt3A_3 : i1 to i32
    %cond3A = arith.constant 0 : i32
    %cond3A_4 = arith.cmpi ne, %convert_element_type3A, %cond3A : i32
    scf.if %cond3A_4 {
      %add3A_15 = arith.constant 2496 : i32
      %add3A_16 = arith.addi %add3A_15, %add3A : i32
      "tpu.region"() ({
        %run_scoped3A = tpu.sem_alloc : memref<!tpu.dma_semaphore, #tpu.memory_space<semaphore_mem>>
        %dma_start3A = arith.constant 78 : i32
        %dma_start3A_17 = arith.constant 0 : i32
        %dma_start3A_18 = tpu.memref_slice %arg5[%dma_start3A, %dma_start3A_17] : memref<79x128xi32, #tpu.memory_space<vmem>> -> memref<1x128xi32, #tpu.memory_space<vmem>>
        %dma_start3A_19 = arith.constant 0 : i32
        %dma_start3A_20 = tpu.memref_slice %arg3[%add3A_16, %dma_start3A_19] : memref<2500x128xi32, #tpu.memory_space<hbm>> -> memref<1x128xi32, #tpu.memory_space<hbm>>
        %dma_start3A_21 = arith.constant 78 : i32
        %dma_start3A_22 = arith.constant 0 : i32
        %dma_start3A_23 = tpu.memref_slice %arg5[%dma_start3A_21, %dma_start3A_22] : memref<79x128xi32, #tpu.memory_space<vmem>> -> memref<1x128xi32, #tpu.memory_space<vmem>>
        %dma_start3A_24 = arith.constant 0 : i32
        %dma_start3A_25 = tpu.memref_slice %arg3[%add3A_16, %dma_start3A_24] : memref<2500x128xi32, #tpu.memory_space<hbm>> -> memref<1x128xi32, #tpu.memory_space<hbm>>
        tpu.enqueue_dma source(%dma_start3A_25 : memref<1x128xi32, #tpu.memory_space<hbm>>) target(%dma_start3A_23 : memref<1x128xi32, #tpu.memory_space<vmem>>) target_semaphore(%run_scoped3A : memref<!tpu.dma_semaphore, #tpu.memory_space<semaphore_mem>>)
        %dma_wait3A = arith.constant 78 : i32
        %dma_wait3A_26 = arith.constant 0 : i32
        %dma_wait3A_27 = tpu.memref_slice %arg5[%dma_wait3A, %dma_wait3A_26] : memref<79x128xi32, #tpu.memory_space<vmem>> -> memref<1x128xi32, #tpu.memory_space<vmem>>
        %dma_wait3A_28 = arith.constant 0 : i32
        %dma_wait3A_29 = tpu.memref_slice %arg3[%add3A_16, %dma_wait3A_28] : memref<2500x128xi32, #tpu.memory_space<hbm>> -> memref<1x128xi32, #tpu.memory_space<hbm>>
        %dma_wait3A_30 = arith.constant 78 : i32
        %dma_wait3A_31 = arith.constant 0 : i32
        %dma_wait3A_32 = tpu.memref_slice %arg5[%dma_wait3A_30, %dma_wait3A_31] : memref<79x128xi32, #tpu.memory_space<vmem>> -> memref<1x128xi32, #tpu.memory_space<vmem>>
        %dma_wait3A_33 = arith.constant 0 : i32
        %dma_wait3A_34 = tpu.memref_slice %arg3[%add3A_16, %dma_wait3A_33] : memref<2500x128xi32, #tpu.memory_space<hbm>> -> memref<1x128xi32, #tpu.memory_space<hbm>>
        tpu.wait_dma2 semaphore(%run_scoped3A : memref<!tpu.dma_semaphore, #tpu.memory_space<semaphore_mem>>) src(%dma_wait3A_34 : memref<1x128xi32, #tpu.memory_space<hbm>>) dst(%dma_wait3A_32 : memref<1x128xi32, #tpu.memory_space<vmem>>)
        tpu.yield
      }) : () -> ()
    } else {
    }
    %scan3A = arith.constant 0 : i32
    %scan3A_5 = arith.constant 0 : i32
    %scan3A_6 = arith.constant 78 : i32
    %scan3A_7 = arith.addi %scan3A_5, %scan3A_6 : i32
    %scan3A_8 = arith.constant 1 : i32
    scf.for %scan3A_15 = %scan3A_5 to %scan3A_7 step %scan3A_8  : i32 {
      %dma_start3A = arith.constant 0 : i32
      %dma_start3A_16 = tpu.memref_slice %arg5[%scan3A_15, %dma_start3A] : memref<79x128xi32, #tpu.memory_space<vmem>> -> memref<1x128xi32, #tpu.memory_space<vmem>>
      %dma_start3A_17 = tpu.memref_squeeze %dma_start3A_16 : memref<1x128xi32, #tpu.memory_space<vmem>> -> memref<128xi32, #tpu.memory_space<vmem>>
      %dma_start3A_18 = arith.constant 0 : i32
      %dma_start3A_19 = arith.constant 0 : i32
      %dma_start3A_20 = tpu.memref_slice %arg2[%dma_start3A_18, %dma_start3A_19] : memref<20000x32xf32, #tpu.memory_space<hbm>> -> memref<20000x32xf32, #tpu.memory_space<hbm>>
      tpu.enqueue_indirect_dma source(%dma_start3A_20 : memref<20000x32xf32, #tpu.memory_space<hbm>>) target(%arg6 : memref<128x32xf32, #tpu.memory_space<vmem>>) offsets(%dma_start3A_17 : memref<128xi32, #tpu.memory_space<vmem>>) semaphore(%arg7 : memref<!tpu.dma_semaphore, #tpu.memory_space<semaphore_mem>>)
      %dma_wait3A = arith.constant 0 : i32
      %dma_wait3A_21 = tpu.memref_slice %arg5[%scan3A_15, %dma_wait3A] : memref<79x128xi32, #tpu.memory_space<vmem>> -> memref<1x128xi32, #tpu.memory_space<vmem>>
      %dma_wait3A_22 = tpu.memref_squeeze %dma_wait3A_21 : memref<1x128xi32, #tpu.memory_space<vmem>> -> memref<128xi32, #tpu.memory_space<vmem>>
      %dma_wait3A_23 = arith.constant 0 : i32
      %dma_wait3A_24 = arith.constant 0 : i32
      %dma_wait3A_25 = tpu.memref_slice %arg2[%dma_wait3A_23, %dma_wait3A_24] : memref<20000x32xf32, #tpu.memory_space<hbm>> -> memref<20000x32xf32, #tpu.memory_space<hbm>>
      tpu.wait_indirect_dma semaphore(%arg7 : memref<!tpu.dma_semaphore, #tpu.memory_space<semaphore_mem>>) src(%dma_wait3A_25 : memref<20000x32xf32, #tpu.memory_space<hbm>>) dst(%arg6 : memref<128x32xf32, #tpu.memory_space<vmem>>)
      %add3A_26 = arith.addi %mul3A_2, %scan3A_15 : i32
      %mul3A_27 = arith.constant 128 : i32
      %mul3A_28 = arith.muli %add3A_26, %mul3A_27 : i32
      "tpu.region"() ({
        %run_scoped3A = tpu.sem_alloc : memref<!tpu.dma_semaphore, #tpu.memory_space<semaphore_mem>>
        %dma_start3A_29 = arith.constant 0 : i32
        %dma_start3A_30 = tpu.memref_slice %arg4[%mul3A_28, %dma_start3A_29] : memref<320000x32xf32, #tpu.memory_space<hbm>> -> memref<128x32xf32, #tpu.memory_space<hbm>>
        %dma_start3A_31 = arith.constant 0 : i32
        %dma_start3A_32 = tpu.memref_slice %arg4[%mul3A_28, %dma_start3A_31] : memref<320000x32xf32, #tpu.memory_space<hbm>> -> memref<128x32xf32, #tpu.memory_space<hbm>>
        tpu.enqueue_dma source(%arg6 : memref<128x32xf32, #tpu.memory_space<vmem>>) target(%dma_start3A_32 : memref<128x32xf32, #tpu.memory_space<hbm>>) target_semaphore(%run_scoped3A : memref<!tpu.dma_semaphore, #tpu.memory_space<semaphore_mem>>)
        %dma_wait3A_33 = arith.constant 0 : i32
        %dma_wait3A_34 = tpu.memref_slice %arg4[%mul3A_28, %dma_wait3A_33] : memref<320000x32xf32, #tpu.memory_space<hbm>> -> memref<128x32xf32, #tpu.memory_space<hbm>>
        %dma_wait3A_35 = arith.constant 0 : i32
        %dma_wait3A_36 = tpu.memref_slice %arg4[%mul3A_28, %dma_wait3A_35] : memref<320000x32xf32, #tpu.memory_space<hbm>> -> memref<128x32xf32, #tpu.memory_space<hbm>>
        tpu.wait_dma2 semaphore(%run_scoped3A : memref<!tpu.dma_semaphore, #tpu.memory_space<semaphore_mem>>) src(%arg6 : memref<128x32xf32, #tpu.memory_space<vmem>>) dst(%dma_wait3A_36 : memref<128x32xf32, #tpu.memory_space<hbm>>)
        tpu.yield
      }) : () -> ()
    }
    %scan3A_9 = arith.constant 78 : i32
    %lt3A_10 = arith.constant 4 : i32
    %lt3A_11 = arith.cmpi slt, %add3A, %lt3A_10 : i32
    %convert_element_type3A_12 = arith.extui %lt3A_11 : i1 to i32
    %cond3A_13 = arith.constant 0 : i32
    %cond3A_14 = arith.cmpi ne, %convert_element_type3A_12, %cond3A_13 : i32
    scf.if %cond3A_14 {
      %dma_start3A = arith.constant 78 : i32
      %dma_start3A_15 = arith.constant 0 : i32
      %dma_start3A_16 = tpu.memref_slice %arg5[%dma_start3A, %dma_start3A_15] : memref<79x128xi32, #tpu.memory_space<vmem>> -> memref<1x128xi32, #tpu.memory_space<vmem>>
      %dma_start3A_17 = tpu.memref_squeeze %dma_start3A_16 : memref<1x128xi32, #tpu.memory_space<vmem>> -> memref<128xi32, #tpu.memory_space<vmem>>
      %dma_start3A_18 = arith.constant 0 : i32
      %dma_start3A_19 = arith.constant 0 : i32
      %dma_start3A_20 = tpu.memref_slice %arg2[%dma_start3A_18, %dma_start3A_19] : memref<20000x32xf32, #tpu.memory_space<hbm>> -> memref<20000x32xf32, #tpu.memory_space<hbm>>
      tpu.enqueue_indirect_dma source(%dma_start3A_20 : memref<20000x32xf32, #tpu.memory_space<hbm>>) target(%arg6 : memref<128x32xf32, #tpu.memory_space<vmem>>) offsets(%dma_start3A_17 : memref<128xi32, #tpu.memory_space<vmem>>) semaphore(%arg7 : memref<!tpu.dma_semaphore, #tpu.memory_space<semaphore_mem>>)
      %dma_wait3A = arith.constant 78 : i32
      %dma_wait3A_21 = arith.constant 0 : i32
      %dma_wait3A_22 = tpu.memref_slice %arg5[%dma_wait3A, %dma_wait3A_21] : memref<79x128xi32, #tpu.memory_space<vmem>> -> memref<1x128xi32, #tpu.memory_space<vmem>>
      %dma_wait3A_23 = tpu.memref_squeeze %dma_wait3A_22 : memref<1x128xi32, #tpu.memory_space<vmem>> -> memref<128xi32, #tpu.memory_space<vmem>>
      %dma_wait3A_24 = arith.constant 0 : i32
      %dma_wait3A_25 = arith.constant 0 : i32
      %dma_wait3A_26 = tpu.memref_slice %arg2[%dma_wait3A_24, %dma_wait3A_25] : memref<20000x32xf32, #tpu.memory_space<hbm>> -> memref<20000x32xf32, #tpu.memory_space<hbm>>
      tpu.wait_indirect_dma semaphore(%arg7 : memref<!tpu.dma_semaphore, #tpu.memory_space<semaphore_mem>>) src(%dma_wait3A_26 : memref<20000x32xf32, #tpu.memory_space<hbm>>) dst(%arg6 : memref<128x32xf32, #tpu.memory_space<vmem>>)
      %add3A_27 = arith.constant 2496 : i32
      %add3A_28 = arith.addi %add3A_27, %add3A : i32
      %mul3A_29 = arith.constant 128 : i32
      %mul3A_30 = arith.muli %add3A_28, %mul3A_29 : i32
      "tpu.region"() ({
        %run_scoped3A = tpu.sem_alloc : memref<!tpu.dma_semaphore, #tpu.memory_space<semaphore_mem>>
        %dma_start3A_31 = arith.constant 0 : i32
        %dma_start3A_32 = tpu.memref_slice %arg4[%mul3A_30, %dma_start3A_31] : memref<320000x32xf32, #tpu.memory_space<hbm>> -> memref<128x32xf32, #tpu.memory_space<hbm>>
        %dma_start3A_33 = arith.constant 0 : i32
        %dma_start3A_34 = tpu.memref_slice %arg4[%mul3A_30, %dma_start3A_33] : memref<320000x32xf32, #tpu.memory_space<hbm>> -> memref<128x32xf32, #tpu.memory_space<hbm>>
        tpu.enqueue_dma source(%arg6 : memref<128x32xf32, #tpu.memory_space<vmem>>) target(%dma_start3A_34 : memref<128x32xf32, #tpu.memory_space<hbm>>) target_semaphore(%run_scoped3A : memref<!tpu.dma_semaphore, #tpu.memory_space<semaphore_mem>>)
        %dma_wait3A_35 = arith.constant 0 : i32
        %dma_wait3A_36 = tpu.memref_slice %arg4[%mul3A_30, %dma_wait3A_35] : memref<320000x32xf32, #tpu.memory_space<hbm>> -> memref<128x32xf32, #tpu.memory_space<hbm>>
        %dma_wait3A_37 = arith.constant 0 : i32
        %dma_wait3A_38 = tpu.memref_slice %arg4[%mul3A_30, %dma_wait3A_37] : memref<320000x32xf32, #tpu.memory_space<hbm>> -> memref<128x32xf32, #tpu.memory_space<hbm>>
        tpu.wait_dma2 semaphore(%run_scoped3A : memref<!tpu.dma_semaphore, #tpu.memory_space<semaphore_mem>>) src(%arg6 : memref<128x32xf32, #tpu.memory_space<vmem>>) dst(%dma_wait3A_38 : memref<128x32xf32, #tpu.memory_space<hbm>>)
        tpu.yield
      }) : () -> ()
    } else {
    }
    return
  }
}

#map = affine_map<(d0, d1) -> (0, 0)>
module attributes {stable_mosaic.version = 14 : i64} {
  func.func @k(%arg0: i32, %arg1: i32, %arg2: memref<20000x16xf32, #tpu.memory_space<hbm>>, %arg3: memref<1250x128xi32, #tpu.memory_space<hbm>>, %arg4: memref<160000x16xf32, #tpu.memory_space<hbm>>, %arg5: memref<40x128xi32, #tpu.memory_space<vmem>>, %arg6: memref<128x16xf32, #tpu.memory_space<vmem>>, %arg7: memref<!tpu.dma_semaphore, #tpu.memory_space<semaphore_mem>>) attributes {dimension_semantics = [#tpu.dimension_semantics<core_parallel>, #tpu.dimension_semantics<subcore_parallel>], iteration_bounds = array<i64: 2, 16>, scalar_prefetch = 0 : i64, scratch_operands = 3 : i64, tpu.core_type = #tpu.core_type<sc_vector_subcore>, window_params = [{transform_indices = #map}, {transform_indices = #map}, {transform_indices = #map}]} {
    %mul3A = arith.constant 2 : i32
    %mul3A_0 = arith.muli %arg1, %mul3A : i32
    %add3A = arith.addi %mul3A_0, %arg0 : i32
    %mul3A_1 = arith.constant 39 : i32
    %mul3A_2 = arith.muli %add3A, %mul3A_1 : i32
    "tpu.region"() ({
      %run_scoped3A = tpu.sem_alloc : memref<!tpu.dma_semaphore, #tpu.memory_space<semaphore_mem>>
      %dma_start3A = arith.constant 0 : i32
      %dma_start3A_15 = arith.constant 0 : i32
      %dma_start3A_16 = tpu.memref_slice %arg5[%dma_start3A, %dma_start3A_15] : memref<40x128xi32, #tpu.memory_space<vmem>> -> memref<39x128xi32, #tpu.memory_space<vmem>>
      %dma_start3A_17 = arith.constant 0 : i32
      %dma_start3A_18 = tpu.memref_slice %arg3[%mul3A_2, %dma_start3A_17] : memref<1250x128xi32, #tpu.memory_space<hbm>> -> memref<39x128xi32, #tpu.memory_space<hbm>>
      %dma_start3A_19 = arith.constant 0 : i32
      %dma_start3A_20 = arith.constant 0 : i32
      %dma_start3A_21 = tpu.memref_slice %arg5[%dma_start3A_19, %dma_start3A_20] : memref<40x128xi32, #tpu.memory_space<vmem>> -> memref<39x128xi32, #tpu.memory_space<vmem>>
      %dma_start3A_22 = arith.constant 0 : i32
      %dma_start3A_23 = tpu.memref_slice %arg3[%mul3A_2, %dma_start3A_22] : memref<1250x128xi32, #tpu.memory_space<hbm>> -> memref<39x128xi32, #tpu.memory_space<hbm>>
      tpu.enqueue_dma source(%dma_start3A_23 : memref<39x128xi32, #tpu.memory_space<hbm>>) target(%dma_start3A_21 : memref<39x128xi32, #tpu.memory_space<vmem>>) target_semaphore(%run_scoped3A : memref<!tpu.dma_semaphore, #tpu.memory_space<semaphore_mem>>)
      %dma_wait3A = arith.constant 0 : i32
      %dma_wait3A_24 = arith.constant 0 : i32
      %dma_wait3A_25 = tpu.memref_slice %arg5[%dma_wait3A, %dma_wait3A_24] : memref<40x128xi32, #tpu.memory_space<vmem>> -> memref<39x128xi32, #tpu.memory_space<vmem>>
      %dma_wait3A_26 = arith.constant 0 : i32
      %dma_wait3A_27 = tpu.memref_slice %arg3[%mul3A_2, %dma_wait3A_26] : memref<1250x128xi32, #tpu.memory_space<hbm>> -> memref<39x128xi32, #tpu.memory_space<hbm>>
      %dma_wait3A_28 = arith.constant 0 : i32
      %dma_wait3A_29 = arith.constant 0 : i32
      %dma_wait3A_30 = tpu.memref_slice %arg5[%dma_wait3A_28, %dma_wait3A_29] : memref<40x128xi32, #tpu.memory_space<vmem>> -> memref<39x128xi32, #tpu.memory_space<vmem>>
      %dma_wait3A_31 = arith.constant 0 : i32
      %dma_wait3A_32 = tpu.memref_slice %arg3[%mul3A_2, %dma_wait3A_31] : memref<1250x128xi32, #tpu.memory_space<hbm>> -> memref<39x128xi32, #tpu.memory_space<hbm>>
      tpu.wait_dma2 semaphore(%run_scoped3A : memref<!tpu.dma_semaphore, #tpu.memory_space<semaphore_mem>>) src(%dma_wait3A_32 : memref<39x128xi32, #tpu.memory_space<hbm>>) dst(%dma_wait3A_30 : memref<39x128xi32, #tpu.memory_space<vmem>>)
      tpu.yield
    }) : () -> ()
    %lt3A = arith.constant 2 : i32
    %lt3A_3 = arith.cmpi slt, %add3A, %lt3A : i32
    %convert_element_type3A = arith.extui %lt3A_3 : i1 to i32
    %cond3A = arith.constant 0 : i32
    %cond3A_4 = arith.cmpi ne, %convert_element_type3A, %cond3A : i32
    scf.if %cond3A_4 {
      %add3A_15 = arith.constant 1248 : i32
      %add3A_16 = arith.addi %add3A_15, %add3A : i32
      "tpu.region"() ({
        %run_scoped3A = tpu.sem_alloc : memref<!tpu.dma_semaphore, #tpu.memory_space<semaphore_mem>>
        %dma_start3A = arith.constant 39 : i32
        %dma_start3A_17 = arith.constant 0 : i32
        %dma_start3A_18 = tpu.memref_slice %arg5[%dma_start3A, %dma_start3A_17] : memref<40x128xi32, #tpu.memory_space<vmem>> -> memref<1x128xi32, #tpu.memory_space<vmem>>
        %dma_start3A_19 = arith.constant 0 : i32
        %dma_start3A_20 = tpu.memref_slice %arg3[%add3A_16, %dma_start3A_19] : memref<1250x128xi32, #tpu.memory_space<hbm>> -> memref<1x128xi32, #tpu.memory_space<hbm>>
        %dma_start3A_21 = arith.constant 39 : i32
        %dma_start3A_22 = arith.constant 0 : i32
        %dma_start3A_23 = tpu.memref_slice %arg5[%dma_start3A_21, %dma_start3A_22] : memref<40x128xi32, #tpu.memory_space<vmem>> -> memref<1x128xi32, #tpu.memory_space<vmem>>
        %dma_start3A_24 = arith.constant 0 : i32
        %dma_start3A_25 = tpu.memref_slice %arg3[%add3A_16, %dma_start3A_24] : memref<1250x128xi32, #tpu.memory_space<hbm>> -> memref<1x128xi32, #tpu.memory_space<hbm>>
        tpu.enqueue_dma source(%dma_start3A_25 : memref<1x128xi32, #tpu.memory_space<hbm>>) target(%dma_start3A_23 : memref<1x128xi32, #tpu.memory_space<vmem>>) target_semaphore(%run_scoped3A : memref<!tpu.dma_semaphore, #tpu.memory_space<semaphore_mem>>)
        %dma_wait3A = arith.constant 39 : i32
        %dma_wait3A_26 = arith.constant 0 : i32
        %dma_wait3A_27 = tpu.memref_slice %arg5[%dma_wait3A, %dma_wait3A_26] : memref<40x128xi32, #tpu.memory_space<vmem>> -> memref<1x128xi32, #tpu.memory_space<vmem>>
        %dma_wait3A_28 = arith.constant 0 : i32
        %dma_wait3A_29 = tpu.memref_slice %arg3[%add3A_16, %dma_wait3A_28] : memref<1250x128xi32, #tpu.memory_space<hbm>> -> memref<1x128xi32, #tpu.memory_space<hbm>>
        %dma_wait3A_30 = arith.constant 39 : i32
        %dma_wait3A_31 = arith.constant 0 : i32
        %dma_wait3A_32 = tpu.memref_slice %arg5[%dma_wait3A_30, %dma_wait3A_31] : memref<40x128xi32, #tpu.memory_space<vmem>> -> memref<1x128xi32, #tpu.memory_space<vmem>>
        %dma_wait3A_33 = arith.constant 0 : i32
        %dma_wait3A_34 = tpu.memref_slice %arg3[%add3A_16, %dma_wait3A_33] : memref<1250x128xi32, #tpu.memory_space<hbm>> -> memref<1x128xi32, #tpu.memory_space<hbm>>
        tpu.wait_dma2 semaphore(%run_scoped3A : memref<!tpu.dma_semaphore, #tpu.memory_space<semaphore_mem>>) src(%dma_wait3A_34 : memref<1x128xi32, #tpu.memory_space<hbm>>) dst(%dma_wait3A_32 : memref<1x128xi32, #tpu.memory_space<vmem>>)
        tpu.yield
      }) : () -> ()
    } else {
    }
    %scan3A = arith.constant 0 : i32
    %scan3A_5 = arith.constant 0 : i32
    %scan3A_6 = arith.constant 39 : i32
    %scan3A_7 = arith.addi %scan3A_5, %scan3A_6 : i32
    %scan3A_8 = arith.constant 1 : i32
    scf.for %scan3A_15 = %scan3A_5 to %scan3A_7 step %scan3A_8  : i32 {
      %dma_start3A = arith.constant 0 : i32
      %dma_start3A_16 = tpu.memref_slice %arg5[%scan3A_15, %dma_start3A] : memref<40x128xi32, #tpu.memory_space<vmem>> -> memref<1x128xi32, #tpu.memory_space<vmem>>
      %dma_start3A_17 = tpu.memref_squeeze %dma_start3A_16 : memref<1x128xi32, #tpu.memory_space<vmem>> -> memref<128xi32, #tpu.memory_space<vmem>>
      %dma_start3A_18 = arith.constant 0 : i32
      %dma_start3A_19 = arith.constant 0 : i32
      %dma_start3A_20 = tpu.memref_slice %arg2[%dma_start3A_18, %dma_start3A_19] : memref<20000x16xf32, #tpu.memory_space<hbm>> -> memref<20000x16xf32, #tpu.memory_space<hbm>>
      tpu.enqueue_indirect_dma source(%dma_start3A_20 : memref<20000x16xf32, #tpu.memory_space<hbm>>) target(%arg6 : memref<128x16xf32, #tpu.memory_space<vmem>>) offsets(%dma_start3A_17 : memref<128xi32, #tpu.memory_space<vmem>>) semaphore(%arg7 : memref<!tpu.dma_semaphore, #tpu.memory_space<semaphore_mem>>)
      %dma_wait3A = arith.constant 0 : i32
      %dma_wait3A_21 = tpu.memref_slice %arg5[%scan3A_15, %dma_wait3A] : memref<40x128xi32, #tpu.memory_space<vmem>> -> memref<1x128xi32, #tpu.memory_space<vmem>>
      %dma_wait3A_22 = tpu.memref_squeeze %dma_wait3A_21 : memref<1x128xi32, #tpu.memory_space<vmem>> -> memref<128xi32, #tpu.memory_space<vmem>>
      %dma_wait3A_23 = arith.constant 0 : i32
      %dma_wait3A_24 = arith.constant 0 : i32
      %dma_wait3A_25 = tpu.memref_slice %arg2[%dma_wait3A_23, %dma_wait3A_24] : memref<20000x16xf32, #tpu.memory_space<hbm>> -> memref<20000x16xf32, #tpu.memory_space<hbm>>
      tpu.wait_indirect_dma semaphore(%arg7 : memref<!tpu.dma_semaphore, #tpu.memory_space<semaphore_mem>>) src(%dma_wait3A_25 : memref<20000x16xf32, #tpu.memory_space<hbm>>) dst(%arg6 : memref<128x16xf32, #tpu.memory_space<vmem>>)
      %add3A_26 = arith.addi %mul3A_2, %scan3A_15 : i32
      %mul3A_27 = arith.constant 128 : i32
      %mul3A_28 = arith.muli %add3A_26, %mul3A_27 : i32
      "tpu.region"() ({
        %run_scoped3A = tpu.sem_alloc : memref<!tpu.dma_semaphore, #tpu.memory_space<semaphore_mem>>
        %dma_start3A_29 = arith.constant 0 : i32
        %dma_start3A_30 = tpu.memref_slice %arg4[%mul3A_28, %dma_start3A_29] : memref<160000x16xf32, #tpu.memory_space<hbm>> -> memref<128x16xf32, #tpu.memory_space<hbm>>
        %dma_start3A_31 = arith.constant 0 : i32
        %dma_start3A_32 = tpu.memref_slice %arg4[%mul3A_28, %dma_start3A_31] : memref<160000x16xf32, #tpu.memory_space<hbm>> -> memref<128x16xf32, #tpu.memory_space<hbm>>
        tpu.enqueue_dma source(%arg6 : memref<128x16xf32, #tpu.memory_space<vmem>>) target(%dma_start3A_32 : memref<128x16xf32, #tpu.memory_space<hbm>>) target_semaphore(%run_scoped3A : memref<!tpu.dma_semaphore, #tpu.memory_space<semaphore_mem>>)
        %dma_wait3A_33 = arith.constant 0 : i32
        %dma_wait3A_34 = tpu.memref_slice %arg4[%mul3A_28, %dma_wait3A_33] : memref<160000x16xf32, #tpu.memory_space<hbm>> -> memref<128x16xf32, #tpu.memory_space<hbm>>
        %dma_wait3A_35 = arith.constant 0 : i32
        %dma_wait3A_36 = tpu.memref_slice %arg4[%mul3A_28, %dma_wait3A_35] : memref<160000x16xf32, #tpu.memory_space<hbm>> -> memref<128x16xf32, #tpu.memory_space<hbm>>
        tpu.wait_dma2 semaphore(%run_scoped3A : memref<!tpu.dma_semaphore, #tpu.memory_space<semaphore_mem>>) src(%arg6 : memref<128x16xf32, #tpu.memory_space<vmem>>) dst(%dma_wait3A_36 : memref<128x16xf32, #tpu.memory_space<hbm>>)
        tpu.yield
      }) : () -> ()
    }
    %scan3A_9 = arith.constant 39 : i32
    %lt3A_10 = arith.constant 2 : i32
    %lt3A_11 = arith.cmpi slt, %add3A, %lt3A_10 : i32
    %convert_element_type3A_12 = arith.extui %lt3A_11 : i1 to i32
    %cond3A_13 = arith.constant 0 : i32
    %cond3A_14 = arith.cmpi ne, %convert_element_type3A_12, %cond3A_13 : i32
    scf.if %cond3A_14 {
      %dma_start3A = arith.constant 39 : i32
      %dma_start3A_15 = arith.constant 0 : i32
      %dma_start3A_16 = tpu.memref_slice %arg5[%dma_start3A, %dma_start3A_15] : memref<40x128xi32, #tpu.memory_space<vmem>> -> memref<1x128xi32, #tpu.memory_space<vmem>>
      %dma_start3A_17 = tpu.memref_squeeze %dma_start3A_16 : memref<1x128xi32, #tpu.memory_space<vmem>> -> memref<128xi32, #tpu.memory_space<vmem>>
      %dma_start3A_18 = arith.constant 0 : i32
      %dma_start3A_19 = arith.constant 0 : i32
      %dma_start3A_20 = tpu.memref_slice %arg2[%dma_start3A_18, %dma_start3A_19] : memref<20000x16xf32, #tpu.memory_space<hbm>> -> memref<20000x16xf32, #tpu.memory_space<hbm>>
      tpu.enqueue_indirect_dma source(%dma_start3A_20 : memref<20000x16xf32, #tpu.memory_space<hbm>>) target(%arg6 : memref<128x16xf32, #tpu.memory_space<vmem>>) offsets(%dma_start3A_17 : memref<128xi32, #tpu.memory_space<vmem>>) semaphore(%arg7 : memref<!tpu.dma_semaphore, #tpu.memory_space<semaphore_mem>>)
      %dma_wait3A = arith.constant 39 : i32
      %dma_wait3A_21 = arith.constant 0 : i32
      %dma_wait3A_22 = tpu.memref_slice %arg5[%dma_wait3A, %dma_wait3A_21] : memref<40x128xi32, #tpu.memory_space<vmem>> -> memref<1x128xi32, #tpu.memory_space<vmem>>
      %dma_wait3A_23 = tpu.memref_squeeze %dma_wait3A_22 : memref<1x128xi32, #tpu.memory_space<vmem>> -> memref<128xi32, #tpu.memory_space<vmem>>
      %dma_wait3A_24 = arith.constant 0 : i32
      %dma_wait3A_25 = arith.constant 0 : i32
      %dma_wait3A_26 = tpu.memref_slice %arg2[%dma_wait3A_24, %dma_wait3A_25] : memref<20000x16xf32, #tpu.memory_space<hbm>> -> memref<20000x16xf32, #tpu.memory_space<hbm>>
      tpu.wait_indirect_dma semaphore(%arg7 : memref<!tpu.dma_semaphore, #tpu.memory_space<semaphore_mem>>) src(%dma_wait3A_26 : memref<20000x16xf32, #tpu.memory_space<hbm>>) dst(%arg6 : memref<128x16xf32, #tpu.memory_space<vmem>>)
      %add3A_27 = arith.constant 1248 : i32
      %add3A_28 = arith.addi %add3A_27, %add3A : i32
      %mul3A_29 = arith.constant 128 : i32
      %mul3A_30 = arith.muli %add3A_28, %mul3A_29 : i32
      "tpu.region"() ({
        %run_scoped3A = tpu.sem_alloc : memref<!tpu.dma_semaphore, #tpu.memory_space<semaphore_mem>>
        %dma_start3A_31 = arith.constant 0 : i32
        %dma_start3A_32 = tpu.memref_slice %arg4[%mul3A_30, %dma_start3A_31] : memref<160000x16xf32, #tpu.memory_space<hbm>> -> memref<128x16xf32, #tpu.memory_space<hbm>>
        %dma_start3A_33 = arith.constant 0 : i32
        %dma_start3A_34 = tpu.memref_slice %arg4[%mul3A_30, %dma_start3A_33] : memref<160000x16xf32, #tpu.memory_space<hbm>> -> memref<128x16xf32, #tpu.memory_space<hbm>>
        tpu.enqueue_dma source(%arg6 : memref<128x16xf32, #tpu.memory_space<vmem>>) target(%dma_start3A_34 : memref<128x16xf32, #tpu.memory_space<hbm>>) target_semaphore(%run_scoped3A : memref<!tpu.dma_semaphore, #tpu.memory_space<semaphore_mem>>)
        %dma_wait3A_35 = arith.constant 0 : i32
        %dma_wait3A_36 = tpu.memref_slice %arg4[%mul3A_30, %dma_wait3A_35] : memref<160000x16xf32, #tpu.memory_space<hbm>> -> memref<128x16xf32, #tpu.memory_space<hbm>>
        %dma_wait3A_37 = arith.constant 0 : i32
        %dma_wait3A_38 = tpu.memref_slice %arg4[%mul3A_30, %dma_wait3A_37] : memref<160000x16xf32, #tpu.memory_space<hbm>> -> memref<128x16xf32, #tpu.memory_space<hbm>>
        tpu.wait_dma2 semaphore(%run_scoped3A : memref<!tpu.dma_semaphore, #tpu.memory_space<semaphore_mem>>) src(%arg6 : memref<128x16xf32, #tpu.memory_space<vmem>>) dst(%dma_wait3A_38 : memref<128x16xf32, #tpu.memory_space<hbm>>)
        tpu.yield
      }) : () -> ()
    } else {
    }
    return
  }
}

#map = affine_map<(d0, d1) -> (0, 0)>
#map1 = affine_map<(d0, d1) -> (0, 0, 0)>
module attributes {stable_mosaic.version = 14 : i64} {
  func.func @k(%arg0: i32, %arg1: i32, %arg2: memref<160000x16xf32, #tpu.memory_space<hbm>>, %arg3: memref<1250x128xi32, #tpu.memory_space<hbm>>, %arg4: memref<2x20000x16xf32, #tpu.memory_space<hbm>>, %arg5: memref<40x128xi32, #tpu.memory_space<vmem>>, %arg6: memref<128x16xf32, #tpu.memory_space<vmem>>, %arg7: memref<1250x16xf32, #tpu.memory_space<vmem>>, %arg8: memref<20000x16xf32, #tpu.memory_space<vmem_shared>>) attributes {dimension_semantics = [#tpu.dimension_semantics<core_parallel>, #tpu.dimension_semantics<subcore_parallel>], iteration_bounds = array<i64: 2, 16>, scalar_prefetch = 0 : i64, scratch_operands = 4 : i64, tpu.core_type = #tpu.core_type<sc_vector_subcore>, window_params = [{transform_indices = #map}, {transform_indices = #map}, {transform_indices = #map1}]} {
    %mul3A = arith.constant 2 : i32
    %mul3A_0 = arith.muli %arg1, %mul3A : i32
    %add3A = arith.addi %mul3A_0, %arg0 : i32
    %scan3A = arith.constant 0 : i32
    %scan3A_1 = arith.constant 0 : i32
    %scan3A_2 = arith.constant 1250 : i32
    %scan3A_3 = arith.addi %scan3A_1, %scan3A_2 : i32
    %scan3A_4 = arith.constant 1 : i32
    scf.for %scan3A_28 = %scan3A_1 to %scan3A_3 step %scan3A_4  : i32 {
      %broadcast_in_dim3A = arith.constant 0.000000e+00 : f32
      %broadcast_in_dim3A_29 = vector.broadcast %broadcast_in_dim3A : f32 to vector<16xf32>
      %swap3A = arith.index_cast %scan3A_28 : i32 to index
      %swap3A_30 = arith.constant 0 : index
      %swap3A_31 = tpu.vector_load %arg7[%swap3A, %swap3A_30] {strides = array<i32>} : memref<1250x16xf32, #tpu.memory_space<vmem>>, vector<1x16xf32>,
      %swap3A_32 = vector.shape_cast %swap3A_31 : vector<1x16xf32> to vector<16xf32>
      %swap3A_33 = vector.shape_cast %broadcast_in_dim3A_29 : vector<16xf32> to vector<1x16xf32>
      tpu.vector_store %arg7[%swap3A, %swap3A_30], %swap3A_33 {strides = array<i32>} : memref<1250x16xf32, #tpu.memory_space<vmem>>, vector<1x16xf32>,
    }
    %scan3A_5 = arith.constant 1250 : i32
    %mul3A_6 = arith.constant 1250 : i32
    %mul3A_7 = arith.muli %arg1, %mul3A_6 : i32
    "tpu.region"() ({
      %run_scoped3A = tpu.sem_alloc : memref<!tpu.dma_semaphore, #tpu.memory_space<semaphore_mem>>
      %dma_start3A = arith.constant 0 : i32
      %dma_start3A_28 = tpu.memref_slice %arg8[%mul3A_7, %dma_start3A] : memref<20000x16xf32, #tpu.memory_space<vmem_shared>> -> memref<1250x16xf32, #tpu.memory_space<vmem_shared>>
      %dma_start3A_29 = arith.constant 0 : i32
      %dma_start3A_30 = tpu.memref_slice %arg8[%mul3A_7, %dma_start3A_29] : memref<20000x16xf32, #tpu.memory_space<vmem_shared>> -> memref<1250x16xf32, #tpu.memory_space<vmem_shared>>
      tpu.enqueue_dma source(%arg7 : memref<1250x16xf32, #tpu.memory_space<vmem>>) target(%dma_start3A_30 : memref<1250x16xf32, #tpu.memory_space<vmem_shared>>) target_semaphore(%run_scoped3A : memref<!tpu.dma_semaphore, #tpu.memory_space<semaphore_mem>>)
      %dma_wait3A = arith.constant 0 : i32
      %dma_wait3A_31 = tpu.memref_slice %arg8[%mul3A_7, %dma_wait3A] : memref<20000x16xf32, #tpu.memory_space<vmem_shared>> -> memref<1250x16xf32, #tpu.memory_space<vmem_shared>>
      %dma_wait3A_32 = arith.constant 0 : i32
      %dma_wait3A_33 = tpu.memref_slice %arg8[%mul3A_7, %dma_wait3A_32] : memref<20000x16xf32, #tpu.memory_space<vmem_shared>> -> memref<1250x16xf32, #tpu.memory_space<vmem_shared>>
      tpu.wait_dma2 semaphore(%run_scoped3A : memref<!tpu.dma_semaphore, #tpu.memory_space<semaphore_mem>>) src(%arg7 : memref<1250x16xf32, #tpu.memory_space<vmem>>) dst(%dma_wait3A_33 : memref<1250x16xf32, #tpu.memory_space<vmem_shared>>)
      tpu.yield
    }) : () -> ()
    %barrier3A = arith.constant 0 : index
    tpu.barrier barrier_id(%barrier3A)
    %mul3A_8 = arith.constant 39 : i32
    %mul3A_9 = arith.muli %add3A, %mul3A_8 : i32
    "tpu.region"() ({
      %run_scoped3A = tpu.sem_alloc : memref<!tpu.dma_semaphore, #tpu.memory_space<semaphore_mem>>
      %dma_start3A = arith.constant 0 : i32
      %dma_start3A_28 = arith.constant 0 : i32
      %dma_start3A_29 = tpu.memref_slice %arg5[%dma_start3A, %dma_start3A_28] : memref<40x128xi32, #tpu.memory_space<vmem>> -> memref<39x128xi32, #tpu.memory_space<vmem>>
      %dma_start3A_30 = arith.constant 0 : i32
      %dma_start3A_31 = tpu.memref_slice %arg3[%mul3A_9, %dma_start3A_30] : memref<1250x128xi32, #tpu.memory_space<hbm>> -> memref<39x128xi32, #tpu.memory_space<hbm>>
      %dma_start3A_32 = arith.constant 0 : i32
      %dma_start3A_33 = arith.constant 0 : i32
      %dma_start3A_34 = tpu.memref_slice %arg5[%dma_start3A_32, %dma_start3A_33] : memref<40x128xi32, #tpu.memory_space<vmem>> -> memref<39x128xi32, #tpu.memory_space<vmem>>
      %dma_start3A_35 = arith.constant 0 : i32
      %dma_start3A_36 = tpu.memref_slice %arg3[%mul3A_9, %dma_start3A_35] : memref<1250x128xi32, #tpu.memory_space<hbm>> -> memref<39x128xi32, #tpu.memory_space<hbm>>
      tpu.enqueue_dma source(%dma_start3A_36 : memref<39x128xi32, #tpu.memory_space<hbm>>) target(%dma_start3A_34 : memref<39x128xi32, #tpu.memory_space<vmem>>) target_semaphore(%run_scoped3A : memref<!tpu.dma_semaphore, #tpu.memory_space<semaphore_mem>>)
      %dma_wait3A = arith.constant 0 : i32
      %dma_wait3A_37 = arith.constant 0 : i32
      %dma_wait3A_38 = tpu.memref_slice %arg5[%dma_wait3A, %dma_wait3A_37] : memref<40x128xi32, #tpu.memory_space<vmem>> -> memref<39x128xi32, #tpu.memory_space<vmem>>
      %dma_wait3A_39 = arith.constant 0 : i32
      %dma_wait3A_40 = tpu.memref_slice %arg3[%mul3A_9, %dma_wait3A_39] : memref<1250x128xi32, #tpu.memory_space<hbm>> -> memref<39x128xi32, #tpu.memory_space<hbm>>
      %dma_wait3A_41 = arith.constant 0 : i32
      %dma_wait3A_42 = arith.constant 0 : i32
      %dma_wait3A_43 = tpu.memref_slice %arg5[%dma_wait3A_41, %dma_wait3A_42] : memref<40x128xi32, #tpu.memory_space<vmem>> -> memref<39x128xi32, #tpu.memory_space<vmem>>
      %dma_wait3A_44 = arith.constant 0 : i32
      %dma_wait3A_45 = tpu.memref_slice %arg3[%mul3A_9, %dma_wait3A_44] : memref<1250x128xi32, #tpu.memory_space<hbm>> -> memref<39x128xi32, #tpu.memory_space<hbm>>
      tpu.wait_dma2 semaphore(%run_scoped3A : memref<!tpu.dma_semaphore, #tpu.memory_space<semaphore_mem>>) src(%dma_wait3A_45 : memref<39x128xi32, #tpu.memory_space<hbm>>) dst(%dma_wait3A_43 : memref<39x128xi32, #tpu.memory_space<vmem>>)
      tpu.yield
    }) : () -> ()
    %lt3A = arith.constant 2 : i32
    %lt3A_10 = arith.cmpi slt, %add3A, %lt3A : i32
    %convert_element_type3A = arith.extui %lt3A_10 : i1 to i32
    %cond3A = arith.constant 0 : i32
    %cond3A_11 = arith.cmpi ne, %convert_element_type3A, %cond3A : i32
    scf.if %cond3A_11 {
      %add3A_28 = arith.constant 1248 : i32
      %add3A_29 = arith.addi %add3A_28, %add3A : i32
      "tpu.region"() ({
        %run_scoped3A = tpu.sem_alloc : memref<!tpu.dma_semaphore, #tpu.memory_space<semaphore_mem>>
        %dma_start3A = arith.constant 39 : i32
        %dma_start3A_30 = arith.constant 0 : i32
        %dma_start3A_31 = tpu.memref_slice %arg5[%dma_start3A, %dma_start3A_30] : memref<40x128xi32, #tpu.memory_space<vmem>> -> memref<1x128xi32, #tpu.memory_space<vmem>>
        %dma_start3A_32 = arith.constant 0 : i32
        %dma_start3A_33 = tpu.memref_slice %arg3[%add3A_29, %dma_start3A_32] : memref<1250x128xi32, #tpu.memory_space<hbm>> -> memref<1x128xi32, #tpu.memory_space<hbm>>
        %dma_start3A_34 = arith.constant 39 : i32
        %dma_start3A_35 = arith.constant 0 : i32
        %dma_start3A_36 = tpu.memref_slice %arg5[%dma_start3A_34, %dma_start3A_35] : memref<40x128xi32, #tpu.memory_space<vmem>> -> memref<1x128xi32, #tpu.memory_space<vmem>>
        %dma_start3A_37 = arith.constant 0 : i32
        %dma_start3A_38 = tpu.memref_slice %arg3[%add3A_29, %dma_start3A_37] : memref<1250x128xi32, #tpu.memory_space<hbm>> -> memref<1x128xi32, #tpu.memory_space<hbm>>
        tpu.enqueue_dma source(%dma_start3A_38 : memref<1x128xi32, #tpu.memory_space<hbm>>) target(%dma_start3A_36 : memref<1x128xi32, #tpu.memory_space<vmem>>) target_semaphore(%run_scoped3A : memref<!tpu.dma_semaphore, #tpu.memory_space<semaphore_mem>>)
        %dma_wait3A = arith.constant 39 : i32
        %dma_wait3A_39 = arith.constant 0 : i32
        %dma_wait3A_40 = tpu.memref_slice %arg5[%dma_wait3A, %dma_wait3A_39] : memref<40x128xi32, #tpu.memory_space<vmem>> -> memref<1x128xi32, #tpu.memory_space<vmem>>
        %dma_wait3A_41 = arith.constant 0 : i32
        %dma_wait3A_42 = tpu.memref_slice %arg3[%add3A_29, %dma_wait3A_41] : memref<1250x128xi32, #tpu.memory_space<hbm>> -> memref<1x128xi32, #tpu.memory_space<hbm>>
        %dma_wait3A_43 = arith.constant 39 : i32
        %dma_wait3A_44 = arith.constant 0 : i32
        %dma_wait3A_45 = tpu.memref_slice %arg5[%dma_wait3A_43, %dma_wait3A_44] : memref<40x128xi32, #tpu.memory_space<vmem>> -> memref<1x128xi32, #tpu.memory_space<vmem>>
        %dma_wait3A_46 = arith.constant 0 : i32
        %dma_wait3A_47 = tpu.memref_slice %arg3[%add3A_29, %dma_wait3A_46] : memref<1250x128xi32, #tpu.memory_space<hbm>> -> memref<1x128xi32, #tpu.memory_space<hbm>>
        tpu.wait_dma2 semaphore(%run_scoped3A : memref<!tpu.dma_semaphore, #tpu.memory_space<semaphore_mem>>) src(%dma_wait3A_47 : memref<1x128xi32, #tpu.memory_space<hbm>>) dst(%dma_wait3A_45 : memref<1x128xi32, #tpu.memory_space<vmem>>)
        tpu.yield
      }) : () -> ()
    } else {
    }
    %scan3A_12 = arith.constant 0 : i32
    %scan3A_13 = arith.constant 0 : i32
    %scan3A_14 = arith.constant 39 : i32
    %scan3A_15 = arith.addi %scan3A_13, %scan3A_14 : i32
    %scan3A_16 = arith.constant 1 : i32
    scf.for %scan3A_28 = %scan3A_13 to %scan3A_15 step %scan3A_16  : i32 {
      %add3A_29 = arith.addi %mul3A_9, %scan3A_28 : i32
      %mul3A_30 = arith.constant 128 : i32
      %mul3A_31 = arith.muli %add3A_29, %mul3A_30 : i32
      "tpu.region"() ({
        %run_scoped3A = tpu.sem_alloc : memref<!tpu.dma_semaphore, #tpu.memory_space<semaphore_mem>>
        %dma_start3A = arith.constant 0 : i32
        %dma_start3A_32 = tpu.memref_slice %arg2[%mul3A_31, %dma_start3A] : memref<160000x16xf32, #tpu.memory_space<hbm>> -> memref<128x16xf32, #tpu.memory_space<hbm>>
        %dma_start3A_33 = arith.constant 0 : i32
        %dma_start3A_34 = tpu.memref_slice %arg2[%mul3A_31, %dma_start3A_33] : memref<160000x16xf32, #tpu.memory_space<hbm>> -> memref<128x16xf32, #tpu.memory_space<hbm>>
        tpu.enqueue_dma source(%dma_start3A_34 : memref<128x16xf32, #tpu.memory_space<hbm>>) target(%arg6 : memref<128x16xf32, #tpu.memory_space<vmem>>) target_semaphore(%run_scoped3A : memref<!tpu.dma_semaphore, #tpu.memory_space<semaphore_mem>>)
        %dma_wait3A = arith.constant 0 : i32
        %dma_wait3A_35 = tpu.memref_slice %arg2[%mul3A_31, %dma_wait3A] : memref<160000x16xf32, #tpu.memory_space<hbm>> -> memref<128x16xf32, #tpu.memory_space<hbm>>
        %dma_wait3A_36 = arith.constant 0 : i32
        %dma_wait3A_37 = tpu.memref_slice %arg2[%mul3A_31, %dma_wait3A_36] : memref<160000x16xf32, #tpu.memory_space<hbm>> -> memref<128x16xf32, #tpu.memory_space<hbm>>
        tpu.wait_dma2 semaphore(%run_scoped3A : memref<!tpu.dma_semaphore, #tpu.memory_space<semaphore_mem>>) src(%dma_wait3A_37 : memref<128x16xf32, #tpu.memory_space<hbm>>) dst(%arg6 : memref<128x16xf32, #tpu.memory_space<vmem>>)
        tpu.yield
      }) : () -> ()
      "tpu.region"() ({
        %run_scoped3A = tpu.sem_alloc : memref<!tpu.dma_semaphore, #tpu.memory_space<semaphore_mem>>
        %dma_start3A = arith.constant 0 : i32
        %dma_start3A_32 = tpu.memref_slice %arg5[%scan3A_28, %dma_start3A] : memref<40x128xi32, #tpu.memory_space<vmem>> -> memref<1x128xi32, #tpu.memory_space<vmem>>
        %dma_start3A_33 = tpu.memref_squeeze %dma_start3A_32 : memref<1x128xi32, #tpu.memory_space<vmem>> -> memref<128xi32, #tpu.memory_space<vmem>>
        %dma_start3A_34 = arith.constant 0 : i32
        %dma_start3A_35 = arith.constant 0 : i32
        %dma_start3A_36 = tpu.memref_slice %arg8[%dma_start3A_34, %dma_start3A_35] : memref<20000x16xf32, #tpu.memory_space<vmem_shared>> -> memref<20000x16xf32, #tpu.memory_space<vmem_shared>>
        tpu.enqueue_indirect_dma source(%arg6 : memref<128x16xf32, #tpu.memory_space<vmem>>) target(%dma_start3A_36 : memref<20000x16xf32, #tpu.memory_space<vmem_shared>>) offsets(%dma_start3A_33 : memref<128xi32, #tpu.memory_space<vmem>>) semaphore(%run_scoped3A : memref<!tpu.dma_semaphore, #tpu.memory_space<semaphore_mem>>) {add = true}
        %dma_wait3A = arith.constant 0 : i32
        %dma_wait3A_37 = tpu.memref_slice %arg5[%scan3A_28, %dma_wait3A] : memref<40x128xi32, #tpu.memory_space<vmem>> -> memref<1x128xi32, #tpu.memory_space<vmem>>
        %dma_wait3A_38 = tpu.memref_squeeze %dma_wait3A_37 : memref<1x128xi32, #tpu.memory_space<vmem>> -> memref<128xi32, #tpu.memory_space<vmem>>
        %dma_wait3A_39 = arith.constant 0 : i32
        %dma_wait3A_40 = arith.constant 0 : i32
        %dma_wait3A_41 = tpu.memref_slice %arg8[%dma_wait3A_39, %dma_wait3A_40] : memref<20000x16xf32, #tpu.memory_space<vmem_shared>> -> memref<20000x16xf32, #tpu.memory_space<vmem_shared>>
        tpu.wait_indirect_dma semaphore(%run_scoped3A : memref<!tpu.dma_semaphore, #tpu.memory_space<semaphore_mem>>) src(%arg6 : memref<128x16xf32, #tpu.memory_space<vmem>>) dst(%dma_wait3A_41 : memref<20000x16xf32, #tpu.memory_space<vmem_shared>>)
        tpu.yield
      }) : () -> ()
    }
    %scan3A_17 = arith.constant 39 : i32
    %lt3A_18 = arith.constant 2 : i32
    %lt3A_19 = arith.cmpi slt, %add3A, %lt3A_18 : i32
    %convert_element_type3A_20 = arith.extui %lt3A_19 : i1 to i32
    %cond3A_21 = arith.constant 0 : i32
    %cond3A_22 = arith.cmpi ne, %convert_element_type3A_20, %cond3A_21 : i32
    scf.if %cond3A_22 {
      %add3A_28 = arith.constant 1248 : i32
      %add3A_29 = arith.addi %add3A_28, %add3A : i32
      %mul3A_30 = arith.constant 128 : i32
      %mul3A_31 = arith.muli %add3A_29, %mul3A_30 : i32
      "tpu.region"() ({
        %run_scoped3A_32 = tpu.sem_alloc : memref<!tpu.dma_semaphore, #tpu.memory_space<semaphore_mem>>
        %dma_start3A = arith.constant 0 : i32
        %dma_start3A_33 = tpu.memref_slice %arg2[%mul3A_31, %dma_start3A] : memref<160000x16xf32, #tpu.memory_space<hbm>> -> memref<128x16xf32, #tpu.memory_space<hbm>>
        %dma_start3A_34 = arith.constant 0 : i32
        %dma_start3A_35 = tpu.memref_slice %arg2[%mul3A_31, %dma_start3A_34] : memref<160000x16xf32, #tpu.memory_space<hbm>> -> memref<128x16xf32, #tpu.memory_space<hbm>>
        tpu.enqueue_dma source(%dma_start3A_35 : memref<128x16xf32, #tpu.memory_space<hbm>>) target(%arg6 : memref<128x16xf32, #tpu.memory_space<vmem>>) target_semaphore(%run_scoped3A_32 : memref<!tpu.dma_semaphore, #tpu.memory_space<semaphore_mem>>)
        %dma_wait3A = arith.constant 0 : i32
        %dma_wait3A_36 = tpu.memref_slice %arg2[%mul3A_31, %dma_wait3A] : memref<160000x16xf32, #tpu.memory_space<hbm>> -> memref<128x16xf32, #tpu.memory_space<hbm>>
        %dma_wait3A_37 = arith.constant 0 : i32
        %dma_wait3A_38 = tpu.memref_slice %arg2[%mul3A_31, %dma_wait3A_37] : memref<160000x16xf32, #tpu.memory_space<hbm>> -> memref<128x16xf32, #tpu.memory_space<hbm>>
        tpu.wait_dma2 semaphore(%run_scoped3A_32 : memref<!tpu.dma_semaphore, #tpu.memory_space<semaphore_mem>>) src(%dma_wait3A_38 : memref<128x16xf32, #tpu.memory_space<hbm>>) dst(%arg6 : memref<128x16xf32, #tpu.memory_space<vmem>>)
        tpu.yield
      }) : () -> ()
      %run_scoped3A = arith.constant 39 : i32
      "tpu.region"() ({
        %run_scoped3A_32 = tpu.sem_alloc : memref<!tpu.dma_semaphore, #tpu.memory_space<semaphore_mem>>
        %dma_start3A = arith.constant 0 : i32
        %dma_start3A_33 = tpu.memref_slice %arg5[%run_scoped3A, %dma_start3A] : memref<40x128xi32, #tpu.memory_space<vmem>> -> memref<1x128xi32, #tpu.memory_space<vmem>>
        %dma_start3A_34 = tpu.memref_squeeze %dma_start3A_33 : memref<1x128xi32, #tpu.memory_space<vmem>> -> memref<128xi32, #tpu.memory_space<vmem>>
        %dma_start3A_35 = arith.constant 0 : i32
        %dma_start3A_36 = arith.constant 0 : i32
        %dma_start3A_37 = tpu.memref_slice %arg8[%dma_start3A_35, %dma_start3A_36] : memref<20000x16xf32, #tpu.memory_space<vmem_shared>> -> memref<20000x16xf32, #tpu.memory_space<vmem_shared>>
        tpu.enqueue_indirect_dma source(%arg6 : memref<128x16xf32, #tpu.memory_space<vmem>>) target(%dma_start3A_37 : memref<20000x16xf32, #tpu.memory_space<vmem_shared>>) offsets(%dma_start3A_34 : memref<128xi32, #tpu.memory_space<vmem>>) semaphore(%run_scoped3A_32 : memref<!tpu.dma_semaphore, #tpu.memory_space<semaphore_mem>>) {add = true}
        %dma_wait3A = arith.constant 0 : i32
        %dma_wait3A_38 = tpu.memref_slice %arg5[%run_scoped3A, %dma_wait3A] : memref<40x128xi32, #tpu.memory_space<vmem>> -> memref<1x128xi32, #tpu.memory_space<vmem>>
        %dma_wait3A_39 = tpu.memref_squeeze %dma_wait3A_38 : memref<1x128xi32, #tpu.memory_space<vmem>> -> memref<128xi32, #tpu.memory_space<vmem>>
        %dma_wait3A_40 = arith.constant 0 : i32
        %dma_wait3A_41 = arith.constant 0 : i32
        %dma_wait3A_42 = tpu.memref_slice %arg8[%dma_wait3A_40, %dma_wait3A_41] : memref<20000x16xf32, #tpu.memory_space<vmem_shared>> -> memref<20000x16xf32, #tpu.memory_space<vmem_shared>>
        tpu.wait_indirect_dma semaphore(%run_scoped3A_32 : memref<!tpu.dma_semaphore, #tpu.memory_space<semaphore_mem>>) src(%arg6 : memref<128x16xf32, #tpu.memory_space<vmem>>) dst(%dma_wait3A_42 : memref<20000x16xf32, #tpu.memory_space<vmem_shared>>)
        tpu.yield
      }) : () -> ()
    } else {
    }
    %barrier3A_23 = arith.constant 0 : index
    tpu.barrier barrier_id(%barrier3A_23)
    %mul3A_24 = arith.constant 1250 : i32
    %mul3A_25 = arith.muli %arg1, %mul3A_24 : i32
    %mul3A_26 = arith.constant 1250 : i32
    %mul3A_27 = arith.muli %arg1, %mul3A_26 : i32
    "tpu.region"() ({
      %run_scoped3A = tpu.sem_alloc : memref<!tpu.dma_semaphore, #tpu.memory_space<semaphore_mem>>
      %dma_start3A = arith.constant 0 : i32
      %dma_start3A_28 = arith.constant 0 : i32
      %dma_start3A_29 = tpu.memref_slice %arg4[%arg0, %dma_start3A, %dma_start3A_28] : memref<2x20000x16xf32, #tpu.memory_space<hbm>> -> memref<1x20000x16xf32, #tpu.memory_space<hbm>>
      %dma_start3A_30 = tpu.memref_squeeze %dma_start3A_29 : memref<1x20000x16xf32, #tpu.memory_space<hbm>> -> memref<20000x16xf32, #tpu.memory_space<hbm>>
      %dma_start3A_31 = arith.constant 0 : i32
      %dma_start3A_32 = tpu.memref_slice %dma_start3A_30[%mul3A_27, %dma_start3A_31] : memref<20000x16xf32, #tpu.memory_space<hbm>> -> memref<1250x16xf32, #tpu.memory_space<hbm>>
      %dma_start3A_33 = arith.constant 0 : i32
      %dma_start3A_34 = tpu.memref_slice %arg8[%mul3A_25, %dma_start3A_33] : memref<20000x16xf32, #tpu.memory_space<vmem_shared>> -> memref<1250x16xf32, #tpu.memory_space<vmem_shared>>
      tpu.enqueue_dma source(%dma_start3A_34 : memref<1250x16xf32, #tpu.memory_space<vmem_shared>>) target(%dma_start3A_32 : memref<1250x16xf32, #tpu.memory_space<hbm>>) target_semaphore(%run_scoped3A : memref<!tpu.dma_semaphore, #tpu.memory_space<semaphore_mem>>)
      %dma_wait3A = arith.constant 0 : i32
      %dma_wait3A_35 = arith.constant 0 : i32
      %dma_wait3A_36 = tpu.memref_slice %arg4[%arg0, %dma_wait3A, %dma_wait3A_35] : memref<2x20000x16xf32, #tpu.memory_space<hbm>> -> memref<1x20000x16xf32, #tpu.memory_space<hbm>>
      %dma_wait3A_37 = tpu.memref_squeeze %dma_wait3A_36 : memref<1x20000x16xf32, #tpu.memory_space<hbm>> -> memref<20000x16xf32, #tpu.memory_space<hbm>>
      %dma_wait3A_38 = arith.constant 0 : i32
      %dma_wait3A_39 = tpu.memref_slice %dma_wait3A_37[%mul3A_27, %dma_wait3A_38] : memref<20000x16xf32, #tpu.memory_space<hbm>> -> memref<1250x16xf32, #tpu.memory_space<hbm>>
      %dma_wait3A_40 = arith.constant 0 : i32
      %dma_wait3A_41 = tpu.memref_slice %arg8[%mul3A_25, %dma_wait3A_40] : memref<20000x16xf32, #tpu.memory_space<vmem_shared>> -> memref<1250x16xf32, #tpu.memory_space<vmem_shared>>
      tpu.wait_dma2 semaphore(%run_scoped3A : memref<!tpu.dma_semaphore, #tpu.memory_space<semaphore_mem>>) src(%dma_wait3A_41 : memref<1250x16xf32, #tpu.memory_space<vmem_shared>>) dst(%dma_wait3A_39 : memref<1250x16xf32, #tpu.memory_space<hbm>>)
      tpu.yield
    }) : () -> ()
    return
  }
}

#map = affine_map<(d0, d1) -> (0, 0)>
module attributes {stable_mosaic.version = 14 : i64} {
  func.func @k(%arg0: i32, %arg1: i32, %arg2: memref<20000x16xf32, #tpu.memory_space<hbm>>, %arg3: memref<1250x128xi32, #tpu.memory_space<hbm>>, %arg4: memref<160000x16xf32, #tpu.memory_space<hbm>>, %arg5: memref<40x128xi32, #tpu.memory_space<vmem>>, %arg6: memref<128x16xf32, #tpu.memory_space<vmem>>, %arg7: memref<!tpu.dma_semaphore, #tpu.memory_space<semaphore_mem>>) attributes {dimension_semantics = [#tpu.dimension_semantics<core_parallel>, #tpu.dimension_semantics<subcore_parallel>], iteration_bounds = array<i64: 2, 16>, scalar_prefetch = 0 : i64, scratch_operands = 3 : i64, tpu.core_type = #tpu.core_type<sc_vector_subcore>, window_params = [{transform_indices = #map}, {transform_indices = #map}, {transform_indices = #map}]} {
    %mul3A = arith.constant 2 : i32
    %mul3A_0 = arith.muli %arg1, %mul3A : i32
    %add3A = arith.addi %mul3A_0, %arg0 : i32
    %mul3A_1 = arith.constant 39 : i32
    %mul3A_2 = arith.muli %add3A, %mul3A_1 : i32
    "tpu.region"() ({
      %run_scoped3A = tpu.sem_alloc : memref<!tpu.dma_semaphore, #tpu.memory_space<semaphore_mem>>
      %dma_start3A = arith.constant 0 : i32
      %dma_start3A_15 = arith.constant 0 : i32
      %dma_start3A_16 = tpu.memref_slice %arg5[%dma_start3A, %dma_start3A_15] : memref<40x128xi32, #tpu.memory_space<vmem>> -> memref<39x128xi32, #tpu.memory_space<vmem>>
      %dma_start3A_17 = arith.constant 0 : i32
      %dma_start3A_18 = tpu.memref_slice %arg3[%mul3A_2, %dma_start3A_17] : memref<1250x128xi32, #tpu.memory_space<hbm>> -> memref<39x128xi32, #tpu.memory_space<hbm>>
      %dma_start3A_19 = arith.constant 0 : i32
      %dma_start3A_20 = arith.constant 0 : i32
      %dma_start3A_21 = tpu.memref_slice %arg5[%dma_start3A_19, %dma_start3A_20] : memref<40x128xi32, #tpu.memory_space<vmem>> -> memref<39x128xi32, #tpu.memory_space<vmem>>
      %dma_start3A_22 = arith.constant 0 : i32
      %dma_start3A_23 = tpu.memref_slice %arg3[%mul3A_2, %dma_start3A_22] : memref<1250x128xi32, #tpu.memory_space<hbm>> -> memref<39x128xi32, #tpu.memory_space<hbm>>
      tpu.enqueue_dma source(%dma_start3A_23 : memref<39x128xi32, #tpu.memory_space<hbm>>) target(%dma_start3A_21 : memref<39x128xi32, #tpu.memory_space<vmem>>) target_semaphore(%run_scoped3A : memref<!tpu.dma_semaphore, #tpu.memory_space<semaphore_mem>>)
      %dma_wait3A = arith.constant 0 : i32
      %dma_wait3A_24 = arith.constant 0 : i32
      %dma_wait3A_25 = tpu.memref_slice %arg5[%dma_wait3A, %dma_wait3A_24] : memref<40x128xi32, #tpu.memory_space<vmem>> -> memref<39x128xi32, #tpu.memory_space<vmem>>
      %dma_wait3A_26 = arith.constant 0 : i32
      %dma_wait3A_27 = tpu.memref_slice %arg3[%mul3A_2, %dma_wait3A_26] : memref<1250x128xi32, #tpu.memory_space<hbm>> -> memref<39x128xi32, #tpu.memory_space<hbm>>
      %dma_wait3A_28 = arith.constant 0 : i32
      %dma_wait3A_29 = arith.constant 0 : i32
      %dma_wait3A_30 = tpu.memref_slice %arg5[%dma_wait3A_28, %dma_wait3A_29] : memref<40x128xi32, #tpu.memory_space<vmem>> -> memref<39x128xi32, #tpu.memory_space<vmem>>
      %dma_wait3A_31 = arith.constant 0 : i32
      %dma_wait3A_32 = tpu.memref_slice %arg3[%mul3A_2, %dma_wait3A_31] : memref<1250x128xi32, #tpu.memory_space<hbm>> -> memref<39x128xi32, #tpu.memory_space<hbm>>
      tpu.wait_dma2 semaphore(%run_scoped3A : memref<!tpu.dma_semaphore, #tpu.memory_space<semaphore_mem>>) src(%dma_wait3A_32 : memref<39x128xi32, #tpu.memory_space<hbm>>) dst(%dma_wait3A_30 : memref<39x128xi32, #tpu.memory_space<vmem>>)
      tpu.yield
    }) : () -> ()
    %lt3A = arith.constant 2 : i32
    %lt3A_3 = arith.cmpi slt, %add3A, %lt3A : i32
    %convert_element_type3A = arith.extui %lt3A_3 : i1 to i32
    %cond3A = arith.constant 0 : i32
    %cond3A_4 = arith.cmpi ne, %convert_element_type3A, %cond3A : i32
    scf.if %cond3A_4 {
      %add3A_15 = arith.constant 1248 : i32
      %add3A_16 = arith.addi %add3A_15, %add3A : i32
      "tpu.region"() ({
        %run_scoped3A = tpu.sem_alloc : memref<!tpu.dma_semaphore, #tpu.memory_space<semaphore_mem>>
        %dma_start3A = arith.constant 39 : i32
        %dma_start3A_17 = arith.constant 0 : i32
        %dma_start3A_18 = tpu.memref_slice %arg5[%dma_start3A, %dma_start3A_17] : memref<40x128xi32, #tpu.memory_space<vmem>> -> memref<1x128xi32, #tpu.memory_space<vmem>>
        %dma_start3A_19 = arith.constant 0 : i32
        %dma_start3A_20 = tpu.memref_slice %arg3[%add3A_16, %dma_start3A_19] : memref<1250x128xi32, #tpu.memory_space<hbm>> -> memref<1x128xi32, #tpu.memory_space<hbm>>
        %dma_start3A_21 = arith.constant 39 : i32
        %dma_start3A_22 = arith.constant 0 : i32
        %dma_start3A_23 = tpu.memref_slice %arg5[%dma_start3A_21, %dma_start3A_22] : memref<40x128xi32, #tpu.memory_space<vmem>> -> memref<1x128xi32, #tpu.memory_space<vmem>>
        %dma_start3A_24 = arith.constant 0 : i32
        %dma_start3A_25 = tpu.memref_slice %arg3[%add3A_16, %dma_start3A_24] : memref<1250x128xi32, #tpu.memory_space<hbm>> -> memref<1x128xi32, #tpu.memory_space<hbm>>
        tpu.enqueue_dma source(%dma_start3A_25 : memref<1x128xi32, #tpu.memory_space<hbm>>) target(%dma_start3A_23 : memref<1x128xi32, #tpu.memory_space<vmem>>) target_semaphore(%run_scoped3A : memref<!tpu.dma_semaphore, #tpu.memory_space<semaphore_mem>>)
        %dma_wait3A = arith.constant 39 : i32
        %dma_wait3A_26 = arith.constant 0 : i32
        %dma_wait3A_27 = tpu.memref_slice %arg5[%dma_wait3A, %dma_wait3A_26] : memref<40x128xi32, #tpu.memory_space<vmem>> -> memref<1x128xi32, #tpu.memory_space<vmem>>
        %dma_wait3A_28 = arith.constant 0 : i32
        %dma_wait3A_29 = tpu.memref_slice %arg3[%add3A_16, %dma_wait3A_28] : memref<1250x128xi32, #tpu.memory_space<hbm>> -> memref<1x128xi32, #tpu.memory_space<hbm>>
        %dma_wait3A_30 = arith.constant 39 : i32
        %dma_wait3A_31 = arith.constant 0 : i32
        %dma_wait3A_32 = tpu.memref_slice %arg5[%dma_wait3A_30, %dma_wait3A_31] : memref<40x128xi32, #tpu.memory_space<vmem>> -> memref<1x128xi32, #tpu.memory_space<vmem>>
        %dma_wait3A_33 = arith.constant 0 : i32
        %dma_wait3A_34 = tpu.memref_slice %arg3[%add3A_16, %dma_wait3A_33] : memref<1250x128xi32, #tpu.memory_space<hbm>> -> memref<1x128xi32, #tpu.memory_space<hbm>>
        tpu.wait_dma2 semaphore(%run_scoped3A : memref<!tpu.dma_semaphore, #tpu.memory_space<semaphore_mem>>) src(%dma_wait3A_34 : memref<1x128xi32, #tpu.memory_space<hbm>>) dst(%dma_wait3A_32 : memref<1x128xi32, #tpu.memory_space<vmem>>)
        tpu.yield
      }) : () -> ()
    } else {
    }
    %scan3A = arith.constant 0 : i32
    %scan3A_5 = arith.constant 0 : i32
    %scan3A_6 = arith.constant 39 : i32
    %scan3A_7 = arith.addi %scan3A_5, %scan3A_6 : i32
    %scan3A_8 = arith.constant 1 : i32
    scf.for %scan3A_15 = %scan3A_5 to %scan3A_7 step %scan3A_8  : i32 {
      %dma_start3A = arith.constant 0 : i32
      %dma_start3A_16 = tpu.memref_slice %arg5[%scan3A_15, %dma_start3A] : memref<40x128xi32, #tpu.memory_space<vmem>> -> memref<1x128xi32, #tpu.memory_space<vmem>>
      %dma_start3A_17 = tpu.memref_squeeze %dma_start3A_16 : memref<1x128xi32, #tpu.memory_space<vmem>> -> memref<128xi32, #tpu.memory_space<vmem>>
      %dma_start3A_18 = arith.constant 0 : i32
      %dma_start3A_19 = arith.constant 0 : i32
      %dma_start3A_20 = tpu.memref_slice %arg2[%dma_start3A_18, %dma_start3A_19] : memref<20000x16xf32, #tpu.memory_space<hbm>> -> memref<20000x16xf32, #tpu.memory_space<hbm>>
      tpu.enqueue_indirect_dma source(%dma_start3A_20 : memref<20000x16xf32, #tpu.memory_space<hbm>>) target(%arg6 : memref<128x16xf32, #tpu.memory_space<vmem>>) offsets(%dma_start3A_17 : memref<128xi32, #tpu.memory_space<vmem>>) semaphore(%arg7 : memref<!tpu.dma_semaphore, #tpu.memory_space<semaphore_mem>>)
      %dma_wait3A = arith.constant 0 : i32
      %dma_wait3A_21 = tpu.memref_slice %arg5[%scan3A_15, %dma_wait3A] : memref<40x128xi32, #tpu.memory_space<vmem>> -> memref<1x128xi32, #tpu.memory_space<vmem>>
      %dma_wait3A_22 = tpu.memref_squeeze %dma_wait3A_21 : memref<1x128xi32, #tpu.memory_space<vmem>> -> memref<128xi32, #tpu.memory_space<vmem>>
      %dma_wait3A_23 = arith.constant 0 : i32
      %dma_wait3A_24 = arith.constant 0 : i32
      %dma_wait3A_25 = tpu.memref_slice %arg2[%dma_wait3A_23, %dma_wait3A_24] : memref<20000x16xf32, #tpu.memory_space<hbm>> -> memref<20000x16xf32, #tpu.memory_space<hbm>>
      tpu.wait_indirect_dma semaphore(%arg7 : memref<!tpu.dma_semaphore, #tpu.memory_space<semaphore_mem>>) src(%dma_wait3A_25 : memref<20000x16xf32, #tpu.memory_space<hbm>>) dst(%arg6 : memref<128x16xf32, #tpu.memory_space<vmem>>)
      %add3A_26 = arith.addi %mul3A_2, %scan3A_15 : i32
      %mul3A_27 = arith.constant 128 : i32
      %mul3A_28 = arith.muli %add3A_26, %mul3A_27 : i32
      "tpu.region"() ({
        %run_scoped3A = tpu.sem_alloc : memref<!tpu.dma_semaphore, #tpu.memory_space<semaphore_mem>>
        %dma_start3A_29 = arith.constant 0 : i32
        %dma_start3A_30 = tpu.memref_slice %arg4[%mul3A_28, %dma_start3A_29] : memref<160000x16xf32, #tpu.memory_space<hbm>> -> memref<128x16xf32, #tpu.memory_space<hbm>>
        %dma_start3A_31 = arith.constant 0 : i32
        %dma_start3A_32 = tpu.memref_slice %arg4[%mul3A_28, %dma_start3A_31] : memref<160000x16xf32, #tpu.memory_space<hbm>> -> memref<128x16xf32, #tpu.memory_space<hbm>>
        tpu.enqueue_dma source(%arg6 : memref<128x16xf32, #tpu.memory_space<vmem>>) target(%dma_start3A_32 : memref<128x16xf32, #tpu.memory_space<hbm>>) target_semaphore(%run_scoped3A : memref<!tpu.dma_semaphore, #tpu.memory_space<semaphore_mem>>)
        %dma_wait3A_33 = arith.constant 0 : i32
        %dma_wait3A_34 = tpu.memref_slice %arg4[%mul3A_28, %dma_wait3A_33] : memref<160000x16xf32, #tpu.memory_space<hbm>> -> memref<128x16xf32, #tpu.memory_space<hbm>>
        %dma_wait3A_35 = arith.constant 0 : i32
        %dma_wait3A_36 = tpu.memref_slice %arg4[%mul3A_28, %dma_wait3A_35] : memref<160000x16xf32, #tpu.memory_space<hbm>> -> memref<128x16xf32, #tpu.memory_space<hbm>>
        tpu.wait_dma2 semaphore(%run_scoped3A : memref<!tpu.dma_semaphore, #tpu.memory_space<semaphore_mem>>) src(%arg6 : memref<128x16xf32, #tpu.memory_space<vmem>>) dst(%dma_wait3A_36 : memref<128x16xf32, #tpu.memory_space<hbm>>)
        tpu.yield
      }) : () -> ()
    }
    %scan3A_9 = arith.constant 39 : i32
    %lt3A_10 = arith.constant 2 : i32
    %lt3A_11 = arith.cmpi slt, %add3A, %lt3A_10 : i32
    %convert_element_type3A_12 = arith.extui %lt3A_11 : i1 to i32
    %cond3A_13 = arith.constant 0 : i32
    %cond3A_14 = arith.cmpi ne, %convert_element_type3A_12, %cond3A_13 : i32
    scf.if %cond3A_14 {
      %dma_start3A = arith.constant 39 : i32
      %dma_start3A_15 = arith.constant 0 : i32
      %dma_start3A_16 = tpu.memref_slice %arg5[%dma_start3A, %dma_start3A_15] : memref<40x128xi32, #tpu.memory_space<vmem>> -> memref<1x128xi32, #tpu.memory_space<vmem>>
      %dma_start3A_17 = tpu.memref_squeeze %dma_start3A_16 : memref<1x128xi32, #tpu.memory_space<vmem>> -> memref<128xi32, #tpu.memory_space<vmem>>
      %dma_start3A_18 = arith.constant 0 : i32
      %dma_start3A_19 = arith.constant 0 : i32
      %dma_start3A_20 = tpu.memref_slice %arg2[%dma_start3A_18, %dma_start3A_19] : memref<20000x16xf32, #tpu.memory_space<hbm>> -> memref<20000x16xf32, #tpu.memory_space<hbm>>
      tpu.enqueue_indirect_dma source(%dma_start3A_20 : memref<20000x16xf32, #tpu.memory_space<hbm>>) target(%arg6 : memref<128x16xf32, #tpu.memory_space<vmem>>) offsets(%dma_start3A_17 : memref<128xi32, #tpu.memory_space<vmem>>) semaphore(%arg7 : memref<!tpu.dma_semaphore, #tpu.memory_space<semaphore_mem>>)
      %dma_wait3A = arith.constant 39 : i32
      %dma_wait3A_21 = arith.constant 0 : i32
      %dma_wait3A_22 = tpu.memref_slice %arg5[%dma_wait3A, %dma_wait3A_21] : memref<40x128xi32, #tpu.memory_space<vmem>> -> memref<1x128xi32, #tpu.memory_space<vmem>>
      %dma_wait3A_23 = tpu.memref_squeeze %dma_wait3A_22 : memref<1x128xi32, #tpu.memory_space<vmem>> -> memref<128xi32, #tpu.memory_space<vmem>>
      %dma_wait3A_24 = arith.constant 0 : i32
      %dma_wait3A_25 = arith.constant 0 : i32
      %dma_wait3A_26 = tpu.memref_slice %arg2[%dma_wait3A_24, %dma_wait3A_25] : memref<20000x16xf32, #tpu.memory_space<hbm>> -> memref<20000x16xf32, #tpu.memory_space<hbm>>
      tpu.wait_indirect_dma semaphore(%arg7 : memref<!tpu.dma_semaphore, #tpu.memory_space<semaphore_mem>>) src(%dma_wait3A_26 : memref<20000x16xf32, #tpu.memory_space<hbm>>) dst(%arg6 : memref<128x16xf32, #tpu.memory_space<vmem>>)
      %add3A_27 = arith.constant 1248 : i32
      %add3A_28 = arith.addi %add3A_27, %add3A : i32
      %mul3A_29 = arith.constant 128 : i32
      %mul3A_30 = arith.muli %add3A_28, %mul3A_29 : i32
      "tpu.region"() ({
        %run_scoped3A = tpu.sem_alloc : memref<!tpu.dma_semaphore, #tpu.memory_space<semaphore_mem>>
        %dma_start3A_31 = arith.constant 0 : i32
        %dma_start3A_32 = tpu.memref_slice %arg4[%mul3A_30, %dma_start3A_31] : memref<160000x16xf32, #tpu.memory_space<hbm>> -> memref<128x16xf32, #tpu.memory_space<hbm>>
        %dma_start3A_33 = arith.constant 0 : i32
        %dma_start3A_34 = tpu.memref_slice %arg4[%mul3A_30, %dma_start3A_33] : memref<160000x16xf32, #tpu.memory_space<hbm>> -> memref<128x16xf32, #tpu.memory_space<hbm>>
        tpu.enqueue_dma source(%arg6 : memref<128x16xf32, #tpu.memory_space<vmem>>) target(%dma_start3A_34 : memref<128x16xf32, #tpu.memory_space<hbm>>) target_semaphore(%run_scoped3A : memref<!tpu.dma_semaphore, #tpu.memory_space<semaphore_mem>>)
        %dma_wait3A_35 = arith.constant 0 : i32
        %dma_wait3A_36 = tpu.memref_slice %arg4[%mul3A_30, %dma_wait3A_35] : memref<160000x16xf32, #tpu.memory_space<hbm>> -> memref<128x16xf32, #tpu.memory_space<hbm>>
        %dma_wait3A_37 = arith.constant 0 : i32
        %dma_wait3A_38 = tpu.memref_slice %arg4[%mul3A_30, %dma_wait3A_37] : memref<160000x16xf32, #tpu.memory_space<hbm>> -> memref<128x16xf32, #tpu.memory_space<hbm>>
        tpu.wait_dma2 semaphore(%run_scoped3A : memref<!tpu.dma_semaphore, #tpu.memory_space<semaphore_mem>>) src(%arg6 : memref<128x16xf32, #tpu.memory_space<vmem>>) dst(%dma_wait3A_38 : memref<128x16xf32, #tpu.memory_space<hbm>>)
        tpu.yield
      }) : () -> ()
    } else {
    }
    return
  }
}

#map = affine_map<(d0, d1) -> (0, 0)>
#map1 = affine_map<(d0, d1) -> (0, 0, 0)>
module attributes {stable_mosaic.version = 14 : i64} {
  func.func @k(%arg0: i32, %arg1: i32, %arg2: memref<160000x16xf32, #tpu.memory_space<hbm>>, %arg3: memref<1250x128xi32, #tpu.memory_space<hbm>>, %arg4: memref<2x20000x16xf32, #tpu.memory_space<hbm>>, %arg5: memref<40x128xi32, #tpu.memory_space<vmem>>, %arg6: memref<128x16xf32, #tpu.memory_space<vmem>>, %arg7: memref<1250x16xf32, #tpu.memory_space<vmem>>, %arg8: memref<20000x16xf32, #tpu.memory_space<vmem_shared>>) attributes {dimension_semantics = [#tpu.dimension_semantics<core_parallel>, #tpu.dimension_semantics<subcore_parallel>], iteration_bounds = array<i64: 2, 16>, scalar_prefetch = 0 : i64, scratch_operands = 4 : i64, tpu.core_type = #tpu.core_type<sc_vector_subcore>, window_params = [{transform_indices = #map}, {transform_indices = #map}, {transform_indices = #map1}]} {
    %mul3A = arith.constant 2 : i32
    %mul3A_0 = arith.muli %arg1, %mul3A : i32
    %add3A = arith.addi %mul3A_0, %arg0 : i32
    %scan3A = arith.constant 0 : i32
    %scan3A_1 = arith.constant 0 : i32
    %scan3A_2 = arith.constant 1250 : i32
    %scan3A_3 = arith.addi %scan3A_1, %scan3A_2 : i32
    %scan3A_4 = arith.constant 1 : i32
    scf.for %scan3A_28 = %scan3A_1 to %scan3A_3 step %scan3A_4  : i32 {
      %broadcast_in_dim3A = arith.constant 0.000000e+00 : f32
      %broadcast_in_dim3A_29 = vector.broadcast %broadcast_in_dim3A : f32 to vector<16xf32>
      %swap3A = arith.index_cast %scan3A_28 : i32 to index
      %swap3A_30 = arith.constant 0 : index
      %swap3A_31 = tpu.vector_load %arg7[%swap3A, %swap3A_30] {strides = array<i32>} : memref<1250x16xf32, #tpu.memory_space<vmem>>, vector<1x16xf32>,
      %swap3A_32 = vector.shape_cast %swap3A_31 : vector<1x16xf32> to vector<16xf32>
      %swap3A_33 = vector.shape_cast %broadcast_in_dim3A_29 : vector<16xf32> to vector<1x16xf32>
      tpu.vector_store %arg7[%swap3A, %swap3A_30], %swap3A_33 {strides = array<i32>} : memref<1250x16xf32, #tpu.memory_space<vmem>>, vector<1x16xf32>,
    }
    %scan3A_5 = arith.constant 1250 : i32
    %mul3A_6 = arith.constant 1250 : i32
    %mul3A_7 = arith.muli %arg1, %mul3A_6 : i32
    "tpu.region"() ({
      %run_scoped3A = tpu.sem_alloc : memref<!tpu.dma_semaphore, #tpu.memory_space<semaphore_mem>>
      %dma_start3A = arith.constant 0 : i32
      %dma_start3A_28 = tpu.memref_slice %arg8[%mul3A_7, %dma_start3A] : memref<20000x16xf32, #tpu.memory_space<vmem_shared>> -> memref<1250x16xf32, #tpu.memory_space<vmem_shared>>
      %dma_start3A_29 = arith.constant 0 : i32
      %dma_start3A_30 = tpu.memref_slice %arg8[%mul3A_7, %dma_start3A_29] : memref<20000x16xf32, #tpu.memory_space<vmem_shared>> -> memref<1250x16xf32, #tpu.memory_space<vmem_shared>>
      tpu.enqueue_dma source(%arg7 : memref<1250x16xf32, #tpu.memory_space<vmem>>) target(%dma_start3A_30 : memref<1250x16xf32, #tpu.memory_space<vmem_shared>>) target_semaphore(%run_scoped3A : memref<!tpu.dma_semaphore, #tpu.memory_space<semaphore_mem>>)
      %dma_wait3A = arith.constant 0 : i32
      %dma_wait3A_31 = tpu.memref_slice %arg8[%mul3A_7, %dma_wait3A] : memref<20000x16xf32, #tpu.memory_space<vmem_shared>> -> memref<1250x16xf32, #tpu.memory_space<vmem_shared>>
      %dma_wait3A_32 = arith.constant 0 : i32
      %dma_wait3A_33 = tpu.memref_slice %arg8[%mul3A_7, %dma_wait3A_32] : memref<20000x16xf32, #tpu.memory_space<vmem_shared>> -> memref<1250x16xf32, #tpu.memory_space<vmem_shared>>
      tpu.wait_dma2 semaphore(%run_scoped3A : memref<!tpu.dma_semaphore, #tpu.memory_space<semaphore_mem>>) src(%arg7 : memref<1250x16xf32, #tpu.memory_space<vmem>>) dst(%dma_wait3A_33 : memref<1250x16xf32, #tpu.memory_space<vmem_shared>>)
      tpu.yield
    }) : () -> ()
    %barrier3A = arith.constant 0 : index
    tpu.barrier barrier_id(%barrier3A)
    %mul3A_8 = arith.constant 39 : i32
    %mul3A_9 = arith.muli %add3A, %mul3A_8 : i32
    "tpu.region"() ({
      %run_scoped3A = tpu.sem_alloc : memref<!tpu.dma_semaphore, #tpu.memory_space<semaphore_mem>>
      %dma_start3A = arith.constant 0 : i32
      %dma_start3A_28 = arith.constant 0 : i32
      %dma_start3A_29 = tpu.memref_slice %arg5[%dma_start3A, %dma_start3A_28] : memref<40x128xi32, #tpu.memory_space<vmem>> -> memref<39x128xi32, #tpu.memory_space<vmem>>
      %dma_start3A_30 = arith.constant 0 : i32
      %dma_start3A_31 = tpu.memref_slice %arg3[%mul3A_9, %dma_start3A_30] : memref<1250x128xi32, #tpu.memory_space<hbm>> -> memref<39x128xi32, #tpu.memory_space<hbm>>
      %dma_start3A_32 = arith.constant 0 : i32
      %dma_start3A_33 = arith.constant 0 : i32
      %dma_start3A_34 = tpu.memref_slice %arg5[%dma_start3A_32, %dma_start3A_33] : memref<40x128xi32, #tpu.memory_space<vmem>> -> memref<39x128xi32, #tpu.memory_space<vmem>>
      %dma_start3A_35 = arith.constant 0 : i32
      %dma_start3A_36 = tpu.memref_slice %arg3[%mul3A_9, %dma_start3A_35] : memref<1250x128xi32, #tpu.memory_space<hbm>> -> memref<39x128xi32, #tpu.memory_space<hbm>>
      tpu.enqueue_dma source(%dma_start3A_36 : memref<39x128xi32, #tpu.memory_space<hbm>>) target(%dma_start3A_34 : memref<39x128xi32, #tpu.memory_space<vmem>>) target_semaphore(%run_scoped3A : memref<!tpu.dma_semaphore, #tpu.memory_space<semaphore_mem>>)
      %dma_wait3A = arith.constant 0 : i32
      %dma_wait3A_37 = arith.constant 0 : i32
      %dma_wait3A_38 = tpu.memref_slice %arg5[%dma_wait3A, %dma_wait3A_37] : memref<40x128xi32, #tpu.memory_space<vmem>> -> memref<39x128xi32, #tpu.memory_space<vmem>>
      %dma_wait3A_39 = arith.constant 0 : i32
      %dma_wait3A_40 = tpu.memref_slice %arg3[%mul3A_9, %dma_wait3A_39] : memref<1250x128xi32, #tpu.memory_space<hbm>> -> memref<39x128xi32, #tpu.memory_space<hbm>>
      %dma_wait3A_41 = arith.constant 0 : i32
      %dma_wait3A_42 = arith.constant 0 : i32
      %dma_wait3A_43 = tpu.memref_slice %arg5[%dma_wait3A_41, %dma_wait3A_42] : memref<40x128xi32, #tpu.memory_space<vmem>> -> memref<39x128xi32, #tpu.memory_space<vmem>>
      %dma_wait3A_44 = arith.constant 0 : i32
      %dma_wait3A_45 = tpu.memref_slice %arg3[%mul3A_9, %dma_wait3A_44] : memref<1250x128xi32, #tpu.memory_space<hbm>> -> memref<39x128xi32, #tpu.memory_space<hbm>>
      tpu.wait_dma2 semaphore(%run_scoped3A : memref<!tpu.dma_semaphore, #tpu.memory_space<semaphore_mem>>) src(%dma_wait3A_45 : memref<39x128xi32, #tpu.memory_space<hbm>>) dst(%dma_wait3A_43 : memref<39x128xi32, #tpu.memory_space<vmem>>)
      tpu.yield
    }) : () -> ()
    %lt3A = arith.constant 2 : i32
    %lt3A_10 = arith.cmpi slt, %add3A, %lt3A : i32
    %convert_element_type3A = arith.extui %lt3A_10 : i1 to i32
    %cond3A = arith.constant 0 : i32
    %cond3A_11 = arith.cmpi ne, %convert_element_type3A, %cond3A : i32
    scf.if %cond3A_11 {
      %add3A_28 = arith.constant 1248 : i32
      %add3A_29 = arith.addi %add3A_28, %add3A : i32
      "tpu.region"() ({
        %run_scoped3A = tpu.sem_alloc : memref<!tpu.dma_semaphore, #tpu.memory_space<semaphore_mem>>
        %dma_start3A = arith.constant 39 : i32
        %dma_start3A_30 = arith.constant 0 : i32
        %dma_start3A_31 = tpu.memref_slice %arg5[%dma_start3A, %dma_start3A_30] : memref<40x128xi32, #tpu.memory_space<vmem>> -> memref<1x128xi32, #tpu.memory_space<vmem>>
        %dma_start3A_32 = arith.constant 0 : i32
        %dma_start3A_33 = tpu.memref_slice %arg3[%add3A_29, %dma_start3A_32] : memref<1250x128xi32, #tpu.memory_space<hbm>> -> memref<1x128xi32, #tpu.memory_space<hbm>>
        %dma_start3A_34 = arith.constant 39 : i32
        %dma_start3A_35 = arith.constant 0 : i32
        %dma_start3A_36 = tpu.memref_slice %arg5[%dma_start3A_34, %dma_start3A_35] : memref<40x128xi32, #tpu.memory_space<vmem>> -> memref<1x128xi32, #tpu.memory_space<vmem>>
        %dma_start3A_37 = arith.constant 0 : i32
        %dma_start3A_38 = tpu.memref_slice %arg3[%add3A_29, %dma_start3A_37] : memref<1250x128xi32, #tpu.memory_space<hbm>> -> memref<1x128xi32, #tpu.memory_space<hbm>>
        tpu.enqueue_dma source(%dma_start3A_38 : memref<1x128xi32, #tpu.memory_space<hbm>>) target(%dma_start3A_36 : memref<1x128xi32, #tpu.memory_space<vmem>>) target_semaphore(%run_scoped3A : memref<!tpu.dma_semaphore, #tpu.memory_space<semaphore_mem>>)
        %dma_wait3A = arith.constant 39 : i32
        %dma_wait3A_39 = arith.constant 0 : i32
        %dma_wait3A_40 = tpu.memref_slice %arg5[%dma_wait3A, %dma_wait3A_39] : memref<40x128xi32, #tpu.memory_space<vmem>> -> memref<1x128xi32, #tpu.memory_space<vmem>>
        %dma_wait3A_41 = arith.constant 0 : i32
        %dma_wait3A_42 = tpu.memref_slice %arg3[%add3A_29, %dma_wait3A_41] : memref<1250x128xi32, #tpu.memory_space<hbm>> -> memref<1x128xi32, #tpu.memory_space<hbm>>
        %dma_wait3A_43 = arith.constant 39 : i32
        %dma_wait3A_44 = arith.constant 0 : i32
        %dma_wait3A_45 = tpu.memref_slice %arg5[%dma_wait3A_43, %dma_wait3A_44] : memref<40x128xi32, #tpu.memory_space<vmem>> -> memref<1x128xi32, #tpu.memory_space<vmem>>
        %dma_wait3A_46 = arith.constant 0 : i32
        %dma_wait3A_47 = tpu.memref_slice %arg3[%add3A_29, %dma_wait3A_46] : memref<1250x128xi32, #tpu.memory_space<hbm>> -> memref<1x128xi32, #tpu.memory_space<hbm>>
        tpu.wait_dma2 semaphore(%run_scoped3A : memref<!tpu.dma_semaphore, #tpu.memory_space<semaphore_mem>>) src(%dma_wait3A_47 : memref<1x128xi32, #tpu.memory_space<hbm>>) dst(%dma_wait3A_45 : memref<1x128xi32, #tpu.memory_space<vmem>>)
        tpu.yield
      }) : () -> ()
    } else {
    }
    %scan3A_12 = arith.constant 0 : i32
    %scan3A_13 = arith.constant 0 : i32
    %scan3A_14 = arith.constant 39 : i32
    %scan3A_15 = arith.addi %scan3A_13, %scan3A_14 : i32
    %scan3A_16 = arith.constant 1 : i32
    scf.for %scan3A_28 = %scan3A_13 to %scan3A_15 step %scan3A_16  : i32 {
      %add3A_29 = arith.addi %mul3A_9, %scan3A_28 : i32
      %mul3A_30 = arith.constant 128 : i32
      %mul3A_31 = arith.muli %add3A_29, %mul3A_30 : i32
      "tpu.region"() ({
        %run_scoped3A = tpu.sem_alloc : memref<!tpu.dma_semaphore, #tpu.memory_space<semaphore_mem>>
        %dma_start3A = arith.constant 0 : i32
        %dma_start3A_32 = tpu.memref_slice %arg2[%mul3A_31, %dma_start3A] : memref<160000x16xf32, #tpu.memory_space<hbm>> -> memref<128x16xf32, #tpu.memory_space<hbm>>
        %dma_start3A_33 = arith.constant 0 : i32
        %dma_start3A_34 = tpu.memref_slice %arg2[%mul3A_31, %dma_start3A_33] : memref<160000x16xf32, #tpu.memory_space<hbm>> -> memref<128x16xf32, #tpu.memory_space<hbm>>
        tpu.enqueue_dma source(%dma_start3A_34 : memref<128x16xf32, #tpu.memory_space<hbm>>) target(%arg6 : memref<128x16xf32, #tpu.memory_space<vmem>>) target_semaphore(%run_scoped3A : memref<!tpu.dma_semaphore, #tpu.memory_space<semaphore_mem>>)
        %dma_wait3A = arith.constant 0 : i32
        %dma_wait3A_35 = tpu.memref_slice %arg2[%mul3A_31, %dma_wait3A] : memref<160000x16xf32, #tpu.memory_space<hbm>> -> memref<128x16xf32, #tpu.memory_space<hbm>>
        %dma_wait3A_36 = arith.constant 0 : i32
        %dma_wait3A_37 = tpu.memref_slice %arg2[%mul3A_31, %dma_wait3A_36] : memref<160000x16xf32, #tpu.memory_space<hbm>> -> memref<128x16xf32, #tpu.memory_space<hbm>>
        tpu.wait_dma2 semaphore(%run_scoped3A : memref<!tpu.dma_semaphore, #tpu.memory_space<semaphore_mem>>) src(%dma_wait3A_37 : memref<128x16xf32, #tpu.memory_space<hbm>>) dst(%arg6 : memref<128x16xf32, #tpu.memory_space<vmem>>)
        tpu.yield
      }) : () -> ()
      "tpu.region"() ({
        %run_scoped3A = tpu.sem_alloc : memref<!tpu.dma_semaphore, #tpu.memory_space<semaphore_mem>>
        %dma_start3A = arith.constant 0 : i32
        %dma_start3A_32 = tpu.memref_slice %arg5[%scan3A_28, %dma_start3A] : memref<40x128xi32, #tpu.memory_space<vmem>> -> memref<1x128xi32, #tpu.memory_space<vmem>>
        %dma_start3A_33 = tpu.memref_squeeze %dma_start3A_32 : memref<1x128xi32, #tpu.memory_space<vmem>> -> memref<128xi32, #tpu.memory_space<vmem>>
        %dma_start3A_34 = arith.constant 0 : i32
        %dma_start3A_35 = arith.constant 0 : i32
        %dma_start3A_36 = tpu.memref_slice %arg8[%dma_start3A_34, %dma_start3A_35] : memref<20000x16xf32, #tpu.memory_space<vmem_shared>> -> memref<20000x16xf32, #tpu.memory_space<vmem_shared>>
        tpu.enqueue_indirect_dma source(%arg6 : memref<128x16xf32, #tpu.memory_space<vmem>>) target(%dma_start3A_36 : memref<20000x16xf32, #tpu.memory_space<vmem_shared>>) offsets(%dma_start3A_33 : memref<128xi32, #tpu.memory_space<vmem>>) semaphore(%run_scoped3A : memref<!tpu.dma_semaphore, #tpu.memory_space<semaphore_mem>>) {add = true}
        %dma_wait3A = arith.constant 0 : i32
        %dma_wait3A_37 = tpu.memref_slice %arg5[%scan3A_28, %dma_wait3A] : memref<40x128xi32, #tpu.memory_space<vmem>> -> memref<1x128xi32, #tpu.memory_space<vmem>>
        %dma_wait3A_38 = tpu.memref_squeeze %dma_wait3A_37 : memref<1x128xi32, #tpu.memory_space<vmem>> -> memref<128xi32, #tpu.memory_space<vmem>>
        %dma_wait3A_39 = arith.constant 0 : i32
        %dma_wait3A_40 = arith.constant 0 : i32
        %dma_wait3A_41 = tpu.memref_slice %arg8[%dma_wait3A_39, %dma_wait3A_40] : memref<20000x16xf32, #tpu.memory_space<vmem_shared>> -> memref<20000x16xf32, #tpu.memory_space<vmem_shared>>
        tpu.wait_indirect_dma semaphore(%run_scoped3A : memref<!tpu.dma_semaphore, #tpu.memory_space<semaphore_mem>>) src(%arg6 : memref<128x16xf32, #tpu.memory_space<vmem>>) dst(%dma_wait3A_41 : memref<20000x16xf32, #tpu.memory_space<vmem_shared>>)
        tpu.yield
      }) : () -> ()
    }
    %scan3A_17 = arith.constant 39 : i32
    %lt3A_18 = arith.constant 2 : i32
    %lt3A_19 = arith.cmpi slt, %add3A, %lt3A_18 : i32
    %convert_element_type3A_20 = arith.extui %lt3A_19 : i1 to i32
    %cond3A_21 = arith.constant 0 : i32
    %cond3A_22 = arith.cmpi ne, %convert_element_type3A_20, %cond3A_21 : i32
    scf.if %cond3A_22 {
      %add3A_28 = arith.constant 1248 : i32
      %add3A_29 = arith.addi %add3A_28, %add3A : i32
      %mul3A_30 = arith.constant 128 : i32
      %mul3A_31 = arith.muli %add3A_29, %mul3A_30 : i32
      "tpu.region"() ({
        %run_scoped3A_32 = tpu.sem_alloc : memref<!tpu.dma_semaphore, #tpu.memory_space<semaphore_mem>>
        %dma_start3A = arith.constant 0 : i32
        %dma_start3A_33 = tpu.memref_slice %arg2[%mul3A_31, %dma_start3A] : memref<160000x16xf32, #tpu.memory_space<hbm>> -> memref<128x16xf32, #tpu.memory_space<hbm>>
        %dma_start3A_34 = arith.constant 0 : i32
        %dma_start3A_35 = tpu.memref_slice %arg2[%mul3A_31, %dma_start3A_34] : memref<160000x16xf32, #tpu.memory_space<hbm>> -> memref<128x16xf32, #tpu.memory_space<hbm>>
        tpu.enqueue_dma source(%dma_start3A_35 : memref<128x16xf32, #tpu.memory_space<hbm>>) target(%arg6 : memref<128x16xf32, #tpu.memory_space<vmem>>) target_semaphore(%run_scoped3A_32 : memref<!tpu.dma_semaphore, #tpu.memory_space<semaphore_mem>>)
        %dma_wait3A = arith.constant 0 : i32
        %dma_wait3A_36 = tpu.memref_slice %arg2[%mul3A_31, %dma_wait3A] : memref<160000x16xf32, #tpu.memory_space<hbm>> -> memref<128x16xf32, #tpu.memory_space<hbm>>
        %dma_wait3A_37 = arith.constant 0 : i32
        %dma_wait3A_38 = tpu.memref_slice %arg2[%mul3A_31, %dma_wait3A_37] : memref<160000x16xf32, #tpu.memory_space<hbm>> -> memref<128x16xf32, #tpu.memory_space<hbm>>
        tpu.wait_dma2 semaphore(%run_scoped3A_32 : memref<!tpu.dma_semaphore, #tpu.memory_space<semaphore_mem>>) src(%dma_wait3A_38 : memref<128x16xf32, #tpu.memory_space<hbm>>) dst(%arg6 : memref<128x16xf32, #tpu.memory_space<vmem>>)
        tpu.yield
      }) : () -> ()
      %run_scoped3A = arith.constant 39 : i32
      "tpu.region"() ({
        %run_scoped3A_32 = tpu.sem_alloc : memref<!tpu.dma_semaphore, #tpu.memory_space<semaphore_mem>>
        %dma_start3A = arith.constant 0 : i32
        %dma_start3A_33 = tpu.memref_slice %arg5[%run_scoped3A, %dma_start3A] : memref<40x128xi32, #tpu.memory_space<vmem>> -> memref<1x128xi32, #tpu.memory_space<vmem>>
        %dma_start3A_34 = tpu.memref_squeeze %dma_start3A_33 : memref<1x128xi32, #tpu.memory_space<vmem>> -> memref<128xi32, #tpu.memory_space<vmem>>
        %dma_start3A_35 = arith.constant 0 : i32
        %dma_start3A_36 = arith.constant 0 : i32
        %dma_start3A_37 = tpu.memref_slice %arg8[%dma_start3A_35, %dma_start3A_36] : memref<20000x16xf32, #tpu.memory_space<vmem_shared>> -> memref<20000x16xf32, #tpu.memory_space<vmem_shared>>
        tpu.enqueue_indirect_dma source(%arg6 : memref<128x16xf32, #tpu.memory_space<vmem>>) target(%dma_start3A_37 : memref<20000x16xf32, #tpu.memory_space<vmem_shared>>) offsets(%dma_start3A_34 : memref<128xi32, #tpu.memory_space<vmem>>) semaphore(%run_scoped3A_32 : memref<!tpu.dma_semaphore, #tpu.memory_space<semaphore_mem>>) {add = true}
        %dma_wait3A = arith.constant 0 : i32
        %dma_wait3A_38 = tpu.memref_slice %arg5[%run_scoped3A, %dma_wait3A] : memref<40x128xi32, #tpu.memory_space<vmem>> -> memref<1x128xi32, #tpu.memory_space<vmem>>
        %dma_wait3A_39 = tpu.memref_squeeze %dma_wait3A_38 : memref<1x128xi32, #tpu.memory_space<vmem>> -> memref<128xi32, #tpu.memory_space<vmem>>
        %dma_wait3A_40 = arith.constant 0 : i32
        %dma_wait3A_41 = arith.constant 0 : i32
        %dma_wait3A_42 = tpu.memref_slice %arg8[%dma_wait3A_40, %dma_wait3A_41] : memref<20000x16xf32, #tpu.memory_space<vmem_shared>> -> memref<20000x16xf32, #tpu.memory_space<vmem_shared>>
        tpu.wait_indirect_dma semaphore(%run_scoped3A_32 : memref<!tpu.dma_semaphore, #tpu.memory_space<semaphore_mem>>) src(%arg6 : memref<128x16xf32, #tpu.memory_space<vmem>>) dst(%dma_wait3A_42 : memref<20000x16xf32, #tpu.memory_space<vmem_shared>>)
        tpu.yield
      }) : () -> ()
    } else {
    }
    %barrier3A_23 = arith.constant 0 : index
    tpu.barrier barrier_id(%barrier3A_23)
    %mul3A_24 = arith.constant 1250 : i32
    %mul3A_25 = arith.muli %arg1, %mul3A_24 : i32
    %mul3A_26 = arith.constant 1250 : i32
    %mul3A_27 = arith.muli %arg1, %mul3A_26 : i32
    "tpu.region"() ({
      %run_scoped3A = tpu.sem_alloc : memref<!tpu.dma_semaphore, #tpu.memory_space<semaphore_mem>>
      %dma_start3A = arith.constant 0 : i32
      %dma_start3A_28 = arith.constant 0 : i32
      %dma_start3A_29 = tpu.memref_slice %arg4[%arg0, %dma_start3A, %dma_start3A_28] : memref<2x20000x16xf32, #tpu.memory_space<hbm>> -> memref<1x20000x16xf32, #tpu.memory_space<hbm>>
      %dma_start3A_30 = tpu.memref_squeeze %dma_start3A_29 : memref<1x20000x16xf32, #tpu.memory_space<hbm>> -> memref<20000x16xf32, #tpu.memory_space<hbm>>
      %dma_start3A_31 = arith.constant 0 : i32
      %dma_start3A_32 = tpu.memref_slice %dma_start3A_30[%mul3A_27, %dma_start3A_31] : memref<20000x16xf32, #tpu.memory_space<hbm>> -> memref<1250x16xf32, #tpu.memory_space<hbm>>
      %dma_start3A_33 = arith.constant 0 : i32
      %dma_start3A_34 = tpu.memref_slice %arg8[%mul3A_25, %dma_start3A_33] : memref<20000x16xf32, #tpu.memory_space<vmem_shared>> -> memref<1250x16xf32, #tpu.memory_space<vmem_shared>>
      tpu.enqueue_dma source(%dma_start3A_34 : memref<1250x16xf32, #tpu.memory_space<vmem_shared>>) target(%dma_start3A_32 : memref<1250x16xf32, #tpu.memory_space<hbm>>) target_semaphore(%run_scoped3A : memref<!tpu.dma_semaphore, #tpu.memory_space<semaphore_mem>>)
      %dma_wait3A = arith.constant 0 : i32
      %dma_wait3A_35 = arith.constant 0 : i32
      %dma_wait3A_36 = tpu.memref_slice %arg4[%arg0, %dma_wait3A, %dma_wait3A_35] : memref<2x20000x16xf32, #tpu.memory_space<hbm>> -> memref<1x20000x16xf32, #tpu.memory_space<hbm>>
      %dma_wait3A_37 = tpu.memref_squeeze %dma_wait3A_36 : memref<1x20000x16xf32, #tpu.memory_space<hbm>> -> memref<20000x16xf32, #tpu.memory_space<hbm>>
      %dma_wait3A_38 = arith.constant 0 : i32
      %dma_wait3A_39 = tpu.memref_slice %dma_wait3A_37[%mul3A_27, %dma_wait3A_38] : memref<20000x16xf32, #tpu.memory_space<hbm>> -> memref<1250x16xf32, #tpu.memory_space<hbm>>
      %dma_wait3A_40 = arith.constant 0 : i32
      %dma_wait3A_41 = tpu.memref_slice %arg8[%mul3A_25, %dma_wait3A_40] : memref<20000x16xf32, #tpu.memory_space<vmem_shared>> -> memref<1250x16xf32, #tpu.memory_space<vmem_shared>>
      tpu.wait_dma2 semaphore(%run_scoped3A : memref<!tpu.dma_semaphore, #tpu.memory_space<semaphore_mem>>) src(%dma_wait3A_41 : memref<1250x16xf32, #tpu.memory_space<vmem_shared>>) dst(%dma_wait3A_39 : memref<1250x16xf32, #tpu.memory_space<hbm>>)
      tpu.yield
    }) : () -> ()
    return
  }
}

#map = affine_map<(d0, d1) -> (0, 0)>
module attributes {stable_mosaic.version = 14 : i64} {
  func.func @k(%arg0: i32, %arg1: i32, %arg2: memref<20000x16xf32, #tpu.memory_space<hbm>>, %arg3: memref<2500x128xi32, #tpu.memory_space<hbm>>, %arg4: memref<320000x16xf32, #tpu.memory_space<hbm>>, %arg5: memref<79x128xi32, #tpu.memory_space<vmem>>, %arg6: memref<128x16xf32, #tpu.memory_space<vmem>>, %arg7: memref<!tpu.dma_semaphore, #tpu.memory_space<semaphore_mem>>) attributes {dimension_semantics = [#tpu.dimension_semantics<core_parallel>, #tpu.dimension_semantics<subcore_parallel>], iteration_bounds = array<i64: 2, 16>, scalar_prefetch = 0 : i64, scratch_operands = 3 : i64, tpu.core_type = #tpu.core_type<sc_vector_subcore>, window_params = [{transform_indices = #map}, {transform_indices = #map}, {transform_indices = #map}]} {
    %mul3A = arith.constant 2 : i32
    %mul3A_0 = arith.muli %arg1, %mul3A : i32
    %add3A = arith.addi %mul3A_0, %arg0 : i32
    %mul3A_1 = arith.constant 78 : i32
    %mul3A_2 = arith.muli %add3A, %mul3A_1 : i32
    "tpu.region"() ({
      %run_scoped3A = tpu.sem_alloc : memref<!tpu.dma_semaphore, #tpu.memory_space<semaphore_mem>>
      %dma_start3A = arith.constant 0 : i32
      %dma_start3A_15 = arith.constant 0 : i32
      %dma_start3A_16 = tpu.memref_slice %arg5[%dma_start3A, %dma_start3A_15] : memref<79x128xi32, #tpu.memory_space<vmem>> -> memref<78x128xi32, #tpu.memory_space<vmem>>
      %dma_start3A_17 = arith.constant 0 : i32
      %dma_start3A_18 = tpu.memref_slice %arg3[%mul3A_2, %dma_start3A_17] : memref<2500x128xi32, #tpu.memory_space<hbm>> -> memref<78x128xi32, #tpu.memory_space<hbm>>
      %dma_start3A_19 = arith.constant 0 : i32
      %dma_start3A_20 = arith.constant 0 : i32
      %dma_start3A_21 = tpu.memref_slice %arg5[%dma_start3A_19, %dma_start3A_20] : memref<79x128xi32, #tpu.memory_space<vmem>> -> memref<78x128xi32, #tpu.memory_space<vmem>>
      %dma_start3A_22 = arith.constant 0 : i32
      %dma_start3A_23 = tpu.memref_slice %arg3[%mul3A_2, %dma_start3A_22] : memref<2500x128xi32, #tpu.memory_space<hbm>> -> memref<78x128xi32, #tpu.memory_space<hbm>>
      tpu.enqueue_dma source(%dma_start3A_23 : memref<78x128xi32, #tpu.memory_space<hbm>>) target(%dma_start3A_21 : memref<78x128xi32, #tpu.memory_space<vmem>>) target_semaphore(%run_scoped3A : memref<!tpu.dma_semaphore, #tpu.memory_space<semaphore_mem>>)
      %dma_wait3A = arith.constant 0 : i32
      %dma_wait3A_24 = arith.constant 0 : i32
      %dma_wait3A_25 = tpu.memref_slice %arg5[%dma_wait3A, %dma_wait3A_24] : memref<79x128xi32, #tpu.memory_space<vmem>> -> memref<78x128xi32, #tpu.memory_space<vmem>>
      %dma_wait3A_26 = arith.constant 0 : i32
      %dma_wait3A_27 = tpu.memref_slice %arg3[%mul3A_2, %dma_wait3A_26] : memref<2500x128xi32, #tpu.memory_space<hbm>> -> memref<78x128xi32, #tpu.memory_space<hbm>>
      %dma_wait3A_28 = arith.constant 0 : i32
      %dma_wait3A_29 = arith.constant 0 : i32
      %dma_wait3A_30 = tpu.memref_slice %arg5[%dma_wait3A_28, %dma_wait3A_29] : memref<79x128xi32, #tpu.memory_space<vmem>> -> memref<78x128xi32, #tpu.memory_space<vmem>>
      %dma_wait3A_31 = arith.constant 0 : i32
      %dma_wait3A_32 = tpu.memref_slice %arg3[%mul3A_2, %dma_wait3A_31] : memref<2500x128xi32, #tpu.memory_space<hbm>> -> memref<78x128xi32, #tpu.memory_space<hbm>>
      tpu.wait_dma2 semaphore(%run_scoped3A : memref<!tpu.dma_semaphore, #tpu.memory_space<semaphore_mem>>) src(%dma_wait3A_32 : memref<78x128xi32, #tpu.memory_space<hbm>>) dst(%dma_wait3A_30 : memref<78x128xi32, #tpu.memory_space<vmem>>)
      tpu.yield
    }) : () -> ()
    %lt3A = arith.constant 4 : i32
    %lt3A_3 = arith.cmpi slt, %add3A, %lt3A : i32
    %convert_element_type3A = arith.extui %lt3A_3 : i1 to i32
    %cond3A = arith.constant 0 : i32
    %cond3A_4 = arith.cmpi ne, %convert_element_type3A, %cond3A : i32
    scf.if %cond3A_4 {
      %add3A_15 = arith.constant 2496 : i32
      %add3A_16 = arith.addi %add3A_15, %add3A : i32
      "tpu.region"() ({
        %run_scoped3A = tpu.sem_alloc : memref<!tpu.dma_semaphore, #tpu.memory_space<semaphore_mem>>
        %dma_start3A = arith.constant 78 : i32
        %dma_start3A_17 = arith.constant 0 : i32
        %dma_start3A_18 = tpu.memref_slice %arg5[%dma_start3A, %dma_start3A_17] : memref<79x128xi32, #tpu.memory_space<vmem>> -> memref<1x128xi32, #tpu.memory_space<vmem>>
        %dma_start3A_19 = arith.constant 0 : i32
        %dma_start3A_20 = tpu.memref_slice %arg3[%add3A_16, %dma_start3A_19] : memref<2500x128xi32, #tpu.memory_space<hbm>> -> memref<1x128xi32, #tpu.memory_space<hbm>>
        %dma_start3A_21 = arith.constant 78 : i32
        %dma_start3A_22 = arith.constant 0 : i32
        %dma_start3A_23 = tpu.memref_slice %arg5[%dma_start3A_21, %dma_start3A_22] : memref<79x128xi32, #tpu.memory_space<vmem>> -> memref<1x128xi32, #tpu.memory_space<vmem>>
        %dma_start3A_24 = arith.constant 0 : i32
        %dma_start3A_25 = tpu.memref_slice %arg3[%add3A_16, %dma_start3A_24] : memref<2500x128xi32, #tpu.memory_space<hbm>> -> memref<1x128xi32, #tpu.memory_space<hbm>>
        tpu.enqueue_dma source(%dma_start3A_25 : memref<1x128xi32, #tpu.memory_space<hbm>>) target(%dma_start3A_23 : memref<1x128xi32, #tpu.memory_space<vmem>>) target_semaphore(%run_scoped3A : memref<!tpu.dma_semaphore, #tpu.memory_space<semaphore_mem>>)
        %dma_wait3A = arith.constant 78 : i32
        %dma_wait3A_26 = arith.constant 0 : i32
        %dma_wait3A_27 = tpu.memref_slice %arg5[%dma_wait3A, %dma_wait3A_26] : memref<79x128xi32, #tpu.memory_space<vmem>> -> memref<1x128xi32, #tpu.memory_space<vmem>>
        %dma_wait3A_28 = arith.constant 0 : i32
        %dma_wait3A_29 = tpu.memref_slice %arg3[%add3A_16, %dma_wait3A_28] : memref<2500x128xi32, #tpu.memory_space<hbm>> -> memref<1x128xi32, #tpu.memory_space<hbm>>
        %dma_wait3A_30 = arith.constant 78 : i32
        %dma_wait3A_31 = arith.constant 0 : i32
        %dma_wait3A_32 = tpu.memref_slice %arg5[%dma_wait3A_30, %dma_wait3A_31] : memref<79x128xi32, #tpu.memory_space<vmem>> -> memref<1x128xi32, #tpu.memory_space<vmem>>
        %dma_wait3A_33 = arith.constant 0 : i32
        %dma_wait3A_34 = tpu.memref_slice %arg3[%add3A_16, %dma_wait3A_33] : memref<2500x128xi32, #tpu.memory_space<hbm>> -> memref<1x128xi32, #tpu.memory_space<hbm>>
        tpu.wait_dma2 semaphore(%run_scoped3A : memref<!tpu.dma_semaphore, #tpu.memory_space<semaphore_mem>>) src(%dma_wait3A_34 : memref<1x128xi32, #tpu.memory_space<hbm>>) dst(%dma_wait3A_32 : memref<1x128xi32, #tpu.memory_space<vmem>>)
        tpu.yield
      }) : () -> ()
    } else {
    }
    %scan3A = arith.constant 0 : i32
    %scan3A_5 = arith.constant 0 : i32
    %scan3A_6 = arith.constant 78 : i32
    %scan3A_7 = arith.addi %scan3A_5, %scan3A_6 : i32
    %scan3A_8 = arith.constant 1 : i32
    scf.for %scan3A_15 = %scan3A_5 to %scan3A_7 step %scan3A_8  : i32 {
      %dma_start3A = arith.constant 0 : i32
      %dma_start3A_16 = tpu.memref_slice %arg5[%scan3A_15, %dma_start3A] : memref<79x128xi32, #tpu.memory_space<vmem>> -> memref<1x128xi32, #tpu.memory_space<vmem>>
      %dma_start3A_17 = tpu.memref_squeeze %dma_start3A_16 : memref<1x128xi32, #tpu.memory_space<vmem>> -> memref<128xi32, #tpu.memory_space<vmem>>
      %dma_start3A_18 = arith.constant 0 : i32
      %dma_start3A_19 = arith.constant 0 : i32
      %dma_start3A_20 = tpu.memref_slice %arg2[%dma_start3A_18, %dma_start3A_19] : memref<20000x16xf32, #tpu.memory_space<hbm>> -> memref<20000x16xf32, #tpu.memory_space<hbm>>
      tpu.enqueue_indirect_dma source(%dma_start3A_20 : memref<20000x16xf32, #tpu.memory_space<hbm>>) target(%arg6 : memref<128x16xf32, #tpu.memory_space<vmem>>) offsets(%dma_start3A_17 : memref<128xi32, #tpu.memory_space<vmem>>) semaphore(%arg7 : memref<!tpu.dma_semaphore, #tpu.memory_space<semaphore_mem>>)
      %dma_wait3A = arith.constant 0 : i32
      %dma_wait3A_21 = tpu.memref_slice %arg5[%scan3A_15, %dma_wait3A] : memref<79x128xi32, #tpu.memory_space<vmem>> -> memref<1x128xi32, #tpu.memory_space<vmem>>
      %dma_wait3A_22 = tpu.memref_squeeze %dma_wait3A_21 : memref<1x128xi32, #tpu.memory_space<vmem>> -> memref<128xi32, #tpu.memory_space<vmem>>
      %dma_wait3A_23 = arith.constant 0 : i32
      %dma_wait3A_24 = arith.constant 0 : i32
      %dma_wait3A_25 = tpu.memref_slice %arg2[%dma_wait3A_23, %dma_wait3A_24] : memref<20000x16xf32, #tpu.memory_space<hbm>> -> memref<20000x16xf32, #tpu.memory_space<hbm>>
      tpu.wait_indirect_dma semaphore(%arg7 : memref<!tpu.dma_semaphore, #tpu.memory_space<semaphore_mem>>) src(%dma_wait3A_25 : memref<20000x16xf32, #tpu.memory_space<hbm>>) dst(%arg6 : memref<128x16xf32, #tpu.memory_space<vmem>>)
      %add3A_26 = arith.addi %mul3A_2, %scan3A_15 : i32
      %mul3A_27 = arith.constant 128 : i32
      %mul3A_28 = arith.muli %add3A_26, %mul3A_27 : i32
      "tpu.region"() ({
        %run_scoped3A = tpu.sem_alloc : memref<!tpu.dma_semaphore, #tpu.memory_space<semaphore_mem>>
        %dma_start3A_29 = arith.constant 0 : i32
        %dma_start3A_30 = tpu.memref_slice %arg4[%mul3A_28, %dma_start3A_29] : memref<320000x16xf32, #tpu.memory_space<hbm>> -> memref<128x16xf32, #tpu.memory_space<hbm>>
        %dma_start3A_31 = arith.constant 0 : i32
        %dma_start3A_32 = tpu.memref_slice %arg4[%mul3A_28, %dma_start3A_31] : memref<320000x16xf32, #tpu.memory_space<hbm>> -> memref<128x16xf32, #tpu.memory_space<hbm>>
        tpu.enqueue_dma source(%arg6 : memref<128x16xf32, #tpu.memory_space<vmem>>) target(%dma_start3A_32 : memref<128x16xf32, #tpu.memory_space<hbm>>) target_semaphore(%run_scoped3A : memref<!tpu.dma_semaphore, #tpu.memory_space<semaphore_mem>>)
        %dma_wait3A_33 = arith.constant 0 : i32
        %dma_wait3A_34 = tpu.memref_slice %arg4[%mul3A_28, %dma_wait3A_33] : memref<320000x16xf32, #tpu.memory_space<hbm>> -> memref<128x16xf32, #tpu.memory_space<hbm>>
        %dma_wait3A_35 = arith.constant 0 : i32
        %dma_wait3A_36 = tpu.memref_slice %arg4[%mul3A_28, %dma_wait3A_35] : memref<320000x16xf32, #tpu.memory_space<hbm>> -> memref<128x16xf32, #tpu.memory_space<hbm>>
        tpu.wait_dma2 semaphore(%run_scoped3A : memref<!tpu.dma_semaphore, #tpu.memory_space<semaphore_mem>>) src(%arg6 : memref<128x16xf32, #tpu.memory_space<vmem>>) dst(%dma_wait3A_36 : memref<128x16xf32, #tpu.memory_space<hbm>>)
        tpu.yield
      }) : () -> ()
    }
    %scan3A_9 = arith.constant 78 : i32
    %lt3A_10 = arith.constant 4 : i32
    %lt3A_11 = arith.cmpi slt, %add3A, %lt3A_10 : i32
    %convert_element_type3A_12 = arith.extui %lt3A_11 : i1 to i32
    %cond3A_13 = arith.constant 0 : i32
    %cond3A_14 = arith.cmpi ne, %convert_element_type3A_12, %cond3A_13 : i32
    scf.if %cond3A_14 {
      %dma_start3A = arith.constant 78 : i32
      %dma_start3A_15 = arith.constant 0 : i32
      %dma_start3A_16 = tpu.memref_slice %arg5[%dma_start3A, %dma_start3A_15] : memref<79x128xi32, #tpu.memory_space<vmem>> -> memref<1x128xi32, #tpu.memory_space<vmem>>
      %dma_start3A_17 = tpu.memref_squeeze %dma_start3A_16 : memref<1x128xi32, #tpu.memory_space<vmem>> -> memref<128xi32, #tpu.memory_space<vmem>>
      %dma_start3A_18 = arith.constant 0 : i32
      %dma_start3A_19 = arith.constant 0 : i32
      %dma_start3A_20 = tpu.memref_slice %arg2[%dma_start3A_18, %dma_start3A_19] : memref<20000x16xf32, #tpu.memory_space<hbm>> -> memref<20000x16xf32, #tpu.memory_space<hbm>>
      tpu.enqueue_indirect_dma source(%dma_start3A_20 : memref<20000x16xf32, #tpu.memory_space<hbm>>) target(%arg6 : memref<128x16xf32, #tpu.memory_space<vmem>>) offsets(%dma_start3A_17 : memref<128xi32, #tpu.memory_space<vmem>>) semaphore(%arg7 : memref<!tpu.dma_semaphore, #tpu.memory_space<semaphore_mem>>)
      %dma_wait3A = arith.constant 78 : i32
      %dma_wait3A_21 = arith.constant 0 : i32
      %dma_wait3A_22 = tpu.memref_slice %arg5[%dma_wait3A, %dma_wait3A_21] : memref<79x128xi32, #tpu.memory_space<vmem>> -> memref<1x128xi32, #tpu.memory_space<vmem>>
      %dma_wait3A_23 = tpu.memref_squeeze %dma_wait3A_22 : memref<1x128xi32, #tpu.memory_space<vmem>> -> memref<128xi32, #tpu.memory_space<vmem>>
      %dma_wait3A_24 = arith.constant 0 : i32
      %dma_wait3A_25 = arith.constant 0 : i32
      %dma_wait3A_26 = tpu.memref_slice %arg2[%dma_wait3A_24, %dma_wait3A_25] : memref<20000x16xf32, #tpu.memory_space<hbm>> -> memref<20000x16xf32, #tpu.memory_space<hbm>>
      tpu.wait_indirect_dma semaphore(%arg7 : memref<!tpu.dma_semaphore, #tpu.memory_space<semaphore_mem>>) src(%dma_wait3A_26 : memref<20000x16xf32, #tpu.memory_space<hbm>>) dst(%arg6 : memref<128x16xf32, #tpu.memory_space<vmem>>)
      %add3A_27 = arith.constant 2496 : i32
      %add3A_28 = arith.addi %add3A_27, %add3A : i32
      %mul3A_29 = arith.constant 128 : i32
      %mul3A_30 = arith.muli %add3A_28, %mul3A_29 : i32
      "tpu.region"() ({
        %run_scoped3A = tpu.sem_alloc : memref<!tpu.dma_semaphore, #tpu.memory_space<semaphore_mem>>
        %dma_start3A_31 = arith.constant 0 : i32
        %dma_start3A_32 = tpu.memref_slice %arg4[%mul3A_30, %dma_start3A_31] : memref<320000x16xf32, #tpu.memory_space<hbm>> -> memref<128x16xf32, #tpu.memory_space<hbm>>
        %dma_start3A_33 = arith.constant 0 : i32
        %dma_start3A_34 = tpu.memref_slice %arg4[%mul3A_30, %dma_start3A_33] : memref<320000x16xf32, #tpu.memory_space<hbm>> -> memref<128x16xf32, #tpu.memory_space<hbm>>
        tpu.enqueue_dma source(%arg6 : memref<128x16xf32, #tpu.memory_space<vmem>>) target(%dma_start3A_34 : memref<128x16xf32, #tpu.memory_space<hbm>>) target_semaphore(%run_scoped3A : memref<!tpu.dma_semaphore, #tpu.memory_space<semaphore_mem>>)
        %dma_wait3A_35 = arith.constant 0 : i32
        %dma_wait3A_36 = tpu.memref_slice %arg4[%mul3A_30, %dma_wait3A_35] : memref<320000x16xf32, #tpu.memory_space<hbm>> -> memref<128x16xf32, #tpu.memory_space<hbm>>
        %dma_wait3A_37 = arith.constant 0 : i32
        %dma_wait3A_38 = tpu.memref_slice %arg4[%mul3A_30, %dma_wait3A_37] : memref<320000x16xf32, #tpu.memory_space<hbm>> -> memref<128x16xf32, #tpu.memory_space<hbm>>
        tpu.wait_dma2 semaphore(%run_scoped3A : memref<!tpu.dma_semaphore, #tpu.memory_space<semaphore_mem>>) src(%arg6 : memref<128x16xf32, #tpu.memory_space<vmem>>) dst(%dma_wait3A_38 : memref<128x16xf32, #tpu.memory_space<hbm>>)
        tpu.yield
      }) : () -> ()
    } else {
    }
    return
  }
}

module attributes {stable_mosaic.version = 14 : i64} {
  func.func @body(%arg0: i32, %arg1: memref<1600x32xf32, #tpu.memory_space<vmem>>, %arg2: memref<1600x32xf32, #tpu.memory_space<vmem>>, %arg3: memref<1600x32xf32, #tpu.memory_space<vmem>>, %arg4: memref<2x480xf32, #tpu.memory_space<vmem>>, %arg5: memref<1x480xf32, #tpu.memory_space<vmem>>, %arg6: memref<30x480xf32, #tpu.memory_space<vmem>>, %arg7: memref<480x16xf32, #tpu.memory_space<vmem>>, %arg8: memref<1600x16xf32, #tpu.memory_space<vmem>>) attributes {dimension_semantics = [#tpu.dimension_semantics<arbitrary>], iteration_bounds = array<i64: 100>, scalar_prefetch = 0 : i64, scratch_operands = 0 : i64, tpu.core_type = #tpu.core_type<tc>, window_params = [{transform_indices = @transform_0, window_bounds = array<i64: 1600, 32>}, {transform_indices = @transform_1, window_bounds = array<i64: 1600, 32>}, {transform_indices = @transform_2, window_bounds = array<i64: 1600, 32>}, {pipeline_mode = #tpu.pipeline_mode<synchronous>, transform_indices = @transform_3, window_bounds = array<i64: 2, 480>}, {pipeline_mode = #tpu.pipeline_mode<synchronous>, transform_indices = @transform_4, window_bounds = array<i64: 1, 480>}, {pipeline_mode = #tpu.pipeline_mode<synchronous>, transform_indices = @transform_5, window_bounds = array<i64: 30, 480>}, {pipeline_mode = #tpu.pipeline_mode<synchronous>, transform_indices = @transform_6, window_bounds = array<i64: 480, 16>}, {transform_indices = @transform_7, window_bounds = array<i64: 1600, 16>}]} {
    %get3A = arith.constant 0 : index
    %get3A_0 = arith.constant 0 : index
    %get3A_1 = vector.load %arg1[%get3A, %get3A_0] : memref<1600x32xf32, #tpu.memory_space<vmem>>, vector<1600x2xf32>
    %get3A_2 = arith.constant 0 : index
    %get3A_3 = arith.constant 0 : index
    %get3A_4 = vector.load %arg2[%get3A_2, %get3A_3] : memref<1600x32xf32, #tpu.memory_space<vmem>>, vector<1600x2xf32>
    %sub3A = arith.subf %get3A_1, %get3A_4 : vector<1600x2xf32>
    %convert_element_type3A = arith.truncf %sub3A : vector<1600x2xf32> to vector<1600x2xbf16>
    %get3A_5 = arith.constant 0 : index
    %get3A_6 = arith.constant 0 : index
    %get3A_7 = vector.load %arg4[%get3A_5, %get3A_6] : memref<2x480xf32, #tpu.memory_space<vmem>>, vector<2x480xf32>
    %convert_element_type3A_8 = arith.truncf %get3A_7 : vector<2x480xf32> to vector<2x480xbf16>
    %dot_general3A = arith.constant dense<0.000000e+00> : vector<1600x480xf32>
    %dot_general3A_9 = tpu.matmul %convert_element_type3A, %convert_element_type3A_8, %dot_general3A {dimension_numbers = #tpu.dot_dimension_numbers<[1], [0], [0], [1], [0, 0, 1, 1], [], []>, transpose_lhs_hint = false} : vector<1600x2xbf16>, vector<2x480xbf16>, vector<1600x480xf32> -> vector<1600x480xf32>
    %get3A_10 = arith.constant 0 : index
    %get3A_11 = arith.constant 0 : index
    %get3A_12 = vector.load %arg5[%get3A_10, %get3A_11] : memref<1x480xf32, #tpu.memory_space<vmem>>, vector<1x480xf32>
    %add3A = vector.broadcast %get3A_12 : vector<1x480xf32> to vector<1600x480xf32>
    %add3A_13 = arith.addf %dot_general3A_9, %add3A : vector<1600x480xf32>
    %max3A = arith.constant 0.000000e+00 : f32
    %max3A_14 = vector.broadcast %max3A : f32 to vector<1600x480xf32>
    %max3A_15 = arith.maximumf %add3A_13, %max3A_14 : vector<1600x480xf32>
    %get3A_16 = arith.constant 0 : index
    %get3A_17 = arith.constant 2 : index
    %get3A_18 = vector.load %arg3[%get3A_16, %get3A_17] : memref<1600x32xf32, #tpu.memory_space<vmem>>, vector<1600x30xf32>
    %get3A_19 = arith.constant 0 : index
    %get3A_20 = arith.constant 0 : index
    %get3A_21 = vector.load %arg6[%get3A_19, %get3A_20] : memref<30x480xf32, #tpu.memory_space<vmem>>, vector<30x480xf32>
    %convert_element_type3A_22 = arith.truncf %get3A_18 : vector<1600x30xf32> to vector<1600x30xbf16>
    %convert_element_type3A_23 = arith.extf %convert_element_type3A_22 : vector<1600x30xbf16> to vector<1600x30xf32>
    %sub3A_24 = arith.subf %get3A_18, %convert_element_type3A_23 : vector<1600x30xf32>
    %convert_element_type3A_25 = arith.truncf %sub3A_24 : vector<1600x30xf32> to vector<1600x30xbf16>
    %convert_element_type3A_26 = arith.extf %convert_element_type3A_25 : vector<1600x30xbf16> to vector<1600x30xf32>
    %sub3A_27 = arith.subf %sub3A_24, %convert_element_type3A_26 : vector<1600x30xf32>
    %convert_element_type3A_28 = arith.truncf %sub3A_27 : vector<1600x30xf32> to vector<1600x30xbf16>
    %convert_element_type3A_29 = arith.truncf %get3A_21 : vector<30x480xf32> to vector<30x480xbf16>
    %dot_general3A_30 = arith.constant dense<0.000000e+00> : vector<1600x480xf32>
    %dot_general3A_31 = tpu.matmul %convert_element_type3A_22, %convert_element_type3A_29, %dot_general3A_30 {dimension_numbers = #tpu.dot_dimension_numbers<[1], [0], [0], [1], [0, 0, 1, 1], [], []>, transpose_lhs_hint = false} : vector<1600x30xbf16>, vector<30x480xbf16>, vector<1600x480xf32> -> vector<1600x480xf32>
    %dot_general3A_32 = arith.constant dense<0.000000e+00> : vector<1600x480xf32>
    %dot_general3A_33 = tpu.matmul %convert_element_type3A_25, %convert_element_type3A_29, %dot_general3A_32 {dimension_numbers = #tpu.dot_dimension_numbers<[1], [0], [0], [1], [0, 0, 1, 1], [], []>, transpose_lhs_hint = false} : vector<1600x30xbf16>, vector<30x480xbf16>, vector<1600x480xf32> -> vector<1600x480xf32>
    %add3A_34 = arith.addf %dot_general3A_31, %dot_general3A_33 : vector<1600x480xf32>
    %dot_general3A_35 = arith.constant dense<0.000000e+00> : vector<1600x480xf32>
    %dot_general3A_36 = tpu.matmul %convert_element_type3A_28, %convert_element_type3A_29, %dot_general3A_35 {dimension_numbers = #tpu.dot_dimension_numbers<[1], [0], [0], [1], [0, 0, 1, 1], [], []>, transpose_lhs_hint = false} : vector<1600x30xbf16>, vector<30x480xbf16>, vector<1600x480xf32> -> vector<1600x480xf32>
    %add3A_37 = arith.addf %add3A_34, %dot_general3A_36 : vector<1600x480xf32>
    %mul3A = arith.mulf %max3A_15, %add3A_37 : vector<1600x480xf32>
    %get3A_38 = arith.constant 0 : index
    %get3A_39 = arith.constant 0 : index
    %get3A_40 = vector.load %arg7[%get3A_38, %get3A_39] : memref<480x16xf32, #tpu.memory_space<vmem>>, vector<480x16xf32>
    %convert_element_type3A_41 = arith.truncf %mul3A : vector<1600x480xf32> to vector<1600x480xbf16>
    %convert_element_type3A_42 = arith.extf %convert_element_type3A_41 : vector<1600x480xbf16> to vector<1600x480xf32>
    %sub3A_43 = arith.subf %mul3A, %convert_element_type3A_42 : vector<1600x480xf32>
    %convert_element_type3A_44 = arith.truncf %sub3A_43 : vector<1600x480xf32> to vector<1600x480xbf16>
    %convert_element_type3A_45 = arith.extf %convert_element_type3A_44 : vector<1600x480xbf16> to vector<1600x480xf32>
    %sub3A_46 = arith.subf %sub3A_43, %convert_element_type3A_45 : vector<1600x480xf32>
    %convert_element_type3A_47 = arith.truncf %sub3A_46 : vector<1600x480xf32> to vector<1600x480xbf16>
    %convert_element_type3A_48 = arith.truncf %get3A_40 : vector<480x16xf32> to vector<480x16xbf16>
    %dot_general3A_49 = arith.constant dense<0.000000e+00> : vector<1600x16xf32>
    %dot_general3A_50 = tpu.matmul %convert_element_type3A_41, %convert_element_type3A_48, %dot_general3A_49 {dimension_numbers = #tpu.dot_dimension_numbers<[1], [0], [0], [1], [0, 0, 1, 1], [], []>, transpose_lhs_hint = false} : vector<1600x480xbf16>, vector<480x16xbf16>, vector<1600x16xf32> -> vector<1600x16xf32>
    %dot_general3A_51 = arith.constant dense<0.000000e+00> : vector<1600x16xf32>
    %dot_general3A_52 = tpu.matmul %convert_element_type3A_44, %convert_element_type3A_48, %dot_general3A_51 {dimension_numbers = #tpu.dot_dimension_numbers<[1], [0], [0], [1], [0, 0, 1, 1], [], []>, transpose_lhs_hint = false} : vector<1600x480xbf16>, vector<480x16xbf16>, vector<1600x16xf32> -> vector<1600x16xf32>
    %add3A_53 = arith.addf %dot_general3A_50, %dot_general3A_52 : vector<1600x16xf32>
    %dot_general3A_54 = arith.constant dense<0.000000e+00> : vector<1600x16xf32>
    %dot_general3A_55 = tpu.matmul %convert_element_type3A_47, %convert_element_type3A_48, %dot_general3A_54 {dimension_numbers = #tpu.dot_dimension_numbers<[1], [0], [0], [1], [0, 0, 1, 1], [], []>, transpose_lhs_hint = false} : vector<1600x480xbf16>, vector<480x16xbf16>, vector<1600x16xf32> -> vector<1600x16xf32>
    %add3A_56 = arith.addf %add3A_53, %dot_general3A_55 : vector<1600x16xf32>
    %swap3A = arith.constant 0 : index
    %swap3A_57 = arith.constant 0 : index
    %swap3A_58 = vector.load %arg8[%swap3A, %swap3A_57] : memref<1600x16xf32, #tpu.memory_space<vmem>>, vector<1600x16xf32>
    tpu.vector_store %arg8[%swap3A, %swap3A_57], %add3A_56 {strides = array<i32>} : memref<1600x16xf32, #tpu.memory_space<vmem>>, vector<1600x16xf32>,
    return
  }
  func.func @transform_0(%arg0: i32) -> (i32, i32) {
    %c0_i32 = arith.constant 0 : i32
    %c0_i32_0 = arith.constant 0 : i32
    return %arg0, %c0_i32 : i32, i32
  }
  func.func @transform_1(%arg0: i32) -> (i32, i32) {
    %add3A = arith.constant 100 : i32
    %add3A_0 = arith.addi %arg0, %add3A : i32
    %c0_i32 = arith.constant 0 : i32
    %c0_i32_1 = arith.constant 0 : i32
    return %add3A_0, %c0_i32 : i32, i32
  }
  func.func @transform_2(%arg0: i32) -> (i32, i32) {
    %c0_i32 = arith.constant 0 : i32
    %c0_i32_0 = arith.constant 0 : i32
    return %arg0, %c0_i32 : i32, i32
  }
  func.func @transform_3(%arg0: i32) -> (i32, i32) {
    %c0_i32 = arith.constant 0 : i32
    %c0_i32_0 = arith.constant 0 : i32
    %c0_i32_1 = arith.constant 0 : i32
    return %c0_i32, %c0_i32_0 : i32, i32
  }
  func.func @transform_4(%arg0: i32) -> (i32, i32) {
    %c0_i32 = arith.constant 0 : i32
    %c0_i32_0 = arith.constant 0 : i32
    %c0_i32_1 = arith.constant 0 : i32
    return %c0_i32, %c0_i32_0 : i32, i32
  }
  func.func @transform_5(%arg0: i32) -> (i32, i32) {
    %c0_i32 = arith.constant 0 : i32
    %c0_i32_0 = arith.constant 0 : i32
    %c0_i32_1 = arith.constant 0 : i32
    return %c0_i32, %c0_i32_0 : i32, i32
  }
  func.func @transform_6(%arg0: i32) -> (i32, i32) {
    %c0_i32 = arith.constant 0 : i32
    %c0_i32_0 = arith.constant 0 : i32
    %c0_i32_1 = arith.constant 0 : i32
    return %c0_i32, %c0_i32_0 : i32, i32
  }
  func.func @transform_7(%arg0: i32) -> (i32, i32) {
    %c0_i32 = arith.constant 0 : i32
    %c0_i32_0 = arith.constant 0 : i32
    return %arg0, %c0_i32 : i32, i32
  }
}

module attributes {stable_mosaic.version = 14 : i64} {
  func.func @body(%arg0: i32, %arg1: memref<1x4000x16xf32, #tpu.memory_space<vmem>>, %arg2: memref<1x4000x16xf32, #tpu.memory_space<vmem>>, %arg3: memref<16x16xf32, #tpu.memory_space<vmem>>, %arg4: memref<1x16xf32, #tpu.memory_space<vmem>>, %arg5: memref<4000x16xf32, #tpu.memory_space<vmem>>) attributes {dimension_semantics = [#tpu.dimension_semantics<arbitrary>], iteration_bounds = array<i64: 5>, scalar_prefetch = 0 : i64, scratch_operands = 0 : i64, tpu.core_type = #tpu.core_type<tc>, window_params = [{transform_indices = @transform_0, window_bounds = array<i64: 1, 4000, 16>}, {transform_indices = @transform_1, window_bounds = array<i64: 1, 4000, 16>}, {pipeline_mode = #tpu.pipeline_mode<synchronous>, transform_indices = @transform_2, window_bounds = array<i64: 16, 16>}, {pipeline_mode = #tpu.pipeline_mode<synchronous>, transform_indices = @transform_3, window_bounds = array<i64: 1, 16>}, {transform_indices = @transform_4, window_bounds = array<i64: 4000, 16>}]} {
    %get3A = arith.constant 0 : index
    %get3A_0 = arith.constant 0 : index
    %get3A_1 = arith.constant 0 : index
    %get3A_2 = vector.load %arg1[%get3A, %get3A_0, %get3A_1] : memref<1x4000x16xf32, #tpu.memory_space<vmem>>, vector<1x4000x16xf32>
    %get3A_3 = vector.shape_cast %get3A_2 : vector<1x4000x16xf32> to vector<4000x16xf32>
    %get3A_4 = arith.constant 0 : index
    %get3A_5 = arith.constant 0 : index
    %get3A_6 = arith.constant 0 : index
    %get3A_7 = vector.load %arg2[%get3A_4, %get3A_5, %get3A_6] : memref<1x4000x16xf32, #tpu.memory_space<vmem>>, vector<1x4000x16xf32>
    %get3A_8 = vector.shape_cast %get3A_7 : vector<1x4000x16xf32> to vector<4000x16xf32>
    %add3A = arith.addf %get3A_3, %get3A_8 : vector<4000x16xf32>
    %convert_element_type3A = arith.truncf %add3A : vector<4000x16xf32> to vector<4000x16xbf16>
    %get3A_9 = arith.constant 0 : index
    %get3A_10 = arith.constant 0 : index
    %get3A_11 = vector.load %arg3[%get3A_9, %get3A_10] : memref<16x16xf32, #tpu.memory_space<vmem>>, vector<16x16xf32>
    %convert_element_type3A_12 = arith.truncf %get3A_11 : vector<16x16xf32> to vector<16x16xbf16>
    %dot_general3A = arith.constant dense<0.000000e+00> : vector<4000x16xf32>
    %dot_general3A_13 = tpu.matmul %convert_element_type3A, %convert_element_type3A_12, %dot_general3A {dimension_numbers = #tpu.dot_dimension_numbers<[1], [0], [0], [1], [0, 0, 1, 1], [], []>, transpose_lhs_hint = false} : vector<4000x16xbf16>, vector<16x16xbf16>, vector<4000x16xf32> -> vector<4000x16xf32>
    %get3A_14 = arith.constant 0 : index
    %get3A_15 = arith.constant 0 : index
    %get3A_16 = vector.load %arg4[%get3A_14, %get3A_15] : memref<1x16xf32, #tpu.memory_space<vmem>>, vector<1x16xf32>
    %add3A_17 = vector.broadcast %get3A_16 : vector<1x16xf32> to vector<4000x16xf32>
    %add3A_18 = arith.addf %dot_general3A_13, %add3A_17 : vector<4000x16xf32>
    %swap3A = arith.constant 0 : index
    %swap3A_19 = arith.constant 0 : index
    %swap3A_20 = vector.load %arg5[%swap3A, %swap3A_19] : memref<4000x16xf32, #tpu.memory_space<vmem>>, vector<4000x16xf32>
    tpu.vector_store %arg5[%swap3A, %swap3A_19], %add3A_18 {strides = array<i32>} : memref<4000x16xf32, #tpu.memory_space<vmem>>, vector<4000x16xf32>,
    return
  }
  func.func @transform_0(%arg0: i32) -> (i32, i32, i32) {
    %c0_i32 = arith.constant 0 : i32
    %c0_i32_0 = arith.constant 0 : i32
    %c0_i32_1 = arith.constant 0 : i32
    return %c0_i32, %arg0, %c0_i32_0 : i32, i32, i32
  }
  func.func @transform_1(%arg0: i32) -> (i32, i32, i32) {
    %c1_i32 = arith.constant 1 : i32
    %c0_i32 = arith.constant 0 : i32
    %c0_i32_0 = arith.constant 0 : i32
    return %c1_i32, %arg0, %c0_i32 : i32, i32, i32
  }
  func.func @transform_2(%arg0: i32) -> (i32, i32) {
    %c0_i32 = arith.constant 0 : i32
    %c0_i32_0 = arith.constant 0 : i32
    %c0_i32_1 = arith.constant 0 : i32
    return %c0_i32, %c0_i32_0 : i32, i32
  }
  func.func @transform_3(%arg0: i32) -> (i32, i32) {
    %c0_i32 = arith.constant 0 : i32
    %c0_i32_0 = arith.constant 0 : i32
    %c0_i32_1 = arith.constant 0 : i32
    return %c0_i32, %c0_i32_0 : i32, i32
  }
  func.func @transform_4(%arg0: i32) -> (i32, i32) {
    %c0_i32 = arith.constant 0 : i32
    %c0_i32_0 = arith.constant 0 : i32
    return %arg0, %c0_i32 : i32, i32
  }
}

module attributes {stable_mosaic.version = 14 : i64} {
  func.func @body(%arg0: i32, %arg1: memref<1600x32xf32, #tpu.memory_space<vmem>>, %arg2: memref<1600x32xf32, #tpu.memory_space<vmem>>, %arg3: memref<1600x16xf32, #tpu.memory_space<vmem>>, %arg4: memref<2x256xf32, #tpu.memory_space<vmem>>, %arg5: memref<1x256xf32, #tpu.memory_space<vmem>>, %arg6: memref<16x256xf32, #tpu.memory_space<vmem>>, %arg7: memref<256x16xf32, #tpu.memory_space<vmem>>, %arg8: memref<1600x16xf32, #tpu.memory_space<vmem>>) attributes {dimension_semantics = [#tpu.dimension_semantics<arbitrary>], iteration_bounds = array<i64: 100>, scalar_prefetch = 0 : i64, scratch_operands = 0 : i64, tpu.core_type = #tpu.core_type<tc>, window_params = [{transform_indices = @transform_0, window_bounds = array<i64: 1600, 32>}, {transform_indices = @transform_1, window_bounds = array<i64: 1600, 32>}, {transform_indices = @transform_2, window_bounds = array<i64: 1600, 16>}, {pipeline_mode = #tpu.pipeline_mode<synchronous>, transform_indices = @transform_3, window_bounds = array<i64: 2, 256>}, {pipeline_mode = #tpu.pipeline_mode<synchronous>, transform_indices = @transform_4, window_bounds = array<i64: 1, 256>}, {pipeline_mode = #tpu.pipeline_mode<synchronous>, transform_indices = @transform_5, window_bounds = array<i64: 16, 256>}, {pipeline_mode = #tpu.pipeline_mode<synchronous>, transform_indices = @transform_6, window_bounds = array<i64: 256, 16>}, {transform_indices = @transform_7, window_bounds = array<i64: 1600, 16>}]} {
    %get3A = arith.constant 0 : index
    %get3A_0 = arith.constant 0 : index
    %get3A_1 = vector.load %arg1[%get3A, %get3A_0] : memref<1600x32xf32, #tpu.memory_space<vmem>>, vector<1600x2xf32>
    %get3A_2 = arith.constant 0 : index
    %get3A_3 = arith.constant 0 : index
    %get3A_4 = vector.load %arg2[%get3A_2, %get3A_3] : memref<1600x32xf32, #tpu.memory_space<vmem>>, vector<1600x2xf32>
    %sub3A = arith.subf %get3A_1, %get3A_4 : vector<1600x2xf32>
    %convert_element_type3A = arith.truncf %sub3A : vector<1600x2xf32> to vector<1600x2xbf16>
    %get3A_5 = arith.constant 0 : index
    %get3A_6 = arith.constant 0 : index
    %get3A_7 = vector.load %arg4[%get3A_5, %get3A_6] : memref<2x256xf32, #tpu.memory_space<vmem>>, vector<2x256xf32>
    %convert_element_type3A_8 = arith.truncf %get3A_7 : vector<2x256xf32> to vector<2x256xbf16>
    %dot_general3A = arith.constant dense<0.000000e+00> : vector<1600x256xf32>
    %dot_general3A_9 = tpu.matmul %convert_element_type3A, %convert_element_type3A_8, %dot_general3A {dimension_numbers = #tpu.dot_dimension_numbers<[1], [0], [0], [1], [0, 0, 1, 1], [], []>, transpose_lhs_hint = false} : vector<1600x2xbf16>, vector<2x256xbf16>, vector<1600x256xf32> -> vector<1600x256xf32>
    %get3A_10 = arith.constant 0 : index
    %get3A_11 = arith.constant 0 : index
    %get3A_12 = vector.load %arg5[%get3A_10, %get3A_11] : memref<1x256xf32, #tpu.memory_space<vmem>>, vector<1x256xf32>
    %add3A = vector.broadcast %get3A_12 : vector<1x256xf32> to vector<1600x256xf32>
    %add3A_13 = arith.addf %dot_general3A_9, %add3A : vector<1600x256xf32>
    %max3A = arith.constant 0.000000e+00 : f32
    %max3A_14 = vector.broadcast %max3A : f32 to vector<1600x256xf32>
    %max3A_15 = arith.maximumf %add3A_13, %max3A_14 : vector<1600x256xf32>
    %get3A_16 = arith.constant 0 : index
    %get3A_17 = arith.constant 0 : index
    %get3A_18 = vector.load %arg3[%get3A_16, %get3A_17] : memref<1600x16xf32, #tpu.memory_space<vmem>>, vector<1600x16xf32>
    %get3A_19 = arith.constant 0 : index
    %get3A_20 = arith.constant 0 : index
    %get3A_21 = vector.load %arg6[%get3A_19, %get3A_20] : memref<16x256xf32, #tpu.memory_space<vmem>>, vector<16x256xf32>
    %convert_element_type3A_22 = arith.truncf %get3A_18 : vector<1600x16xf32> to vector<1600x16xbf16>
    %convert_element_type3A_23 = arith.extf %convert_element_type3A_22 : vector<1600x16xbf16> to vector<1600x16xf32>
    %sub3A_24 = arith.subf %get3A_18, %convert_element_type3A_23 : vector<1600x16xf32>
    %convert_element_type3A_25 = arith.truncf %sub3A_24 : vector<1600x16xf32> to vector<1600x16xbf16>
    %convert_element_type3A_26 = arith.extf %convert_element_type3A_25 : vector<1600x16xbf16> to vector<1600x16xf32>
    %sub3A_27 = arith.subf %sub3A_24, %convert_element_type3A_26 : vector<1600x16xf32>
    %convert_element_type3A_28 = arith.truncf %sub3A_27 : vector<1600x16xf32> to vector<1600x16xbf16>
    %convert_element_type3A_29 = arith.truncf %get3A_21 : vector<16x256xf32> to vector<16x256xbf16>
    %dot_general3A_30 = arith.constant dense<0.000000e+00> : vector<1600x256xf32>
    %dot_general3A_31 = tpu.matmul %convert_element_type3A_22, %convert_element_type3A_29, %dot_general3A_30 {dimension_numbers = #tpu.dot_dimension_numbers<[1], [0], [0], [1], [0, 0, 1, 1], [], []>, transpose_lhs_hint = false} : vector<1600x16xbf16>, vector<16x256xbf16>, vector<1600x256xf32> -> vector<1600x256xf32>
    %dot_general3A_32 = arith.constant dense<0.000000e+00> : vector<1600x256xf32>
    %dot_general3A_33 = tpu.matmul %convert_element_type3A_25, %convert_element_type3A_29, %dot_general3A_32 {dimension_numbers = #tpu.dot_dimension_numbers<[1], [0], [0], [1], [0, 0, 1, 1], [], []>, transpose_lhs_hint = false} : vector<1600x16xbf16>, vector<16x256xbf16>, vector<1600x256xf32> -> vector<1600x256xf32>
    %add3A_34 = arith.addf %dot_general3A_31, %dot_general3A_33 : vector<1600x256xf32>
    %dot_general3A_35 = arith.constant dense<0.000000e+00> : vector<1600x256xf32>
    %dot_general3A_36 = tpu.matmul %convert_element_type3A_28, %convert_element_type3A_29, %dot_general3A_35 {dimension_numbers = #tpu.dot_dimension_numbers<[1], [0], [0], [1], [0, 0, 1, 1], [], []>, transpose_lhs_hint = false} : vector<1600x16xbf16>, vector<16x256xbf16>, vector<1600x256xf32> -> vector<1600x256xf32>
    %add3A_37 = arith.addf %add3A_34, %dot_general3A_36 : vector<1600x256xf32>
    %mul3A = arith.mulf %max3A_15, %add3A_37 : vector<1600x256xf32>
    %get3A_38 = arith.constant 0 : index
    %get3A_39 = arith.constant 0 : index
    %get3A_40 = vector.load %arg7[%get3A_38, %get3A_39] : memref<256x16xf32, #tpu.memory_space<vmem>>, vector<256x16xf32>
    %convert_element_type3A_41 = arith.truncf %mul3A : vector<1600x256xf32> to vector<1600x256xbf16>
    %convert_element_type3A_42 = arith.extf %convert_element_type3A_41 : vector<1600x256xbf16> to vector<1600x256xf32>
    %sub3A_43 = arith.subf %mul3A, %convert_element_type3A_42 : vector<1600x256xf32>
    %convert_element_type3A_44 = arith.truncf %sub3A_43 : vector<1600x256xf32> to vector<1600x256xbf16>
    %convert_element_type3A_45 = arith.extf %convert_element_type3A_44 : vector<1600x256xbf16> to vector<1600x256xf32>
    %sub3A_46 = arith.subf %sub3A_43, %convert_element_type3A_45 : vector<1600x256xf32>
    %convert_element_type3A_47 = arith.truncf %sub3A_46 : vector<1600x256xf32> to vector<1600x256xbf16>
    %convert_element_type3A_48 = arith.truncf %get3A_40 : vector<256x16xf32> to vector<256x16xbf16>
    %dot_general3A_49 = arith.constant dense<0.000000e+00> : vector<1600x16xf32>
    %dot_general3A_50 = tpu.matmul %convert_element_type3A_41, %convert_element_type3A_48, %dot_general3A_49 {dimension_numbers = #tpu.dot_dimension_numbers<[1], [0], [0], [1], [0, 0, 1, 1], [], []>, transpose_lhs_hint = false} : vector<1600x256xbf16>, vector<256x16xbf16>, vector<1600x16xf32> -> vector<1600x16xf32>
    %dot_general3A_51 = arith.constant dense<0.000000e+00> : vector<1600x16xf32>
    %dot_general3A_52 = tpu.matmul %convert_element_type3A_44, %convert_element_type3A_48, %dot_general3A_51 {dimension_numbers = #tpu.dot_dimension_numbers<[1], [0], [0], [1], [0, 0, 1, 1], [], []>, transpose_lhs_hint = false} : vector<1600x256xbf16>, vector<256x16xbf16>, vector<1600x16xf32> -> vector<1600x16xf32>
    %add3A_53 = arith.addf %dot_general3A_50, %dot_general3A_52 : vector<1600x16xf32>
    %dot_general3A_54 = arith.constant dense<0.000000e+00> : vector<1600x16xf32>
    %dot_general3A_55 = tpu.matmul %convert_element_type3A_47, %convert_element_type3A_48, %dot_general3A_54 {dimension_numbers = #tpu.dot_dimension_numbers<[1], [0], [0], [1], [0, 0, 1, 1], [], []>, transpose_lhs_hint = false} : vector<1600x256xbf16>, vector<256x16xbf16>, vector<1600x16xf32> -> vector<1600x16xf32>
    %add3A_56 = arith.addf %add3A_53, %dot_general3A_55 : vector<1600x16xf32>
    %swap3A = arith.constant 0 : index
    %swap3A_57 = arith.constant 0 : index
    %swap3A_58 = vector.load %arg8[%swap3A, %swap3A_57] : memref<1600x16xf32, #tpu.memory_space<vmem>>, vector<1600x16xf32>
    tpu.vector_store %arg8[%swap3A, %swap3A_57], %add3A_56 {strides = array<i32>} : memref<1600x16xf32, #tpu.memory_space<vmem>>, vector<1600x16xf32>,
    return
  }
  func.func @transform_0(%arg0: i32) -> (i32, i32) {
    %c0_i32 = arith.constant 0 : i32
    %c0_i32_0 = arith.constant 0 : i32
    return %arg0, %c0_i32 : i32, i32
  }
  func.func @transform_1(%arg0: i32) -> (i32, i32) {
    %add3A = arith.constant 100 : i32
    %add3A_0 = arith.addi %arg0, %add3A : i32
    %c0_i32 = arith.constant 0 : i32
    %c0_i32_1 = arith.constant 0 : i32
    return %add3A_0, %c0_i32 : i32, i32
  }
  func.func @transform_2(%arg0: i32) -> (i32, i32) {
    %c0_i32 = arith.constant 0 : i32
    %c0_i32_0 = arith.constant 0 : i32
    return %arg0, %c0_i32 : i32, i32
  }
  func.func @transform_3(%arg0: i32) -> (i32, i32) {
    %c0_i32 = arith.constant 0 : i32
    %c0_i32_0 = arith.constant 0 : i32
    %c0_i32_1 = arith.constant 0 : i32
    return %c0_i32, %c0_i32_0 : i32, i32
  }
  func.func @transform_4(%arg0: i32) -> (i32, i32) {
    %c0_i32 = arith.constant 0 : i32
    %c0_i32_0 = arith.constant 0 : i32
    %c0_i32_1 = arith.constant 0 : i32
    return %c0_i32, %c0_i32_0 : i32, i32
  }
  func.func @transform_5(%arg0: i32) -> (i32, i32) {
    %c0_i32 = arith.constant 0 : i32
    %c0_i32_0 = arith.constant 0 : i32
    %c0_i32_1 = arith.constant 0 : i32
    return %c0_i32, %c0_i32_0 : i32, i32
  }
  func.func @transform_6(%arg0: i32) -> (i32, i32) {
    %c0_i32 = arith.constant 0 : i32
    %c0_i32_0 = arith.constant 0 : i32
    %c0_i32_1 = arith.constant 0 : i32
    return %c0_i32, %c0_i32_0 : i32, i32
  }
  func.func @transform_7(%arg0: i32) -> (i32, i32) {
    %c0_i32 = arith.constant 0 : i32
    %c0_i32_0 = arith.constant 0 : i32
    return %arg0, %c0_i32 : i32, i32
  }
}

module attributes {stable_mosaic.version = 14 : i64} {
  func.func @body(%arg0: i32, %arg1: memref<3200x16xf32, #tpu.memory_space<vmem>>, %arg2: memref<3200x16xf32, #tpu.memory_space<vmem>>, %arg3: memref<16x16xf32, #tpu.memory_space<vmem>>, %arg4: memref<16x16xf32, #tpu.memory_space<vmem>>, %arg5: memref<1x16xf32, #tpu.memory_space<vmem>>, %arg6: memref<16x16xf32, #tpu.memory_space<vmem>>, %arg7: memref<1x16xf32, #tpu.memory_space<vmem>>, %arg8: memref<16x1xf32, #tpu.memory_space<vmem>>, %arg9: memref<1x1xf32, #tpu.memory_space<vmem>>, %arg10: memref<3200x1xf32, #tpu.memory_space<vmem>>) attributes {dimension_semantics = [#tpu.dimension_semantics<arbitrary>], iteration_bounds = array<i64: 50>, scalar_prefetch = 0 : i64, scratch_operands = 0 : i64, tpu.core_type = #tpu.core_type<tc>, window_params = [{transform_indices = @transform_0, window_bounds = array<i64: 3200, 16>}, {transform_indices = @transform_1, window_bounds = array<i64: 3200, 16>}, {pipeline_mode = #tpu.pipeline_mode<synchronous>, transform_indices = @transform_2, window_bounds = array<i64: 16, 16>}, {pipeline_mode = #tpu.pipeline_mode<synchronous>, transform_indices = @transform_3, window_bounds = array<i64: 16, 16>}, {pipeline_mode = #tpu.pipeline_mode<synchronous>, transform_indices = @transform_4, window_bounds = array<i64: 1, 16>}, {pipeline_mode = #tpu.pipeline_mode<synchronous>, transform_indices = @transform_5, window_bounds = array<i64: 16, 16>}, {pipeline_mode = #tpu.pipeline_mode<synchronous>, transform_indices = @transform_6, window_bounds = array<i64: 1, 16>}, {pipeline_mode = #tpu.pipeline_mode<synchronous>, transform_indices = @transform_7, window_bounds = array<i64: 16, 1>}, {pipeline_mode = #tpu.pipeline_mode<synchronous>, transform_indices = @transform_8, window_bounds = array<i64: 1, 1>}, {transform_indices = @transform_9, window_bounds = array<i64: 3200, 1>}]} {
    %get3A = arith.constant 0 : index
    %get3A_0 = arith.constant 0 : index
    %get3A_1 = vector.load %arg1[%get3A, %get3A_0] : memref<3200x16xf32, #tpu.memory_space<vmem>>, vector<3200x16xf32>
    %convert_element_type3A = arith.truncf %get3A_1 : vector<3200x16xf32> to vector<3200x16xbf16>
    %get3A_2 = arith.constant 0 : index
    %get3A_3 = arith.constant 0 : index
    %get3A_4 = vector.load %arg3[%get3A_2, %get3A_3] : memref<16x16xf32, #tpu.memory_space<vmem>>, vector<16x16xf32>
    %convert_element_type3A_5 = arith.truncf %get3A_4 : vector<16x16xf32> to vector<16x16xbf16>
    %dot_general3A = arith.constant dense<0.000000e+00> : vector<3200x16xf32>
    %dot_general3A_6 = tpu.matmul %convert_element_type3A, %convert_element_type3A_5, %dot_general3A {dimension_numbers = #tpu.dot_dimension_numbers<[1], [0], [0], [1], [0, 0, 1, 1], [], []>, transpose_lhs_hint = false} : vector<3200x16xbf16>, vector<16x16xbf16>, vector<3200x16xf32> -> vector<3200x16xf32>
    %get3A_7 = arith.constant 0 : index
    %get3A_8 = arith.constant 0 : index
    %get3A_9 = vector.load %arg2[%get3A_7, %get3A_8] : memref<3200x16xf32, #tpu.memory_space<vmem>>, vector<3200x16xf32>
    %convert_element_type3A_10 = arith.truncf %get3A_9 : vector<3200x16xf32> to vector<3200x16xbf16>
    %get3A_11 = arith.constant 0 : index
    %get3A_12 = arith.constant 0 : index
    %get3A_13 = vector.load %arg4[%get3A_11, %get3A_12] : memref<16x16xf32, #tpu.memory_space<vmem>>, vector<16x16xf32>
    %convert_element_type3A_14 = arith.truncf %get3A_13 : vector<16x16xf32> to vector<16x16xbf16>
    %dot_general3A_15 = arith.constant dense<0.000000e+00> : vector<3200x16xf32>
    %dot_general3A_16 = tpu.matmul %convert_element_type3A_10, %convert_element_type3A_14, %dot_general3A_15 {dimension_numbers = #tpu.dot_dimension_numbers<[1], [0], [0], [1], [0, 0, 1, 1], [], []>, transpose_lhs_hint = false} : vector<3200x16xbf16>, vector<16x16xbf16>, vector<3200x16xf32> -> vector<3200x16xf32>
    %add3A = arith.addf %dot_general3A_6, %dot_general3A_16 : vector<3200x16xf32>
    %get3A_17 = arith.constant 0 : index
    %get3A_18 = arith.constant 0 : index
    %get3A_19 = vector.load %arg5[%get3A_17, %get3A_18] : memref<1x16xf32, #tpu.memory_space<vmem>>, vector<1x16xf32>
    %add3A_20 = vector.broadcast %get3A_19 : vector<1x16xf32> to vector<3200x16xf32>
    %add3A_21 = arith.addf %add3A, %add3A_20 : vector<3200x16xf32>
    %max3A = arith.constant 0.000000e+00 : f32
    %max3A_22 = vector.broadcast %max3A : f32 to vector<3200x16xf32>
    %max3A_23 = arith.maximumf %add3A_21, %max3A_22 : vector<3200x16xf32>
    %convert_element_type3A_24 = arith.truncf %max3A_23 : vector<3200x16xf32> to vector<3200x16xbf16>
    %get3A_25 = arith.constant 0 : index
    %get3A_26 = arith.constant 0 : index
    %get3A_27 = vector.load %arg6[%get3A_25, %get3A_26] : memref<16x16xf32, #tpu.memory_space<vmem>>, vector<16x16xf32>
    %convert_element_type3A_28 = arith.truncf %get3A_27 : vector<16x16xf32> to vector<16x16xbf16>
    %dot_general3A_29 = arith.constant dense<0.000000e+00> : vector<3200x16xf32>
    %dot_general3A_30 = tpu.matmul %convert_element_type3A_24, %convert_element_type3A_28, %dot_general3A_29 {dimension_numbers = #tpu.dot_dimension_numbers<[1], [0], [0], [1], [0, 0, 1, 1], [], []>, transpose_lhs_hint = false} : vector<3200x16xbf16>, vector<16x16xbf16>, vector<3200x16xf32> -> vector<3200x16xf32>
    %get3A_31 = arith.constant 0 : index
    %get3A_32 = arith.constant 0 : index
    %get3A_33 = vector.load %arg7[%get3A_31, %get3A_32] : memref<1x16xf32, #tpu.memory_space<vmem>>, vector<1x16xf32>
    %add3A_34 = vector.broadcast %get3A_33 : vector<1x16xf32> to vector<3200x16xf32>
    %add3A_35 = arith.addf %dot_general3A_30, %add3A_34 : vector<3200x16xf32>
    %max3A_36 = arith.constant 0.000000e+00 : f32
    %max3A_37 = vector.broadcast %max3A_36 : f32 to vector<3200x16xf32>
    %max3A_38 = arith.maximumf %add3A_35, %max3A_37 : vector<3200x16xf32>
    %convert_element_type3A_39 = arith.truncf %max3A_38 : vector<3200x16xf32> to vector<3200x16xbf16>
    %get3A_40 = arith.constant 0 : index
    %get3A_41 = arith.constant 0 : index
    %get3A_42 = vector.load %arg8[%get3A_40, %get3A_41] : memref<16x1xf32, #tpu.memory_space<vmem>>, vector<16x1xf32>
    %convert_element_type3A_43 = arith.truncf %get3A_42 : vector<16x1xf32> to vector<16x1xbf16>
    %dot_general3A_44 = arith.constant dense<0.000000e+00> : vector<3200x1xf32>
    %dot_general3A_45 = tpu.matmul %convert_element_type3A_39, %convert_element_type3A_43, %dot_general3A_44 {dimension_numbers = #tpu.dot_dimension_numbers<[1], [0], [0], [1], [0, 0, 1, 1], [], []>, transpose_lhs_hint = false} : vector<3200x16xbf16>, vector<16x1xbf16>, vector<3200x1xf32> -> vector<3200x1xf32>
    %get3A_46 = arith.constant 0 : index
    %get3A_47 = arith.constant 0 : index
    %get3A_48 = vector.load %arg9[%get3A_46, %get3A_47] : memref<1x1xf32, #tpu.memory_space<vmem>>, vector<1x1xf32>
    %add3A_49 = vector.broadcast %get3A_48 : vector<1x1xf32> to vector<3200x1xf32>
    %add3A_50 = arith.addf %dot_general3A_45, %add3A_49 : vector<3200x1xf32>
    %logistic3A = arith.negf %add3A_50 : vector<3200x1xf32>
    %logistic3A_51 = math.exp %logistic3A : vector<3200x1xf32>
    %logistic3A_52 = arith.constant 1.000000e+00 : f32
    %logistic3A_53 = vector.broadcast %logistic3A_52 : f32 to vector<3200x1xf32>
    %logistic3A_54 = arith.addf %logistic3A_53, %logistic3A_51 : vector<3200x1xf32>
    %logistic3A_55 = arith.divf %logistic3A_53, %logistic3A_54 : vector<3200x1xf32>
    %swap3A = arith.constant 0 : index
    %swap3A_56 = arith.constant 0 : index
    %swap3A_57 = vector.load %arg10[%swap3A, %swap3A_56] : memref<3200x1xf32, #tpu.memory_space<vmem>>, vector<3200x1xf32>
    tpu.vector_store %arg10[%swap3A, %swap3A_56], %logistic3A_55 {strides = array<i32>} : memref<3200x1xf32, #tpu.memory_space<vmem>>, vector<3200x1xf32>,
    return
  }
  func.func @transform_0(%arg0: i32) -> (i32, i32) {
    %c0_i32 = arith.constant 0 : i32
    %c0_i32_0 = arith.constant 0 : i32
    return %arg0, %c0_i32 : i32, i32
  }
  func.func @transform_1(%arg0: i32) -> (i32, i32) {
    %add3A = arith.constant 50 : i32
    %add3A_0 = arith.addi %arg0, %add3A : i32
    %c0_i32 = arith.constant 0 : i32
    %c0_i32_1 = arith.constant 0 : i32
    return %add3A_0, %c0_i32 : i32, i32
  }
  func.func @transform_2(%arg0: i32) -> (i32, i32) {
    %c0_i32 = arith.constant 0 : i32
    %c0_i32_0 = arith.constant 0 : i32
    %c0_i32_1 = arith.constant 0 : i32
    return %c0_i32, %c0_i32_0 : i32, i32
  }
  func.func @transform_3(%arg0: i32) -> (i32, i32) {
    %c0_i32 = arith.constant 0 : i32
    %c0_i32_0 = arith.constant 0 : i32
    %c0_i32_1 = arith.constant 0 : i32
    return %c0_i32, %c0_i32_0 : i32, i32
  }
  func.func @transform_4(%arg0: i32) -> (i32, i32) {
    %c0_i32 = arith.constant 0 : i32
    %c0_i32_0 = arith.constant 0 : i32
    %c0_i32_1 = arith.constant 0 : i32
    return %c0_i32, %c0_i32_0 : i32, i32
  }
  func.func @transform_5(%arg0: i32) -> (i32, i32) {
    %c0_i32 = arith.constant 0 : i32
    %c0_i32_0 = arith.constant 0 : i32
    %c0_i32_1 = arith.constant 0 : i32
    return %c0_i32, %c0_i32_0 : i32, i32
  }
  func.func @transform_6(%arg0: i32) -> (i32, i32) {
    %c0_i32 = arith.constant 0 : i32
    %c0_i32_0 = arith.constant 0 : i32
    %c0_i32_1 = arith.constant 0 : i32
    return %c0_i32, %c0_i32_0 : i32, i32
  }
  func.func @transform_7(%arg0: i32) -> (i32, i32) {
    %c0_i32 = arith.constant 0 : i32
    %c0_i32_0 = arith.constant 0 : i32
    %c0_i32_1 = arith.constant 0 : i32
    return %c0_i32, %c0_i32_0 : i32, i32
  }
  func.func @transform_8(%arg0: i32) -> (i32, i32) {
    %c0_i32 = arith.constant 0 : i32
    %c0_i32_0 = arith.constant 0 : i32
    %c0_i32_1 = arith.constant 0 : i32
    return %c0_i32, %c0_i32_0 : i32, i32
  }
  func.func @transform_9(%arg0: i32) -> (i32, i32) {
    %c0_i32 = arith.constant 0 : i32
    %c0_i32_0 = arith.constant 0 : i32
    return %arg0, %c0_i32 : i32, i32
  }
}

</mosaic_0001>

<sc_bundles>
// kernel: kernel.16.cloned.1.call-start
scs
__scs_entry_jumppad:
0x0: {  	(pc) =	sbr.rel $0x88, $3  }
0x1: {  	(tag) =	ssettag $0x0;
	lr =	simm.s32 $0x1  }
0x2: {  	[smem:$0x3F8D] =	sst lr;
	_ =	strace $0xD0000000  }
0x3: {  	_ = 	snop  }
0x4: {  	_ = 	snop  }
0x5: {  	_ = 	snop  }
0x6: {  	_ = 	snop  }
0x7: {  	_ = 	snop  }
__scs_overlays_trampoline_lowered:
0x8: {  	[smem:$0x3F9C] =	sst s0  }
0x9: {  	[smem:$0x3F9D] =	sst s1  }
0xa: {  	[smem:$0x3F9E] =	sst s2  }
0xb: {  	[smem:$0x3F9F] =	sst s3  }
0xc: {  	[smem:$0x3FA0] =	sst s4  }
0xd: {  	[smem:$0x3FA1] =	sst s5  }
0xe: {  	[smem:$0x3FA2] =	sst s6  }
0xf: {  	[smem:$0x3FA3] =	sst s7  }
0x10: {  	[smem:$0x3FA4] =	sst s8  }
0x11: {  	[smem:$0x3FA5] =	sst s9;
	s0 =	simm.s32 @!p0 $0x0  }
0x12: {  	s1 =	sld [smem:$0x3F8B];
	s0 =	simm.s32 @p0 $0x1  }
0x13: {  	[smem:$0x3FA6] =	sst s0;
	s0 =	simm.s32 @!p1 $0x0  }
0x14: {  	s2 =	sld [smem:$0x3F8A];
	s0 =	simm.s32 @p1 $0x1  }
0x15: {  	[smem:$0x3FA7] =	sst s0;
	s0 =	simm.s32 @!p2 $0x0  }
0x16: {  	s3 =	sld [smem:$0x3FDB];
	s0 =	simm.s32 @p2 $0x1  }
0x17: {  	s4 =	simm.s32 $0x1BF5;
	[smem:$0x3FA9] =	sst s0  }
0x18: {  	s0 =	sld [smem:$0x3F8C];
	_ =	swait.ge [sflag:s4], $0x0  }
0x19: {  	s7 =	sld [smem:$0x3F8D]  }
0x1a: {  	s8 =	sadd.s32 $0xFFFFE003, lr  }
0x1b: {  	s9 =	sadd.s32 $0xFFFFFEF7, lr;
	s5 =	simm.s32 $0xFFFFFFFF;
	p2 =	slt.u32 s8, $0xFFFFF086  }
0x1c: {  	p1 =	slt.u32 s9, $0xF7A;
	s5 =	simm.s32 @!p2 $0x0  }
0x1d: {  	s5 =	simm.s32 @p1 $0x1;
	p0 =	seq.s32 s7, s2  }
0x1e: {  	s7 =	smul.u32 @!p0 $0xF7A, s2;
	p2 =	seq.s32 @!p0 s5, $0x0  }
0x1f: {  	s9 =	smul.u32 $0xF7A, s1;
	s8 =	simm.s32 @!p0 $0x1BF5;
	p2 =	por !p2, p0  }
0x20: {  	[sflag:s8] =	ssyncset.s32 @!p0 $0xFFFFF086;
	s6 =	sadd.s32 @!p0 s3, s7;
	s7 =	simm.s32 @!p0 $0x108  }
0x21: {  	s3 =	sadd.s32 s3, s9;
	s6 =	sadd.s32 @!p0 $0x88, s6;
	s7 =	simm.s32 @p2 $0x1082  }
0x22: {  	[simem:s7], [sflag:s8] =	dma.local @!p0 [hbm:s6], $0xF7A  }
0x23: {  	s9 =	sor.u32 $0xD0000000, s2;
	s6 =	simm.s32 $0x108;
	_ =	swait.ge @!p0 [sflag:s8], $0x0  }
0x24: {  	s3 =	sadd.s32 $0x88, s3;
	s6 =	simm.s32 @!p1 $0x1082;
	[sflag:s4] =	ssyncset.s32 $0xFFFFF086  }
0x25: {  	[simem:s6], [sflag:s4] =	dma.local [hbm:s3], $0xF7A  }
0x26: {  	[smem:$0x3F8D] =	sst s1;
	(tag) =	ssettag s2;
	_ =	strace s9  }
0x27: {  	s1 =	sld [smem:$0x3F9D]  }
0x28: {  	s2 =	sld [smem:$0x3F9E]  }
0x29: {  	s4 =	sld [smem:$0x3FA0]  }
0x2a: {  	p0 =	seq.s32 s5, $0x0;
	s5 =	sld [smem:$0x3FA1]  }
0x2b: {  	s6 =	sld [smem:$0x3FA2]  }
0x2c: {  	s7 =	sld [smem:$0x3FA3]  }
0x2d: {  	s3 =	simm.s32 $0x108;
	s8 =	sld [smem:$0x3FA4]  }
0x2e: {  	s3 =	simm.s32 @!p0 $0x1082;
	s9 =	sld [smem:$0x3FA5]  }
0x2f: {  	lr =	sadd.s32 s0, s3;
	s0 =	sld [smem:$0x3F9C]  }
0x30: {  	s3 =	sld [smem:$0x3F9F]  }
0x31: {  	[smem:$0x3FA8] =	sst s10  }
0x32: {  	s10 =	sld [smem:$0x3FA6];
	_ =	sdelay $0x3  }
0x33: {  	p0 =	seq.s32 s10, $0x1;
	s10 =	sld [smem:$0x3FA8];
	_ =	sdelay $0x3  }
0x34: {  	[smem:$0x3FA8] =	sst s10  }
0x35: {  	s10 =	sld [smem:$0x3FA7];
	_ =	sdelay $0x3  }
0x36: {  	p1 =	seq.s32 s10, $0x1;
	s10 =	sld [smem:$0x3FA8];
	_ =	sdelay $0x3  }
0x37: {  	[smem:$0x3FA8] =	sst s10  }
0x38: {  	s10 =	sld [smem:$0x3FA9]  }
0x39: {  	_ = 	snop;
	(pc) =	sbr.ind lr, $3  }
0x3a: {  	_ = 	snop  }
0x3b: {  	_ = 	snop  }
0x3c: {  	p2 =	seq.s32 s10, $0x1;
	s10 =	sld [smem:$0x3FA8]  }
0x3d: {  	_ =	shalt  }
0x3e: {  	_ =	shalt  }
0x3f: {  	_ =	shalt  }
0x40: {  	_ =	shalt  }
0x41: {  	_ =	shalt  }
0x42: {  	_ =	shalt  }
0x43: {  	_ =	shalt  }
0x44: {  	_ =	shalt  }
0x45: {  	_ =	shalt  }
0x46: {  	_ =	shalt  }
0x47: {  	_ =	shalt  }
0x48: {  	_ =	shalt  }
0x49: {  	_ =	shalt  }
0x4a: {  	_ =	shalt  }
0x4b: {  	_ =	shalt  }
0x4c: {  	_ =	shalt  }
0x4d: {  	_ =	shalt  }
0x4e: {  	_ =	shalt  }
0x4f: {  	_ =	shalt  }
0x50: {  	_ =	shalt  }
0x51: {  	_ =	shalt  }
0x52: {  	_ =	shalt  }
0x53: {  	_ =	shalt  }
0x54: {  	_ =	shalt  }
0x55: {  	_ =	shalt  }
0x56: {  	_ =	shalt  }
0x57: {  	_ =	shalt  }
0x58: {  	_ =	shalt  }
0x59: {  	_ =	shalt  }
0x5a: {  	_ =	shalt  }
0x5b: {  	_ =	shalt  }
0x5c: {  	_ =	shalt  }
0x5d: {  	_ =	shalt  }
0x5e: {  	_ =	shalt  }
0x5f: {  	_ =	shalt  }
0x60: {  	_ =	shalt  }
0x61: {  	_ =	shalt  }
0x62: {  	_ =	shalt  }
0x63: {  	_ =	shalt  }
0x64: {  	_ =	shalt  }
0x65: {  	_ =	shalt  }
0x66: {  	_ =	shalt  }
0x67: {  	_ =	shalt  }
0x68: {  	_ =	shalt  }
0x69: {  	_ =	shalt  }
0x6a: {  	_ =	shalt  }
0x6b: {  	_ =	shalt  }
0x6c: {  	_ =	shalt  }
0x6d: {  	_ =	shalt  }
0x6e: {  	_ =	shalt  }
0x6f: {  	_ =	shalt  }
0x70: {  	_ =	shalt  }
0x71: {  	_ =	shalt  }
0x72: {  	_ =	shalt  }
0x73: {  	_ =	shalt  }
0x74: {  	_ =	shalt  }
0x75: {  	_ =	shalt  }
0x76: {  	_ =	shalt  }
0x77: {  	_ =	shalt  }
0x78: {  	_ =	shalt  }
0x79: {  	_ =	shalt  }
0x7a: {  	_ =	shalt  }
0x7b: {  	_ =	shalt  }
0x7c: {  	_ =	shalt  }
0x7d: {  	_ =	shalt  }
0x7e: {  	_ =	shalt  }
0x7f: {  	_ =	shalt  }
0x80: {  	_ =	shalt  }
0x81: {  	_ =	shalt  }
0x82: {  	_ =	shalt  }
0x83: {  	_ =	shalt  }
0x84: {  	_ =	shalt  }
0x85: {  	_ =	shalt  }
0x86: {  	_ =	shalt  }
0x87: {  	_ =	shalt  }
.Lfunc_end0:
.L_simem_size_0:
called_computation_lowered:
.L_overlay_start_0:
0x88: {  	s2 =	sld [smem:$0x3FD9]  }
0x89: {  	s3 =	sld [smem:$0x3FFE];
	_ =	sdelay $0x1  }
0x8a: {  	s1 =	srdreg.scid  }
0x8b: {  	s0 =	sand.u32 $0x1, s1  }
0x8c: {  	s16 =	sshll.u32 s0, $0xA;
	s2 =	sadd.s32 s3, s2  }
0x8d: {  	s2 =	sadd.s32 s2, s16  }
0x8e: {  	[smem:$0x3FB4] =	sst s2  }
0x8f: {  	_ = 	snop  }
0x90: {  	(tm) =	ssettm $0x1  }
0x91: {  	s17 =	sld [smem:$0x3FFB];
	_ =	sdelay $0x3  }
0x92: {  	_ =	strace s17  }
0x93: {  	s2 =	sld [smem:$0x3FFC];
	_ =	sdelay $0x3  }
0x94: {  	_ =	strace s2  }
0x95: {  	s2 =	sld [smem:$0x3FFD];
	_ =	sdelay $0x3  }
0x96: {  	_ =	strace s2  }
0x97: {  	_ =	strace $0x8FFFFFFF  }
0x98: {  	s18 =	sld [smem:$0x3FDB];
	_ =	sdelay $0x1  }
0x99: {  	s19 =	simm.s32 $_scs_section_size  }
0x9a: {  	s4 =	simm.s32 $_size__tile_overlayer_lowered;
	s5 =	simm.s32 $_tile_overlayer_lowered  }
0x9b: {  	s22 =	simm.s32 $0x1BFF;
	s21 =	sshll.u32 s5, $0x1;
	s2 =	sadd.s32 s19, s18  }
0x9c: {  	s6 =	simm.s32 $0x0;
	s20 =	sshll.u32 s4, $0x1;
	s4 =	sadd.s32 s21, s2  }
0x9d: {  	[timem:s6], [sflag:s22] =	dma.local [hbm:s4], s20  }
0x9e: {  	_ =	swait.ge [sflag:s22], s20  }
0x9f: {  	s3 =	ssub.s32 $0x0, s20;
	[sflag:s22] =	ssyncset.done $0x0  }
0xa0: {  	[sflag:s22] =	ssyncadd.s32 s3;
	_ =	sdelay $0x1  }
0xa1: {  	s23 =	simm.s32 $0x1B8B  }
0xa2: {  	_ =	swait.ge [sflag:s23], $0x1  }
0xa3: {  	[sflag:s23] =	ssyncset.done $0x0  }
0xa4: {  	s25 =	simm.s32 $0x1B8E;
	s24 =	sld [smem:$0x3FFE];
	[sflag:s23] =	ssyncadd.s32 $0xFFFFFFFF  }
0xa5: {  	s26 =	simm.s32 $execute0_lowered;
	[smem:$0x3FD2] =	sst s25  }
0xa6: {  	s4 =	sshll.u32 s26, $0x1;
	_ =	strace $0x80000046;
	[dreg:$0x1] =	wrdreg $0xFFFFFFFF  }
0xa7: {  	s28 =	simm.s32 $_size_execute0_lowered;
	s2 =	sadd.s32 s2, s4;
	[dreg:$0x0] =	wrdreg $0x0  }
0xa8: {  	s4 =	sshll.u32 s28, $0x1;
	[dreg:$0x2] =	wrdreg s2  }
0xa9: {  	[dreg:$0x3] =	wrdreg s4  }
0xaa: {  	[dreg:$0x4] =	wrdreg $0xC0  }
0xab: {  	_ =	task [dreg:s6], $0x5FFFF  }
0xac: {  	[dreg:$0x1] =	wrdreg $0xFFFFFFFF  }
0xad: {  	[dreg:$0x0] =	wrdreg $0x60  }
0xae: {  	[dreg:$0x2] =	wrdreg s24  }
0xaf: {  	[dreg:$0x3] =	wrdreg $0x9  }
0xb0: {  	_ =	task.clear_ibuf [dreg:s6], $0x4FFFF;
	_ =	strace $0x90000046  }
0xb1: {  	s29 =	simm.s32 $0x9;
	_ =	strace $0x80000048  }
0xb2: {  	_ =	swait.ge [sflag:s29], $0x1  }
0xb3: {  	[sflag:s29] =	ssyncadd.s32 $0xFFFFFFFF  }
0xb4: {  	_ =	strace $0x90000048  }
0xb5: {  	_ =	sfence  }
0xb6: {  	s30 =	sld [smem:$0x0];
	_ =	sdelay $0x2  }
0xb7: {  	s31 =	sshll.u32 s1, $0xD;
	s1 =	sshrl.u32 s1, $0x2  }
0xb8: {  	s3 =	sand.u32 $0x4000, s31;
	s1 =	sadd.s32 s1, s30  }
0xb9: {  	s0 =	sor.u32 s3, s0;
	s1 =	sshll.u32 s1, $0x11  }
0xba: {  	s0 =	sor.u32 s1, s0  }
0xbb: {  	s0 =	sadd.s32 $0x8F2B, s0  }
0xbc: {  	[sflag:s0] =	ssyncadd.remote.s32 $0x1  }
0xbd: {  	_ =	sfence.sel $0xFFFF  }
0xbe: {  	[dreg:$0x0] =	wrdreg $0xFFFFFFFF;
	(pc) =	sbr.abs _section_cstart, $3  }
0xbf: {  	[dreg:$0x1] =	wrdreg $0xFFFFFFFF  }
0xc0: {  	_ =	task.clear_ibuf [dreg:s6], $0x2FFFF;
	_ =	strace $0x9FFFFFFF  }
0xc1: {  	(tm) =	ssettm $0x7FFFFFFF  }
tec
execute0_lowered:
.L_overlay_start_1:
0x0: {  	(tag) =	ssettag $0x1  }
0x1: {  	s4 =	rddreg [dreg:$0x0]  }
0x2: {  	s0 =	rddreg [dreg:$0x1]  }
0x3: {  	s2 =	simm.s32 $0x0;
	s3 =	srdreg.scid;
	s1 =	stileid.u32  }
0x4: {  	s12 =	simm.s32 $0x1;
	s13 =	simm.s32 $0x0;
	[smem:$0x7FF] =	sst s2  }
0x5: {  	s5 =	sand.u32 $0x1, s3;
	s26 =	sshll.u32 s1, $0x1;
	s3 =	sadd.s32 $0xDA00, s4  }
0x6: {  	s10 =	sadd.s32 $0x3C00, s4;
	s11 =	sadd.s32 $0x21400, s4;
	s29 =	smul.u32 $0x13800, s1  }
0x7: {  	p0 =	sgt.u32 s1, $0x1;
	_ =	strace $0x80000047;
	s6 =	ssub.s32 $0x2, s5  }
0x8: {  	s7 =	sor.u32 s5, s26;
	s30 =	smul.u32 $0x9C00, s5;
	s8 =	sshrl.u32 s6, $0x1  }
0x9: {  	s9 =	smul.u32 $0x4E0, s7;
	s28 =	sshll.u32 s7, $0x4;
	s7 =	sshll.u32 s7, $0x9  }
0xa: {  	s8 =	ssub.s32 s6, s8;
	s6 =	sadd.s32 s28, s10;
	s31 =	sadd.s32 s7, s11  }
0xb: {  	s4 =	sadd.s32 s10, s9;
	s5 =	sadd.s32 $0x9C00, s6;
	s9 =	sadd.s32 s29, s11  }
0xc: {  	s6 =	sadd.s32 $0x138000, s31;
	s7 =	smax.u32 s8, $0x1;
	s10 =	simm.s32 $0x80  }
0xd: {  	s11 =	simm.s32 $0x2780;
	s8 =	sadd.s32 s30, s9;
	s9 =	simm.s32 $0x2  }
.LBB2_1:
0xe: {  	[tilespmem:s2], [sflag:$0x2] =	stream.linear.gather [hbm4b:s4+s2], $0x2700, $0x38;
	[tilespmem:$0x3780] =	vst v63  }
0xf: {  	_ =	swait.ge [sflag:s9], $0x2700  }
0x10: {  	[sflag:s9] =	ssyncset.done $0x0  }
0x11: {  	s14 =	simm.s32 @!p0 $0x0;
	s15 =	simm.s32 @!p0 $0x2700;
	[sflag:s9] =	ssyncadd.s32 $0xFFFFD900  }
0x12: {  	[tilespmem:s15], [sflag:$0x2] =	stream.linear.gather @!p0 [hbm4b:s5+s14], $0x80, $0x38;
	[tilespmem:$0x3780] =	vst v63  }
0x13: {  	s14 =	simm.s32 @!p0 $0x2  }
0x14: {  	_ =	swait.ge @!p0 [sflag:s14], $0x80  }
0x15: {  	[sflag:s14] =	ssyncset.done @!p0 $0x0  }
0x16: {  	s30 =	simm.s32 $0x0;
	[sflag:s14] =	ssyncadd.s32 @!p0 $0xFFFFFF80  }
0x17: {  	[tilespmem:s11], [sflag:$0x1] =	stream.indirect.gather [hbm4b:s3+s10], $0x20, s30, s10, $0xb8;
	[tilespmem:$0x3780] =	vst v63  }
0x18: {  	_ =	swait.ge [sflag:s12], $0x1000  }
0x19: {  	[sflag:s12] =	ssyncset.done $0x0  }
0x1a: {  	s31 =	sadd.s32 $0x0, s8;
	[sflag:s12] =	ssyncadd.s32 $0xFFFFF000  }
0x1b: {  	[hbm4b:s31+s2] =	stream.linear.scatter [tilespmem:s11], [sflag:$0x2], $0x1000, $0x38;
	[tilespmem:$0x3780] =	vst v63  }
0x1c: {  	_ =	swait.ge [sflag:s9], $0x1000  }
0x1d: {  	s15 =	simm.s32 $0x400;
	s14 =	simm.s32 $0x200;
	[sflag:s9] =	ssyncset.done $0x0  }
.LBB2_2:
0x1e: {  	s16 =	sshra.s32 s14, $0x2  }
0x1f: {  	[sflag:s9] =	ssyncadd.s32 $0xFFFFF000;
	s17 =	smov.u32 s15;
	s18 =	sadd.s32 $0x200, s15  }
0x20: {  	[tilespmem:s11], [sflag:$0x1] =	stream.indirect.gather [hbm4b:s3+s10], $0x20, s16, s10, $0xb8;
	[tilespmem:$0x3780] =	vst v63  }
0x21: {  	p1 =	sne.s32 s15, $0x9A00;
	_ =	swait.ge [sflag:s12], $0x1000  }
.Ltmp0:
0x22: {  	[sflag:s12] =	ssyncset.done $0x0;
	(pc) =	sbr.rel @p1 .LBB2_2-.Ltmp0, $4  }
0x23: {  	s15 =	sadd.s32 s14, s8;
	s14 =	smov.u32 s17;
	[sflag:s12] =	ssyncadd.s32 $0xFFFFF000  }
0x24: {  	[hbm4b:s15+s2] =	stream.linear.scatter [tilespmem:s11], [sflag:$0x2], $0x1000, $0x38;
	[tilespmem:$0x3780] =	vst v63  }
0x25: {  	_ =	swait.ge [sflag:s9], $0x1000  }
0x26: {  	s15 =	smov.u32 s18;
	[sflag:s9] =	ssyncset.done $0x0  }
0x27: {  	s15 =	sshra.s32 s14, $0x2;
	[sflag:s9] =	ssyncadd.s32 $0xFFFFF000  }
0x28: {  	[tilespmem:s11], [sflag:$0x1] =	stream.indirect.gather [hbm4b:s3+s10], $0x20, s15, s10, $0xb8;
	[tilespmem:$0x3780] =	vst v63  }
0x29: {  	_ =	swait.ge [sflag:s12], $0x1000  }
0x2a: {  	[sflag:s12] =	ssyncset.done $0x0  }
0x2b: {  	s31 =	sadd.s32 s14, s8;
	[sflag:s12] =	ssyncadd.s32 $0xFFFFF000  }
0x2c: {  	[hbm4b:s31+s2] =	stream.linear.scatter [tilespmem:s11], [sflag:$0x2], $0x1000, $0x38;
	[tilespmem:$0x3780] =	vst v63  }
0x2d: {  	_ =	swait.ge [sflag:s9], $0x1000  }
0x2e: {  	s14 =	simm.s32 @!p0 $0x80;
	[sflag:s9] =	ssyncset.done $0x0  }
0x2f: {  	s16 =	simm.s32 @!p0 $0x2780;
	s15 =	simm.s32 @!p0 $0x2700;
	[sflag:s9] =	ssyncadd.s32 $0xFFFFF000  }
0x30: {  	[tilespmem:s16], [sflag:$0x1] =	stream.indirect.gather @!p0 [hbm4b:s3+s14], $0x20, s15, s14, $0xb8;
	[tilespmem:$0x3780] =	vst v63  }
0x31: {  	s14 =	simm.s32 @!p0 $0x1  }
0x32: {  	_ =	swait.ge @!p0 [sflag:s14], $0x1000  }
0x33: {  	s13 =	sadd.s32 $0x1, s13;
	[sflag:s14] =	ssyncset.done @!p0 $0x0  }
0x34: {  	p1 =	sne.s32 s13, s7;
	[sflag:s14] =	ssyncadd.s32 @!p0 $0xFFFFF000;
	s14 =	simm.s32 @!p0 $0x0  }
0x35: {  	[hbm4b:s6+s14] =	stream.linear.scatter @!p0 [tilespmem:s16], [sflag:$0x2], $0x1000, $0x38;
	[tilespmem:$0x3780] =	vst v63  }
.Ltmp1:
0x36: {  	_ = 	snop;
	(pc) =	sbr.rel @p1 .LBB2_1-.Ltmp1, $4  }
0x37: {  	s14 =	simm.s32 @!p0 $0x2  }
0x38: {  	_ =	swait.ge @!p0 [sflag:s14], $0x1000  }
0x39: {  	[sflag:s14] =	ssyncset.done @!p0 $0x0  }
0x3a: {  	[sflag:s14] =	ssyncadd.s32 @!p0 $0xFFFFF000  }
0x3b: {  	_ =	sfence.sel $0x180000  }
0x3c: {  	[bflag:$0x0] =	sbarrier.arrive $0xFFFF  }
0x3d: {  	p0 =	sne.s32 s1, $0x0;
	_ =	strace $0x90000047  }
0x3e: {  	s0 =	sadd.s32 @!p0 $0x100000, s0;
	[bflag:$0x2] =	sbarrier.arrive $0xFFFF  }
0x3f: {  	[sflag:s0] =	ssyncadd.tile.s32 @!p0 $0x1;
	_ =	shalt  }
.Lfunc_end2:
_tile_overlayer_lowered:
.L_overlay_start_2:
0x40: {  	(tag) =	ssettag $0x2  }
0x41: {  	s0 =	rddreg [dreg:$0x0];
	s2 =	stileid.u32  }
0x42: {  	s1 =	rddreg [dreg:$0x1];
	p0 =	sne.s32 s2, $0x0  }
0x43: {  	s3 =	rddreg [dreg:$0x2];
	[bflag:$0x3] =	sbarrier.arrive $0xFFFF;
	s2 =	simm.s32 @!p0 $0x1C02  }
0x44: {  	[timem:s3], [sflag:s2] =	dma.local @!p0 [hbm:s0], s1  }
0x45: {  	s0 =	simm.s32 @!p0 $0x2  }
0x46: {  	_ =	swait.ge @!p0 [sflag:s0], s1  }
0x47: {  	s1 =	ssub.s32 @!p0 $0x0, s1;
	[sflag:s0] =	ssyncset.done @!p0 $0x0  }
0x48: {  	[sflag:s0] =	ssyncadd.s32 @!p0 s1  }
0x49: {  	[bflag:$0x3] =	sbarrier.arrive $0xFFFF  }
0x4a: {  	_ =	shalt  }

// kernel: kernel.19.cloned.1.call-start
scs
__scs_entry_jumppad:
0x0: {  	(pc) =	sbr.rel $0x88, $3  }
0x1: {  	(tag) =	ssettag $0x0;
	lr =	simm.s32 $0x1  }
0x2: {  	[smem:$0x3F8D] =	sst lr;
	_ =	strace $0xD0000000  }
0x3: {  	_ = 	snop  }
0x4: {  	_ = 	snop  }
0x5: {  	_ = 	snop  }
0x6: {  	_ = 	snop  }
0x7: {  	_ = 	snop  }
__scs_overlays_trampoline_lowered:
0x8: {  	[smem:$0x3F9C] =	sst s0  }
0x9: {  	[smem:$0x3F9D] =	sst s1  }
0xa: {  	[smem:$0x3F9E] =	sst s2  }
0xb: {  	[smem:$0x3F9F] =	sst s3  }
0xc: {  	[smem:$0x3FA0] =	sst s4  }
0xd: {  	[smem:$0x3FA1] =	sst s5  }
0xe: {  	[smem:$0x3FA2] =	sst s6  }
0xf: {  	[smem:$0x3FA3] =	sst s7  }
0x10: {  	[smem:$0x3FA4] =	sst s8  }
0x11: {  	[smem:$0x3FA5] =	sst s9;
	s0 =	simm.s32 @!p0 $0x0  }
0x12: {  	s1 =	sld [smem:$0x3F8B];
	s0 =	simm.s32 @p0 $0x1  }
0x13: {  	[smem:$0x3FA6] =	sst s0;
	s0 =	simm.s32 @!p1 $0x0  }
0x14: {  	s2 =	sld [smem:$0x3F8A];
	s0 =	simm.s32 @p1 $0x1  }
0x15: {  	[smem:$0x3FA7] =	sst s0;
	s0 =	simm.s32 @!p2 $0x0  }
0x16: {  	s3 =	sld [smem:$0x3FDB];
	s0 =	simm.s32 @p2 $0x1  }
0x17: {  	s4 =	simm.s32 $0x1BF5;
	[smem:$0x3FA9] =	sst s0  }
0x18: {  	s0 =	sld [smem:$0x3F8C];
	_ =	swait.ge [sflag:s4], $0x0  }
0x19: {  	s7 =	sld [smem:$0x3F8D]  }
0x1a: {  	s8 =	sadd.s32 $0xFFFFE003, lr  }
0x1b: {  	s9 =	sadd.s32 $0xFFFFFEF7, lr;
	s5 =	simm.s32 $0xFFFFFFFF;
	p2 =	slt.u32 s8, $0xFFFFF086  }
0x1c: {  	p1 =	slt.u32 s9, $0xF7A;
	s5 =	simm.s32 @!p2 $0x0  }
0x1d: {  	s5 =	simm.s32 @p1 $0x1;
	p0 =	seq.s32 s7, s2  }
0x1e: {  	s7 =	smul.u32 @!p0 $0xF7A, s2;
	p2 =	seq.s32 @!p0 s5, $0x0  }
0x1f: {  	s9 =	smul.u32 $0xF7A, s1;
	s8 =	simm.s32 @!p0 $0x1BF5;
	p2 =	por !p2, p0  }
0x20: {  	[sflag:s8] =	ssyncset.s32 @!p0 $0xFFFFF086;
	s6 =	sadd.s32 @!p0 s3, s7;
	s7 =	simm.s32 @!p0 $0x108  }
0x21: {  	s3 =	sadd.s32 s3, s9;
	s6 =	sadd.s32 @!p0 $0x88, s6;
	s7 =	simm.s32 @p2 $0x1082  }
0x22: {  	[simem:s7], [sflag:s8] =	dma.local @!p0 [hbm:s6], $0xF7A  }
0x23: {  	s9 =	sor.u32 $0xD0000000, s2;
	s6 =	simm.s32 $0x108;
	_ =	swait.ge @!p0 [sflag:s8], $0x0  }
0x24: {  	s3 =	sadd.s32 $0x88, s3;
	s6 =	simm.s32 @!p1 $0x1082;
	[sflag:s4] =	ssyncset.s32 $0xFFFFF086  }
0x25: {  	[simem:s6], [sflag:s4] =	dma.local [hbm:s3], $0xF7A  }
0x26: {  	[smem:$0x3F8D] =	sst s1;
	(tag) =	ssettag s2;
	_ =	strace s9  }
0x27: {  	s1 =	sld [smem:$0x3F9D]  }
0x28: {  	s2 =	sld [smem:$0x3F9E]  }
0x29: {  	s4 =	sld [smem:$0x3FA0]  }
0x2a: {  	p0 =	seq.s32 s5, $0x0;
	s5 =	sld [smem:$0x3FA1]  }
0x2b: {  	s6 =	sld [smem:$0x3FA2]  }
0x2c: {  	s7 =	sld [smem:$0x3FA3]  }
0x2d: {  	s3 =	simm.s32 $0x108;
	s8 =	sld [smem:$0x3FA4]  }
0x2e: {  	s3 =	simm.s32 @!p0 $0x1082;
	s9 =	sld [smem:$0x3FA5]  }
0x2f: {  	lr =	sadd.s32 s0, s3;
	s0 =	sld [smem:$0x3F9C]  }
0x30: {  	s3 =	sld [smem:$0x3F9F]  }
0x31: {  	[smem:$0x3FA8] =	sst s10  }
0x32: {  	s10 =	sld [smem:$0x3FA6];
	_ =	sdelay $0x3  }
0x33: {  	p0 =	seq.s32 s10, $0x1;
	s10 =	sld [smem:$0x3FA8];
	_ =	sdelay $0x3  }
0x34: {  	[smem:$0x3FA8] =	sst s10  }
0x35: {  	s10 =	sld [smem:$0x3FA7];
	_ =	sdelay $0x3  }
0x36: {  	p1 =	seq.s32 s10, $0x1;
	s10 =	sld [smem:$0x3FA8];
	_ =	sdelay $0x3  }
0x37: {  	[smem:$0x3FA8] =	sst s10  }
0x38: {  	s10 =	sld [smem:$0x3FA9]  }
0x39: {  	_ = 	snop;
	(pc) =	sbr.ind lr, $3  }
0x3a: {  	_ = 	snop  }
0x3b: {  	_ = 	snop  }
0x3c: {  	p2 =	seq.s32 s10, $0x1;
	s10 =	sld [smem:$0x3FA8]  }
0x3d: {  	_ =	shalt  }
0x3e: {  	_ =	shalt  }
0x3f: {  	_ =	shalt  }
0x40: {  	_ =	shalt  }
0x41: {  	_ =	shalt  }
0x42: {  	_ =	shalt  }
0x43: {  	_ =	shalt  }
0x44: {  	_ =	shalt  }
0x45: {  	_ =	shalt  }
0x46: {  	_ =	shalt  }
0x47: {  	_ =	shalt  }
0x48: {  	_ =	shalt  }
0x49: {  	_ =	shalt  }
0x4a: {  	_ =	shalt  }
0x4b: {  	_ =	shalt  }
0x4c: {  	_ =	shalt  }
0x4d: {  	_ =	shalt  }
0x4e: {  	_ =	shalt  }
0x4f: {  	_ =	shalt  }
0x50: {  	_ =	shalt  }
0x51: {  	_ =	shalt  }
0x52: {  	_ =	shalt  }
0x53: {  	_ =	shalt  }
0x54: {  	_ =	shalt  }
0x55: {  	_ =	shalt  }
0x56: {  	_ =	shalt  }
0x57: {  	_ =	shalt  }
0x58: {  	_ =	shalt  }
0x59: {  	_ =	shalt  }
0x5a: {  	_ =	shalt  }
0x5b: {  	_ =	shalt  }
0x5c: {  	_ =	shalt  }
0x5d: {  	_ =	shalt  }
0x5e: {  	_ =	shalt  }
0x5f: {  	_ =	shalt  }
0x60: {  	_ =	shalt  }
0x61: {  	_ =	shalt  }
0x62: {  	_ =	shalt  }
0x63: {  	_ =	shalt  }
0x64: {  	_ =	shalt  }
0x65: {  	_ =	shalt  }
0x66: {  	_ =	shalt  }
0x67: {  	_ =	shalt  }
0x68: {  	_ =	shalt  }
0x69: {  	_ =	shalt  }
0x6a: {  	_ =	shalt  }
0x6b: {  	_ =	shalt  }
0x6c: {  	_ =	shalt  }
0x6d: {  	_ =	shalt  }
0x6e: {  	_ =	shalt  }
0x6f: {  	_ =	shalt  }
0x70: {  	_ =	shalt  }
0x71: {  	_ =	shalt  }
0x72: {  	_ =	shalt  }
0x73: {  	_ =	shalt  }
0x74: {  	_ =	shalt  }
0x75: {  	_ =	shalt  }
0x76: {  	_ =	shalt  }
0x77: {  	_ =	shalt  }
0x78: {  	_ =	shalt  }
0x79: {  	_ =	shalt  }
0x7a: {  	_ =	shalt  }
0x7b: {  	_ =	shalt  }
0x7c: {  	_ =	shalt  }
0x7d: {  	_ =	shalt  }
0x7e: {  	_ =	shalt  }
0x7f: {  	_ =	shalt  }
0x80: {  	_ =	shalt  }
0x81: {  	_ =	shalt  }
0x82: {  	_ =	shalt  }
0x83: {  	_ =	shalt  }
0x84: {  	_ =	shalt  }
0x85: {  	_ =	shalt  }
0x86: {  	_ =	shalt  }
0x87: {  	_ =	shalt  }
.Lfunc_end0:
.L_simem_size_0:
called_computation.1_lowered:
.L_overlay_start_0:
0x88: {  	s2 =	sld [smem:$0x3FD9]  }
0x89: {  	s3 =	sld [smem:$0x3FFE];
	_ =	sdelay $0x1  }
0x8a: {  	s1 =	srdreg.scid  }
0x8b: {  	s0 =	sand.u32 $0x1, s1  }
0x8c: {  	s16 =	sshll.u32 s0, $0xA;
	s2 =	sadd.s32 s3, s2  }
0x8d: {  	s2 =	sadd.s32 s2, s16  }
0x8e: {  	[smem:$0x3FB4] =	sst s2  }
0x8f: {  	_ = 	snop  }
0x90: {  	(tm) =	ssettm $0x1  }
0x91: {  	s17 =	sld [smem:$0x3FFB];
	_ =	sdelay $0x3  }
0x92: {  	_ =	strace s17  }
0x93: {  	s2 =	sld [smem:$0x3FFC];
	_ =	sdelay $0x3  }
0x94: {  	_ =	strace s2  }
0x95: {  	s2 =	sld [smem:$0x3FFD];
	_ =	sdelay $0x3  }
0x96: {  	_ =	strace s2  }
0x97: {  	_ =	strace $0x8FFFFFFF  }
0x98: {  	s18 =	sld [smem:$0x3FDB];
	_ =	sdelay $0x1  }
0x99: {  	s19 =	simm.s32 $_scs_section_size  }
0x9a: {  	s4 =	simm.s32 $_size__tile_overlayer_lowered;
	s5 =	simm.s32 $_tile_overlayer_lowered  }
0x9b: {  	s22 =	simm.s32 $0x1BFF;
	s21 =	sshll.u32 s5, $0x1;
	s2 =	sadd.s32 s19, s18  }
0x9c: {  	s6 =	simm.s32 $0x0;
	s20 =	sshll.u32 s4, $0x1;
	s4 =	sadd.s32 s21, s2  }
0x9d: {  	[timem:s6], [sflag:s22] =	dma.local [hbm:s4], s20  }
0x9e: {  	_ =	swait.ge [sflag:s22], s20  }
0x9f: {  	s3 =	ssub.s32 $0x0, s20;
	[sflag:s22] =	ssyncset.done $0x0  }
0xa0: {  	[sflag:s22] =	ssyncadd.s32 s3;
	_ =	sdelay $0x1  }
0xa1: {  	s23 =	simm.s32 $0x1B8B  }
0xa2: {  	_ =	swait.ge [sflag:s23], $0x1  }
0xa3: {  	[sflag:s23] =	ssyncset.done $0x0  }
0xa4: {  	s25 =	simm.s32 $0x1B8E;
	s24 =	sld [smem:$0x3FFE];
	[sflag:s23] =	ssyncadd.s32 $0xFFFFFFFF  }
0xa5: {  	s26 =	simm.s32 $execute0_lowered;
	[smem:$0x3FD2] =	sst s25  }
0xa6: {  	s4 =	sshll.u32 s26, $0x1;
	_ =	strace $0x80000049;
	[dreg:$0x1] =	wrdreg $0xFFFFFFFF  }
0xa7: {  	s28 =	simm.s32 $_size_execute0_lowered;
	s2 =	sadd.s32 s2, s4;
	[dreg:$0x0] =	wrdreg $0x0  }
0xa8: {  	s4 =	sshll.u32 s28, $0x1;
	[dreg:$0x2] =	wrdreg s2  }
0xa9: {  	[dreg:$0x3] =	wrdreg s4  }
0xaa: {  	[dreg:$0x4] =	wrdreg $0xC0  }
0xab: {  	_ =	task [dreg:s6], $0x5FFFF  }
0xac: {  	[dreg:$0x1] =	wrdreg $0xFFFFFFFF  }
0xad: {  	[dreg:$0x0] =	wrdreg $0x60  }
0xae: {  	[dreg:$0x2] =	wrdreg s24  }
0xaf: {  	[dreg:$0x3] =	wrdreg $0x6A200  }
0xb0: {  	[dreg:$0x4] =	wrdreg $0x9  }
0xb1: {  	_ =	task.clear_ibuf [dreg:s6], $0x5FFFF;
	_ =	strace $0x90000049  }
0xb2: {  	s29 =	simm.s32 $0x9;
	_ =	strace $0x8000004B  }
0xb3: {  	_ =	swait.ge [sflag:s29], $0x1  }
0xb4: {  	[sflag:s29] =	ssyncadd.s32 $0xFFFFFFFF  }
0xb5: {  	_ =	strace $0x9000004B  }
0xb6: {  	_ =	sfence  }
0xb7: {  	s30 =	sld [smem:$0x0];
	_ =	sdelay $0x2  }
0xb8: {  	s31 =	sshll.u32 s1, $0xD;
	s1 =	sshrl.u32 s1, $0x2  }
0xb9: {  	s3 =	sand.u32 $0x4000, s31;
	s1 =	sadd.s32 s1, s30  }
0xba: {  	s0 =	sor.u32 s3, s0;
	s1 =	sshll.u32 s1, $0x11  }
0xbb: {  	s0 =	sor.u32 s1, s0  }
0xbc: {  	s0 =	sadd.s32 $0x8F2B, s0  }
0xbd: {  	[sflag:s0] =	ssyncadd.remote.s32 $0x1  }
0xbe: {  	_ =	sfence.sel $0xFFFF  }
0xbf: {  	[dreg:$0x0] =	wrdreg $0xFFFFFFFF;
	(pc) =	sbr.abs _section_cstart, $3  }
0xc0: {  	[dreg:$0x1] =	wrdreg $0xFFFFFFFF  }
0xc1: {  	_ =	task.clear_ibuf [dreg:s6], $0x2FFFF;
	_ =	strace $0x9FFFFFFF  }
0xc2: {  	(tm) =	ssettm $0x7FFFFFFF  }
0xc3: {  	_ =	shalt  }
tec
execute0_lowered:
.L_overlay_start_1:
0x0: {  	(tag) =	ssettag $0x1  }
0x1: {  	s3 =	rddreg [dreg:$0x0]  }
0x2: {  	s1 =	rddreg [dreg:$0x1]  }
0x3: {  	s0 =	rddreg [dreg:$0x2]  }
0x4: {  	s2 =	simm.s32 $0x0;
	s4 =	srdreg.scid;
	s14 =	stileid.u32  }
0x5: {  	[smem:$0x7FF] =	sst s2;
	s7 =	sand.u32 $0x1, s4;
	s8 =	sadd.s32 $0xDA00, s3  }
0x6: {  	s5 =	sshll.u32 s14, $0x1;
	s9 =	smul.u32 $0x4E20, s14;
	s10 =	sadd.s32 $0x159C00, s3  }
0x7: {  	s31 =	smul.u32 $0x4E00, s14;
	p0 =	sne.s32 s14, $0x0;
	s14 =	sshll.u32 s14, $0x6  }
0x8: {  	_ =	strace $0x8000004A;
	s4 =	smul.u32 $0x9C40, s7;
	s6 =	ssub.s32 $0x2, s7  }
0x9: {  	s5 =	sor.u32 s7, s5;
	s29 =	sshll.u32 s7, $0x4;
	s30 =	sshll.u32 s7, $0x8  }
0xa: {  	s13 =	smul.u32 $0x2700, s7;
	s14 =	sor.u32 $0x1C01, s14;
	s11 =	sshrl.u32 s6, $0x1  }
0xb: {  	s5 =	smul.u32 $0x270, s5;
	s16 =	sshrl.u32 s9, $0x3;
	s12 =	sadd.s32 s4, s3  }
0xc: {  	s11 =	ssub.s32 s6, s11;
	s3 =	sadd.s32 s9, s1;
	s6 =	sadd.s32 s30, s8  }
0xd: {  	s8 =	sadd.s32 s31, s8;
	s9 =	simm.s32 $0x1C00;
	s4 =	sadd.s32 s10, s5  }
0xe: {  	s5 =	sadd.s32 s29, s10;
	s6 =	sadd.s32 $0x4E000, s6;
	s15 =	sadd.s32 $0x5BC00, s12  }
0xf: {  	s7 =	smax.u32 s11, $0x1;
	s8 =	sadd.s32 s13, s8;
	s10 =	simm.s32 $0x1  }
0x10: {  	s11 =	simm.s32 $0x1400;
	s12 =	simm.s32 $0x80;
	s5 =	sadd.s32 $0x4E00, s5  }
0x11: {  	v0 =	vimm.f32 $0.0e+00;
	s13 =	sadd.s32 s16, s15;
	s15 =	sshrl.u32 s3, $0x3;
	s16 =	simm.s32 $0x0  }
.LBB2_1:
0x12: {  	s17 =	simm.s32 $0x40;
	s18 =	simm.s32 $0x0  }
.LBB2_2:
0x13: {  	p1 =	sne.s32 s17, $0x13840;
	[tilespmem:s18+$0x1C00] =	vst v0;
	s18 =	smov.u32 s17;
	s17 =	sadd.s32 $0x40, s17  }
.Ltmp0:
0x14: {  	(pc) =	sbr.rel @p1 .LBB2_2-.Ltmp0, $2  }
0x15: {  	_ =	sdelay $0x2  }
0x16: {  	s18 =	sshra.s32 s18, $0x2  }
0x17: {  	[tilespmem:s18+$0x1C00] =	vst v0  }
0x18: {  	[spmem:s3] =	stream.linear.scatter [tilespmem:s9], [sflag:$0x1], $0x4E20, $0x38;
	[tilespmem:$0xB840] =	vst v63  }
0x19: {  	_ =	swait.ge [sflag:s10], $0x4E20  }
0x1a: {  	[sflag:s10] =	ssyncset.done $0x0  }
0x1b: {  	[sflag:s10] =	ssyncadd.s32 $0xFFFFB1E0  }
0x1c: {  	[bflag:$0x0] =	sbarrier.arrive $0xFFFF  }
0x1d: {  	[tilespmem:s2], [sflag:$0x1] =	stream.linear.gather [hbm4b:s4+s2], $0x1380, $0x38;
	[tilespmem:$0xB840] =	vst v63  }
0x1e: {  	_ =	swait.ge [sflag:s10], $0x1380  }
0x1f: {  	[sflag:s10] =	ssyncset.done $0x0  }
0x20: {  	s17 =	simm.s32 @!p0 $0x0;
	s18 =	simm.s32 @!p0 $0x1380;
	[sflag:s10] =	ssyncadd.s32 $0xFFFFEC80  }
0x21: {  	[tilespmem:s18], [sflag:$0x1] =	stream.linear.gather @!p0 [hbm4b:s5+s17], $0x80, $0x38;
	[tilespmem:$0xB840] =	vst v63  }
0x22: {  	s17 =	simm.s32 @!p0 $0x1  }
0x23: {  	_ =	swait.ge @!p0 [sflag:s17], $0x80  }
0x24: {  	[sflag:s17] =	ssyncset.done @!p0 $0x0  }
0x25: {  	s30 =	sadd.s32 $0x0, s8;
	[sflag:s17] =	ssyncadd.s32 @!p0 $0xFFFFFF80  }
0x26: {  	[tilespmem:s11], [sflag:$0x1] =	stream.linear.gather [hbm4b:s30+s2], $0x800, $0x38;
	[tilespmem:$0xB840] =	vst v63  }
0x27: {  	_ =	swait.ge [sflag:s10], $0x800  }
0x28: {  	[sflag:s10] =	ssyncset.done $0x0  }
0x29: {  	s31 =	simm.s32 $0x0;
	[sflag:s10] =	ssyncadd.s32 $0xFFFFF800  }
0x2a: {  	[spmem:s1] =	stream.indirect.scatter.add.f32 [tilespmem:s11], [sflag:$0x1], $0x10, s31, s12, $0xb8;
	[tilespmem:$0xB840] =	vst v63  }
0x2b: {  	s19 =	simm.s32 $0x200;
	_ =	swait.ge [sflag:s10], $0x800  }
0x2c: {  	s18 =	simm.s32 $0x100;
	s17 =	simm.s32 $0x80;
	[sflag:s10] =	ssyncset.done $0x0  }
.LBB2_4:
0x2d: {  	s20 =	sadd.s32 s18, s8  }
0x2e: {  	[sflag:s10] =	ssyncadd.s32 $0xFFFFF800;
	s18 =	smov.u32 s19;
	s21 =	sadd.s32 $0x100, s19  }
0x2f: {  	[tilespmem:s11], [sflag:$0x1] =	stream.linear.gather [hbm4b:s20+s2], $0x800, $0x38;
	[tilespmem:$0xB840] =	vst v63  }
0x30: {  	p1 =	sne.s32 s19, $0x2600;
	_ =	swait.ge [sflag:s10], $0x800  }
.Ltmp1:
0x31: {  	[sflag:s10] =	ssyncset.done $0x0;
	(pc) =	sbr.rel @p1 .LBB2_4-.Ltmp1, $4  }
0x32: {  	[sflag:s10] =	ssyncadd.s32 $0xFFFFF800  }
0x33: {  	[spmem:s1] =	stream.indirect.scatter.add.f32 [tilespmem:s11], [sflag:$0x1], $0x10, s17, s12, $0xb8;
	[tilespmem:$0xB840] =	vst v63  }
0x34: {  	_ =	swait.ge [sflag:s10], $0x800  }
0x35: {  	s19 =	smov.u32 s21;
	s17 =	sadd.s32 $0x80, s17;
	[sflag:s10] =	ssyncset.done $0x0  }
0x36: {  	s18 =	sadd.s32 s18, s8;
	[sflag:s10] =	ssyncadd.s32 $0xFFFFF800  }
0x37: {  	[tilespmem:s11], [sflag:$0x1] =	stream.linear.gather [hbm4b:s18+s2], $0x800, $0x38;
	[tilespmem:$0xB840] =	vst v63  }
0x38: {  	_ =	swait.ge [sflag:s10], $0x800  }
0x39: {  	[sflag:s10] =	ssyncset.done $0x0  }
0x3a: {  	[sflag:s10] =	ssyncadd.s32 $0xFFFFF800  }
0x3b: {  	[spmem:s1] =	stream.indirect.scatter.add.f32 [tilespmem:s11], [sflag:$0x1], $0x10, s17, s12, $0xb8;
	[tilespmem:$0xB840] =	vst v63  }
0x3c: {  	_ =	swait.ge [sflag:s10], $0x800  }
0x3d: {  	[sflag:s10] =	ssyncset.done $0x0  }
0x3e: {  	s18 =	simm.s32 @!p0 $0x1400;
	s17 =	simm.s32 @!p0 $0x0;
	[sflag:s10] =	ssyncadd.s32 $0xFFFFF800  }
0x3f: {  	[tilespmem:s18], [sflag:$0x1] =	stream.linear.gather @!p0 [hbm4b:s6+s17], $0x800, $0x38;
	[tilespmem:$0xB840] =	vst v63  }
0x40: {  	s17 =	simm.s32 @!p0 $0x1  }
0x41: {  	_ =	swait.ge @!p0 [sflag:s17], $0x800  }
0x42: {  	[sflag:s17] =	ssyncset.done @!p0 $0x0  }
0x43: {  	s19 =	simm.s32 @!p0 $0x80;
	s20 =	simm.s32 @!p0 $0x1380;
	[sflag:s17] =	ssyncadd.s32 @!p0 $0xFFFFF800  }
0x44: {  	[spmem:s1] =	stream.indirect.scatter.add.f32 @!p0 [tilespmem:s18], [sflag:$0x1], $0x10, s20, s19, $0xb8;
	[tilespmem:$0xB840] =	vst v63  }
0x45: {  	_ =	swait.ge @!p0 [sflag:s17], $0x800  }
0x46: {  	s16 =	sadd.s32 $0x1, s16;
	[sflag:s17] =	ssyncset.done @!p0 $0x0  }
0x47: {  	p1 =	sne.s32 s16, s7;
	[sflag:s17] =	ssyncadd.s32 @!p0 $0xFFFFF800  }
.Ltmp2:
0x48: {  	[bflag:$0x0] =	sbarrier.arrive $0xFFFF;
	(pc) =	sbr.rel @p1 .LBB2_1-.Ltmp2, $4  }
0x49: {  	[hbm:s13], [sflag:s14] =	dma.local [spmem:s15], $0x9C4  }
0x4a: {  	_ =	swait.ge [sflag:s10], $0x9C4  }
0x4b: {  	[sflag:s10] =	ssyncset.done $0x0  }
0x4c: {  	[sflag:s10] =	ssyncadd.s32 $0xFFFFF63C  }
0x4d: {  	_ =	sfence.sel $0x180000  }
0x4e: {  	[bflag:$0x0] =	sbarrier.arrive $0xFFFF  }
0x4f: {  	_ =	strace $0x9000004A  }
0x50: {  	s0 =	sadd.s32 @!p0 $0x100000, s0;
	[bflag:$0x2] =	sbarrier.arrive $0xFFFF  }
0x51: {  	[sflag:s0] =	ssyncadd.tile.s32 @!p0 $0x1;
	_ =	shalt  }
.Lfunc_end2:
_tile_overlayer_lowered:
.L_overlay_start_2:
0x52: {  	(tag) =	ssettag $0x2  }
0x53: {  	s0 =	rddreg [dreg:$0x0];
	s2 =	stileid.u32  }
0x54: {  	s1 =	rddreg [dreg:$0x1];
	p0 =	sne.s32 s2, $0x0  }
0x55: {  	s3 =	rddreg [dreg:$0x2];
	[bflag:$0x3] =	sbarrier.arrive $0xFFFF;
	s2 =	simm.s32 @!p0 $0x1C01  }
0x56: {  	[timem:s3], [sflag:s2] =	dma.local @!p0 [hbm:s0], s1  }
0x57: {  	s0 =	simm.s32 @!p0 $0x1  }
0x58: {  	_ =	swait.ge @!p0 [sflag:s0], s1  }
0x59: {  	s1 =	ssub.s32 @!p0 $0x0, s1;
	[sflag:s0] =	ssyncset.done @!p0 $0x0  }
0x5a: {  	[sflag:s0] =	ssyncadd.s32 @!p0 s1  }
0x5b: {  	[bflag:$0x3] =	sbarrier.arrive $0xFFFF  }
0x5c: {  	_ =	shalt  }

// kernel: kernel.22.cloned.1.call-start
scs
__scs_entry_jumppad:
0x0: {  	(pc) =	sbr.rel $0x88, $3  }
0x1: {  	(tag) =	ssettag $0x0;
	lr =	simm.s32 $0x1  }
0x2: {  	[smem:$0x3F8D] =	sst lr;
	_ =	strace $0xD0000000  }
0x3: {  	_ = 	snop  }
0x4: {  	_ = 	snop  }
0x5: {  	_ = 	snop  }
0x6: {  	_ = 	snop  }
0x7: {  	_ = 	snop  }
__scs_overlays_trampoline_lowered:
0x8: {  	[smem:$0x3F9C] =	sst s0  }
0x9: {  	[smem:$0x3F9D] =	sst s1  }
0xa: {  	[smem:$0x3F9E] =	sst s2  }
0xb: {  	[smem:$0x3F9F] =	sst s3  }
0xc: {  	[smem:$0x3FA0] =	sst s4  }
0xd: {  	[smem:$0x3FA1] =	sst s5  }
0xe: {  	[smem:$0x3FA2] =	sst s6  }
0xf: {  	[smem:$0x3FA3] =	sst s7  }
0x10: {  	[smem:$0x3FA4] =	sst s8  }
0x11: {  	[smem:$0x3FA5] =	sst s9;
	s0 =	simm.s32 @!p0 $0x0  }
0x12: {  	s1 =	sld [smem:$0x3F8B];
	s0 =	simm.s32 @p0 $0x1  }
0x13: {  	[smem:$0x3FA6] =	sst s0;
	s0 =	simm.s32 @!p1 $0x0  }
0x14: {  	s2 =	sld [smem:$0x3F8A];
	s0 =	simm.s32 @p1 $0x1  }
0x15: {  	[smem:$0x3FA7] =	sst s0;
	s0 =	simm.s32 @!p2 $0x0  }
0x16: {  	s3 =	sld [smem:$0x3FDB];
	s0 =	simm.s32 @p2 $0x1  }
0x17: {  	s4 =	simm.s32 $0x1BF5;
	[smem:$0x3FA9] =	sst s0  }
0x18: {  	s0 =	sld [smem:$0x3F8C];
	_ =	swait.ge [sflag:s4], $0x0  }
0x19: {  	s7 =	sld [smem:$0x3F8D]  }
0x1a: {  	s8 =	sadd.s32 $0xFFFFE003, lr  }
0x1b: {  	s9 =	sadd.s32 $0xFFFFFEF7, lr;
	s5 =	simm.s32 $0xFFFFFFFF;
	p2 =	slt.u32 s8, $0xFFFFF086  }
0x1c: {  	p1 =	slt.u32 s9, $0xF7A;
	s5 =	simm.s32 @!p2 $0x0  }
0x1d: {  	s5 =	simm.s32 @p1 $0x1;
	p0 =	seq.s32 s7, s2  }
0x1e: {  	s7 =	smul.u32 @!p0 $0xF7A, s2;
	p2 =	seq.s32 @!p0 s5, $0x0  }
0x1f: {  	s9 =	smul.u32 $0xF7A, s1;
	s8 =	simm.s32 @!p0 $0x1BF5;
	p2 =	por !p2, p0  }
0x20: {  	[sflag:s8] =	ssyncset.s32 @!p0 $0xFFFFF086;
	s6 =	sadd.s32 @!p0 s3, s7;
	s7 =	simm.s32 @!p0 $0x108  }
0x21: {  	s3 =	sadd.s32 s3, s9;
	s6 =	sadd.s32 @!p0 $0x88, s6;
	s7 =	simm.s32 @p2 $0x1082  }
0x22: {  	[simem:s7], [sflag:s8] =	dma.local @!p0 [hbm:s6], $0xF7A  }
0x23: {  	s9 =	sor.u32 $0xD0000000, s2;
	s6 =	simm.s32 $0x108;
	_ =	swait.ge @!p0 [sflag:s8], $0x0  }
0x24: {  	s3 =	sadd.s32 $0x88, s3;
	s6 =	simm.s32 @!p1 $0x1082;
	[sflag:s4] =	ssyncset.s32 $0xFFFFF086  }
0x25: {  	[simem:s6], [sflag:s4] =	dma.local [hbm:s3], $0xF7A  }
0x26: {  	[smem:$0x3F8D] =	sst s1;
	(tag) =	ssettag s2;
	_ =	strace s9  }
0x27: {  	s1 =	sld [smem:$0x3F9D]  }
0x28: {  	s2 =	sld [smem:$0x3F9E]  }
0x29: {  	s4 =	sld [smem:$0x3FA0]  }
0x2a: {  	p0 =	seq.s32 s5, $0x0;
	s5 =	sld [smem:$0x3FA1]  }
0x2b: {  	s6 =	sld [smem:$0x3FA2]  }
0x2c: {  	s7 =	sld [smem:$0x3FA3]  }
0x2d: {  	s3 =	simm.s32 $0x108;
	s8 =	sld [smem:$0x3FA4]  }
0x2e: {  	s3 =	simm.s32 @!p0 $0x1082;
	s9 =	sld [smem:$0x3FA5]  }
0x2f: {  	lr =	sadd.s32 s0, s3;
	s0 =	sld [smem:$0x3F9C]  }
0x30: {  	s3 =	sld [smem:$0x3F9F]  }
0x31: {  	[smem:$0x3FA8] =	sst s10  }
0x32: {  	s10 =	sld [smem:$0x3FA6];
	_ =	sdelay $0x3  }
0x33: {  	p0 =	seq.s32 s10, $0x1;
	s10 =	sld [smem:$0x3FA8];
	_ =	sdelay $0x3  }
0x34: {  	[smem:$0x3FA8] =	sst s10  }
0x35: {  	s10 =	sld [smem:$0x3FA7];
	_ =	sdelay $0x3  }
0x36: {  	p1 =	seq.s32 s10, $0x1;
	s10 =	sld [smem:$0x3FA8];
	_ =	sdelay $0x3  }
0x37: {  	[smem:$0x3FA8] =	sst s10  }
0x38: {  	s10 =	sld [smem:$0x3FA9]  }
0x39: {  	_ = 	snop;
	(pc) =	sbr.ind lr, $3  }
0x3a: {  	_ = 	snop  }
0x3b: {  	_ = 	snop  }
0x3c: {  	p2 =	seq.s32 s10, $0x1;
	s10 =	sld [smem:$0x3FA8]  }
0x3d: {  	_ =	shalt  }
0x3e: {  	_ =	shalt  }
0x3f: {  	_ =	shalt  }
0x40: {  	_ =	shalt  }
0x41: {  	_ =	shalt  }
0x42: {  	_ =	shalt  }
0x43: {  	_ =	shalt  }
0x44: {  	_ =	shalt  }
0x45: {  	_ =	shalt  }
0x46: {  	_ =	shalt  }
0x47: {  	_ =	shalt  }
0x48: {  	_ =	shalt  }
0x49: {  	_ =	shalt  }
0x4a: {  	_ =	shalt  }
0x4b: {  	_ =	shalt  }
0x4c: {  	_ =	shalt  }
0x4d: {  	_ =	shalt  }
0x4e: {  	_ =	shalt  }
0x4f: {  	_ =	shalt  }
0x50: {  	_ =	shalt  }
0x51: {  	_ =	shalt  }
0x52: {  	_ =	shalt  }
0x53: {  	_ =	shalt  }
0x54: {  	_ =	shalt  }
0x55: {  	_ =	shalt  }
0x56: {  	_ =	shalt  }
0x57: {  	_ =	shalt  }
0x58: {  	_ =	shalt  }
0x59: {  	_ =	shalt  }
0x5a: {  	_ =	shalt  }
0x5b: {  	_ =	shalt  }
0x5c: {  	_ =	shalt  }
0x5d: {  	_ =	shalt  }
0x5e: {  	_ =	shalt  }
0x5f: {  	_ =	shalt  }
0x60: {  	_ =	shalt  }
0x61: {  	_ =	shalt  }
0x62: {  	_ =	shalt  }
0x63: {  	_ =	shalt  }
0x64: {  	_ =	shalt  }
0x65: {  	_ =	shalt  }
0x66: {  	_ =	shalt  }
0x67: {  	_ =	shalt  }
0x68: {  	_ =	shalt  }
0x69: {  	_ =	shalt  }
0x6a: {  	_ =	shalt  }
0x6b: {  	_ =	shalt  }
0x6c: {  	_ =	shalt  }
0x6d: {  	_ =	shalt  }
0x6e: {  	_ =	shalt  }
0x6f: {  	_ =	shalt  }
0x70: {  	_ =	shalt  }
0x71: {  	_ =	shalt  }
0x72: {  	_ =	shalt  }
0x73: {  	_ =	shalt  }
0x74: {  	_ =	shalt  }
0x75: {  	_ =	shalt  }
0x76: {  	_ =	shalt  }
0x77: {  	_ =	shalt  }
0x78: {  	_ =	shalt  }
0x79: {  	_ =	shalt  }
0x7a: {  	_ =	shalt  }
0x7b: {  	_ =	shalt  }
0x7c: {  	_ =	shalt  }
0x7d: {  	_ =	shalt  }
0x7e: {  	_ =	shalt  }
0x7f: {  	_ =	shalt  }
0x80: {  	_ =	shalt  }
0x81: {  	_ =	shalt  }
0x82: {  	_ =	shalt  }
0x83: {  	_ =	shalt  }
0x84: {  	_ =	shalt  }
0x85: {  	_ =	shalt  }
0x86: {  	_ =	shalt  }
0x87: {  	_ =	shalt  }
.Lfunc_end0:
.L_simem_size_0:
called_computation.2_lowered:
.L_overlay_start_0:
0x88: {  	s2 =	sld [smem:$0x3FD9]  }
0x89: {  	s3 =	sld [smem:$0x3FFE];
	_ =	sdelay $0x1  }
0x8a: {  	s1 =	srdreg.scid  }
0x8b: {  	s0 =	sand.u32 $0x1, s1  }
0x8c: {  	s17 =	sshll.u32 s0, $0xA;
	s2 =	sadd.s32 s3, s2  }
0x8d: {  	s2 =	sadd.s32 s2, s17  }
0x8e: {  	[smem:$0x3FB4] =	sst s2  }
0x8f: {  	_ = 	snop  }
0x90: {  	s2 =	sld [smem:$0x3FD0];
	(tm) =	ssettm $0x1  }
0x91: {  	s18 =	sld [smem:$0x3FFB];
	_ =	sdelay $0x3  }
0x92: {  	_ =	strace s18  }
0x93: {  	s3 =	sld [smem:$0x3FFC];
	_ =	sdelay $0x3  }
0x94: {  	_ =	strace s3  }
0x95: {  	s3 =	sld [smem:$0x3FFD];
	_ =	sdelay $0x3  }
0x96: {  	_ =	strace s3  }
0x97: {  	_ =	strace $0x8FFFFFFF  }
0x98: {  	s19 =	sld [smem:$0x3FDB];
	_ =	sdelay $0x1  }
0x99: {  	s4 =	simm.s32 $_scs_section_size  }
0x9a: {  	s5 =	simm.s32 $_size__tile_overlayer_lowered;
	s6 =	simm.s32 $_tile_overlayer_lowered  }
0x9b: {  	s22 =	simm.s32 $0x1BFF;
	s21 =	sshll.u32 s6, $0x1;
	s3 =	sadd.s32 s4, s19  }
0x9c: {  	s7 =	simm.s32 $0x0;
	s20 =	sshll.u32 s5, $0x1;
	s5 =	sadd.s32 s21, s3  }
0x9d: {  	[timem:s7], [sflag:s22] =	dma.local [hbm:s5], s20  }
0x9e: {  	_ =	swait.ge [sflag:s22], s20  }
0x9f: {  	s4 =	ssub.s32 $0x0, s20;
	[sflag:s22] =	ssyncset.done $0x0  }
0xa0: {  	[sflag:s22] =	ssyncadd.s32 s4;
	_ =	sdelay $0x1  }
0xa1: {  	s23 =	simm.s32 $0x1B8B  }
0xa2: {  	_ =	swait.ge [sflag:s23], $0x1  }
0xa3: {  	[sflag:s23] =	ssyncset.done $0x0  }
0xa4: {  	s25 =	simm.s32 $0x1B8E;
	s24 =	sld [smem:$0x3FFE];
	[sflag:s23] =	ssyncadd.s32 $0xFFFFFFFF  }
0xa5: {  	s26 =	simm.s32 $execute0_lowered;
	[smem:$0x3FD2] =	sst s25  }
0xa6: {  	s5 =	sshll.u32 s26, $0x1;
	_ =	strace $0x8000004C;
	[dreg:$0x1] =	wrdreg $0xFFFFFFFF  }
0xa7: {  	s28 =	simm.s32 $_size_execute0_lowered;
	s3 =	sadd.s32 s3, s5;
	[dreg:$0x0] =	wrdreg $0x0  }
0xa8: {  	s5 =	sshll.u32 s28, $0x1;
	[dreg:$0x2] =	wrdreg s3  }
0xa9: {  	[dreg:$0x3] =	wrdreg s5  }
0xaa: {  	[dreg:$0x4] =	wrdreg $0xC0  }
0xab: {  	_ =	task [dreg:s7], $0x5FFFF  }
0xac: {  	[dreg:$0x1] =	wrdreg $0xFFFFFFFF  }
0xad: {  	[dreg:$0x0] =	wrdreg $0x60  }
0xae: {  	[dreg:$0x2] =	wrdreg s24  }
0xaf: {  	[dreg:$0x3] =	wrdreg s2  }
0xb0: {  	[dreg:$0x4] =	wrdreg $0x9  }
0xb1: {  	_ =	task.clear_ibuf [dreg:s7], $0x5FFFF;
	_ =	strace $0x9000004C  }
0xb2: {  	s29 =	simm.s32 $0x9;
	_ =	strace $0x8000004E  }
0xb3: {  	_ =	swait.ge [sflag:s29], $0x1  }
0xb4: {  	[sflag:s29] =	ssyncadd.s32 $0xFFFFFFFF  }
0xb5: {  	_ =	strace $0x9000004E  }
0xb6: {  	_ =	sfence  }
0xb7: {  	s30 =	sld [smem:$0x0];
	_ =	sdelay $0x2  }
0xb8: {  	s31 =	sshll.u32 s1, $0xD;
	s1 =	sshrl.u32 s1, $0x2  }
0xb9: {  	s3 =	sand.u32 $0x4000, s31;
	s1 =	sadd.s32 s1, s30  }
0xba: {  	s0 =	sor.u32 s3, s0;
	s1 =	sshll.u32 s1, $0x11  }
0xbb: {  	s0 =	sor.u32 s1, s0  }
0xbc: {  	s0 =	sadd.s32 $0x8F2B, s0  }
0xbd: {  	[sflag:s0] =	ssyncadd.remote.s32 $0x1  }
0xbe: {  	_ =	sfence.sel $0xFFFF  }
0xbf: {  	[dreg:$0x0] =	wrdreg $0xFFFFFFFF;
	(pc) =	sbr.abs _section_cstart, $3  }
0xc0: {  	[dreg:$0x1] =	wrdreg $0xFFFFFFFF  }
0xc1: {  	_ =	task.clear_ibuf [dreg:s7], $0x2FFFF;
	_ =	strace $0x9FFFFFFF  }
0xc2: {  	(tm) =	ssettm $0x7FFFFFFF  }
0xc3: {  	_ =	shalt  }
tec
execute0_lowered:
.L_overlay_start_1:
0x0: {  	(tag) =	ssettag $0x1  }
0x1: {  	s3 =	rddreg [dreg:$0x0]  }
0x2: {  	s4 =	rddreg [dreg:$0x1]  }
0x3: {  	s0 =	rddreg [dreg:$0x2]  }
0x4: {  	s2 =	srdreg.scid;
	s8 =	stileid.u32  }
0x5: {  	s1 =	simm.s32 $0x0;
	s12 =	simm.s32 $0x0;
	s5 =	sand.u32 $0x1, s2  }
0x6: {  	s25 =	sshll.u32 s8, $0x1;
	[smem:$0x7FF] =	sst s1;
	s10 =	sadd.s32 $0x17800, s3  }
0x7: {  	s28 =	smul.u32 $0x4E00, s8;
	p0 =	sne.s32 s8, $0x0;
	s8 =	simm.s32 $0x2  }
0x8: {  	s6 =	ssub.s32 $0x2, s5;
	s2 =	sor.u32 s5, s25;
	_ =	strace $0x8000004D  }
0x9: {  	s26 =	sshll.u32 s5, $0x4;
	s29 =	sshll.u32 s5, $0x8;
	s11 =	smul.u32 $0x2700, s5  }
0xa: {  	s7 =	sshrl.u32 s6, $0x1;
	s9 =	smul.u32 $0x270, s2;
	s2 =	sadd.s32 $0xDA00, s3  }
0xb: {  	s30 =	sadd.s32 s29, s10;
	s31 =	sadd.s32 s28, s10;
	s10 =	simm.s32 $0x1400  }
0xc: {  	s6 =	ssub.s32 s6, s7;
	s5 =	sadd.s32 $0x4E000, s30;
	s7 =	sadd.s32 s11, s31  }
0xd: {  	s11 =	simm.s32 $0x1;
	s3 =	sadd.s32 s4, s9;
	s4 =	sadd.s32 s26, s4  }
0xe: {  	s6 =	smax.u32 s6, $0x1;
	s9 =	simm.s32 $0x80;
	s4 =	sadd.s32 $0x4E00, s4  }
.LBB2_1:
0xf: {  	[tilespmem:s1], [sflag:$0x2] =	stream.linear.gather [hbm4b:s3+s1], $0x1380, $0x38;
	[tilespmem:$0x1C00] =	vst v63  }
0x10: {  	_ =	swait.ge [sflag:s8], $0x1380  }
0x11: {  	[sflag:s8] =	ssyncset.done $0x0  }
0x12: {  	s13 =	simm.s32 @!p0 $0x0;
	s14 =	simm.s32 @!p0 $0x1380;
	[sflag:s8] =	ssyncadd.s32 $0xFFFFEC80  }
0x13: {  	[tilespmem:s14], [sflag:$0x2] =	stream.linear.gather @!p0 [hbm4b:s4+s13], $0x80, $0x38;
	[tilespmem:$0x1C00] =	vst v63  }
0x14: {  	s13 =	simm.s32 @!p0 $0x2  }
0x15: {  	_ =	swait.ge @!p0 [sflag:s13], $0x80  }
0x16: {  	[sflag:s13] =	ssyncset.done @!p0 $0x0  }
0x17: {  	[sflag:s13] =	ssyncadd.s32 @!p0 $0xFFFFFF80  }
0x18: {  	[tilespmem:s10], [sflag:$0x1] =	stream.indirect.gather [hbm4b:s2+s9], $0x10, s1, s9, $0xb8;
	[tilespmem:$0x1C00] =	vst v63  }
0x19: {  	_ =	swait.ge [sflag:s11], $0x800  }
0x1a: {  	[sflag:s11] =	ssyncset.done $0x0  }
0x1b: {  	s31 =	sadd.s32 $0x0, s7;
	[sflag:s11] =	ssyncadd.s32 $0xFFFFF800  }
0x1c: {  	[hbm4b:s31+s1] =	stream.linear.scatter [tilespmem:s10], [sflag:$0x2], $0x800, $0x38;
	[tilespmem:$0x1C00] =	vst v63  }
0x1d: {  	_ =	swait.ge [sflag:s8], $0x800  }
0x1e: {  	s14 =	simm.s32 $0x0;
	s13 =	simm.s32 $0x100;
	[sflag:s8] =	ssyncset.done $0x0  }
.LBB2_2:
0x1f: {  	p1 =	sne.s32 s13, $0x2600;
	[sflag:s8] =	ssyncadd.s32 $0xFFFFF800;
	s14 =	sadd.s32 $0x80, s14  }
0x20: {  	[tilespmem:s10], [sflag:$0x1] =	stream.indirect.gather [hbm4b:s2+s9], $0x10, s14, s9, $0xb8;
	[tilespmem:$0x1C00] =	vst v63  }
0x21: {  	s15 =	smov.u32 s13;
	s13 =	sadd.s32 $0x100, s13;
	_ =	swait.ge [sflag:s11], $0x800  }
.Ltmp0:
0x22: {  	[sflag:s11] =	ssyncset.done $0x0;
	(pc) =	sbr.rel @p1 .LBB2_2-.Ltmp0, $4  }
0x23: {  	s15 =	sadd.s32 s15, s7;
	[sflag:s11] =	ssyncadd.s32 $0xFFFFF800  }
0x24: {  	[hbm4b:s15+s1] =	stream.linear.scatter [tilespmem:s10], [sflag:$0x2], $0x800, $0x38;
	[tilespmem:$0x1C00] =	vst v63  }
0x25: {  	_ =	swait.ge [sflag:s8], $0x800  }
0x26: {  	[sflag:s8] =	ssyncset.done $0x0  }
0x27: {  	[sflag:s8] =	ssyncadd.s32 $0xFFFFF800  }
0x28: {  	s13 =	simm.s32 @!p0 $0x80;
	s14 =	simm.s32 @!p0 $0x1380;
	s15 =	simm.s32 @!p0 $0x1400  }
0x29: {  	[tilespmem:s15], [sflag:$0x1] =	stream.indirect.gather @!p0 [hbm4b:s2+s13], $0x10, s14, s13, $0xb8;
	[tilespmem:$0x1C00] =	vst v63  }
0x2a: {  	s13 =	simm.s32 @!p0 $0x1  }
0x2b: {  	_ =	swait.ge @!p0 [sflag:s13], $0x800  }
0x2c: {  	s12 =	sadd.s32 $0x1, s12;
	[sflag:s13] =	ssyncset.done @!p0 $0x0  }
0x2d: {  	p1 =	sne.s32 s12, s6;
	[sflag:s13] =	ssyncadd.s32 @!p0 $0xFFFFF800;
	s13 =	simm.s32 @!p0 $0x0  }
0x2e: {  	[hbm4b:s5+s13] =	stream.linear.scatter @!p0 [tilespmem:s15], [sflag:$0x2], $0x800, $0x38;
	[tilespmem:$0x1C00] =	vst v63  }
.Ltmp1:
0x2f: {  	_ = 	snop;
	(pc) =	sbr.rel @p1 .LBB2_1-.Ltmp1, $4  }
0x30: {  	s13 =	simm.s32 @!p0 $0x2  }
0x31: {  	_ =	swait.ge @!p0 [sflag:s13], $0x800  }
0x32: {  	[sflag:s13] =	ssyncset.done @!p0 $0x0  }
0x33: {  	[sflag:s13] =	ssyncadd.s32 @!p0 $0xFFFFF800  }
0x34: {  	_ =	sfence.sel $0x180000  }
0x35: {  	[bflag:$0x0] =	sbarrier.arrive $0xFFFF  }
0x36: {  	_ =	strace $0x9000004D  }
0x37: {  	s0 =	sadd.s32 @!p0 $0x100000, s0;
	[bflag:$0x2] =	sbarrier.arrive $0xFFFF  }
0x38: {  	[sflag:s0] =	ssyncadd.tile.s32 @!p0 $0x1;
	_ =	shalt  }
.Lfunc_end2:
_tile_overlayer_lowered:
.L_overlay_start_2:
0x39: {  	(tag) =	ssettag $0x2  }
0x3a: {  	s0 =	rddreg [dreg:$0x0];
	s2 =	stileid.u32  }
0x3b: {  	s1 =	rddreg [dreg:$0x1];
	p0 =	sne.s32 s2, $0x0  }
0x3c: {  	s3 =	rddreg [dreg:$0x2];
	[bflag:$0x3] =	sbarrier.arrive $0xFFFF;
	s2 =	simm.s32 @!p0 $0x1C02  }
0x3d: {  	[timem:s3], [sflag:s2] =	dma.local @!p0 [hbm:s0], s1  }
0x3e: {  	s0 =	simm.s32 @!p0 $0x2  }
0x3f: {  	_ =	swait.ge @!p0 [sflag:s0], s1  }
0x40: {  	s1 =	ssub.s32 @!p0 $0x0, s1;
	[sflag:s0] =	ssyncset.done @!p0 $0x0  }
0x41: {  	[sflag:s0] =	ssyncadd.s32 @!p0 s1  }
0x42: {  	[bflag:$0x3] =	sbarrier.arrive $0xFFFF  }
0x43: {  	_ =	shalt  }

// kernel: kernel.25.cloned.1.call-start
scs
__scs_entry_jumppad:
0x0: {  	(pc) =	sbr.rel $0x88, $3  }
0x1: {  	(tag) =	ssettag $0x0;
	lr =	simm.s32 $0x1  }
0x2: {  	[smem:$0x3F8D] =	sst lr;
	_ =	strace $0xD0000000  }
0x3: {  	_ = 	snop  }
0x4: {  	_ = 	snop  }
0x5: {  	_ = 	snop  }
0x6: {  	_ = 	snop  }
0x7: {  	_ = 	snop  }
__scs_overlays_trampoline_lowered:
0x8: {  	[smem:$0x3F9C] =	sst s0  }
0x9: {  	[smem:$0x3F9D] =	sst s1  }
0xa: {  	[smem:$0x3F9E] =	sst s2  }
0xb: {  	[smem:$0x3F9F] =	sst s3  }
0xc: {  	[smem:$0x3FA0] =	sst s4  }
0xd: {  	[smem:$0x3FA1] =	sst s5  }
0xe: {  	[smem:$0x3FA2] =	sst s6  }
0xf: {  	[smem:$0x3FA3] =	sst s7  }
0x10: {  	[smem:$0x3FA4] =	sst s8  }
0x11: {  	[smem:$0x3FA5] =	sst s9;
	s0 =	simm.s32 @!p0 $0x0  }
0x12: {  	s1 =	sld [smem:$0x3F8B];
	s0 =	simm.s32 @p0 $0x1  }
0x13: {  	[smem:$0x3FA6] =	sst s0;
	s0 =	simm.s32 @!p1 $0x0  }
0x14: {  	s2 =	sld [smem:$0x3F8A];
	s0 =	simm.s32 @p1 $0x1  }
0x15: {  	[smem:$0x3FA7] =	sst s0;
	s0 =	simm.s32 @!p2 $0x0  }
0x16: {  	s3 =	sld [smem:$0x3FDB];
	s0 =	simm.s32 @p2 $0x1  }
0x17: {  	s4 =	simm.s32 $0x1BF5;
	[smem:$0x3FA9] =	sst s0  }
0x18: {  	s0 =	sld [smem:$0x3F8C];
	_ =	swait.ge [sflag:s4], $0x0  }
0x19: {  	s7 =	sld [smem:$0x3F8D]  }
0x1a: {  	s8 =	sadd.s32 $0xFFFFE003, lr  }
0x1b: {  	s9 =	sadd.s32 $0xFFFFFEF7, lr;
	s5 =	simm.s32 $0xFFFFFFFF;
	p2 =	slt.u32 s8, $0xFFFFF086  }
0x1c: {  	p1 =	slt.u32 s9, $0xF7A;
	s5 =	simm.s32 @!p2 $0x0  }
0x1d: {  	s5 =	simm.s32 @p1 $0x1;
	p0 =	seq.s32 s7, s2  }
0x1e: {  	s7 =	smul.u32 @!p0 $0xF7A, s2;
	p2 =	seq.s32 @!p0 s5, $0x0  }
0x1f: {  	s9 =	smul.u32 $0xF7A, s1;
	s8 =	simm.s32 @!p0 $0x1BF5;
	p2 =	por !p2, p0  }
0x20: {  	[sflag:s8] =	ssyncset.s32 @!p0 $0xFFFFF086;
	s6 =	sadd.s32 @!p0 s3, s7;
	s7 =	simm.s32 @!p0 $0x108  }
0x21: {  	s3 =	sadd.s32 s3, s9;
	s6 =	sadd.s32 @!p0 $0x88, s6;
	s7 =	simm.s32 @p2 $0x1082  }
0x22: {  	[simem:s7], [sflag:s8] =	dma.local @!p0 [hbm:s6], $0xF7A  }
0x23: {  	s9 =	sor.u32 $0xD0000000, s2;
	s6 =	simm.s32 $0x108;
	_ =	swait.ge @!p0 [sflag:s8], $0x0  }
0x24: {  	s3 =	sadd.s32 $0x88, s3;
	s6 =	simm.s32 @!p1 $0x1082;
	[sflag:s4] =	ssyncset.s32 $0xFFFFF086  }
0x25: {  	[simem:s6], [sflag:s4] =	dma.local [hbm:s3], $0xF7A  }
0x26: {  	[smem:$0x3F8D] =	sst s1;
	(tag) =	ssettag s2;
	_ =	strace s9  }
0x27: {  	s1 =	sld [smem:$0x3F9D]  }
0x28: {  	s2 =	sld [smem:$0x3F9E]  }
0x29: {  	s4 =	sld [smem:$0x3FA0]  }
0x2a: {  	p0 =	seq.s32 s5, $0x0;
	s5 =	sld [smem:$0x3FA1]  }
0x2b: {  	s6 =	sld [smem:$0x3FA2]  }
0x2c: {  	s7 =	sld [smem:$0x3FA3]  }
0x2d: {  	s3 =	simm.s32 $0x108;
	s8 =	sld [smem:$0x3FA4]  }
0x2e: {  	s3 =	simm.s32 @!p0 $0x1082;
	s9 =	sld [smem:$0x3FA5]  }
0x2f: {  	lr =	sadd.s32 s0, s3;
	s0 =	sld [smem:$0x3F9C]  }
0x30: {  	s3 =	sld [smem:$0x3F9F]  }
0x31: {  	[smem:$0x3FA8] =	sst s10  }
0x32: {  	s10 =	sld [smem:$0x3FA6];
	_ =	sdelay $0x3  }
0x33: {  	p0 =	seq.s32 s10, $0x1;
	s10 =	sld [smem:$0x3FA8];
	_ =	sdelay $0x3  }
0x34: {  	[smem:$0x3FA8] =	sst s10  }
0x35: {  	s10 =	sld [smem:$0x3FA7];
	_ =	sdelay $0x3  }
0x36: {  	p1 =	seq.s32 s10, $0x1;
	s10 =	sld [smem:$0x3FA8];
	_ =	sdelay $0x3  }
0x37: {  	[smem:$0x3FA8] =	sst s10  }
0x38: {  	s10 =	sld [smem:$0x3FA9]  }
0x39: {  	_ = 	snop;
	(pc) =	sbr.ind lr, $3  }
0x3a: {  	_ = 	snop  }
0x3b: {  	_ = 	snop  }
0x3c: {  	p2 =	seq.s32 s10, $0x1;
	s10 =	sld [smem:$0x3FA8]  }
0x3d: {  	_ =	shalt  }
0x3e: {  	_ =	shalt  }
0x3f: {  	_ =	shalt  }
0x40: {  	_ =	shalt  }
0x41: {  	_ =	shalt  }
0x42: {  	_ =	shalt  }
0x43: {  	_ =	shalt  }
0x44: {  	_ =	shalt  }
0x45: {  	_ =	shalt  }
0x46: {  	_ =	shalt  }
0x47: {  	_ =	shalt  }
0x48: {  	_ =	shalt  }
0x49: {  	_ =	shalt  }
0x4a: {  	_ =	shalt  }
0x4b: {  	_ =	shalt  }
0x4c: {  	_ =	shalt  }
0x4d: {  	_ =	shalt  }
0x4e: {  	_ =	shalt  }
0x4f: {  	_ =	shalt  }
0x50: {  	_ =	shalt  }
0x51: {  	_ =	shalt  }
0x52: {  	_ =	shalt  }
0x53: {  	_ =	shalt  }
0x54: {  	_ =	shalt  }
0x55: {  	_ =	shalt  }
0x56: {  	_ =	shalt  }
0x57: {  	_ =	shalt  }
0x58: {  	_ =	shalt  }
0x59: {  	_ =	shalt  }
0x5a: {  	_ =	shalt  }
0x5b: {  	_ =	shalt  }
0x5c: {  	_ =	shalt  }
0x5d: {  	_ =	shalt  }
0x5e: {  	_ =	shalt  }
0x5f: {  	_ =	shalt  }
0x60: {  	_ =	shalt  }
0x61: {  	_ =	shalt  }
0x62: {  	_ =	shalt  }
0x63: {  	_ =	shalt  }
0x64: {  	_ =	shalt  }
0x65: {  	_ =	shalt  }
0x66: {  	_ =	shalt  }
0x67: {  	_ =	shalt  }
0x68: {  	_ =	shalt  }
0x69: {  	_ =	shalt  }
0x6a: {  	_ =	shalt  }
0x6b: {  	_ =	shalt  }
0x6c: {  	_ =	shalt  }
0x6d: {  	_ =	shalt  }
0x6e: {  	_ =	shalt  }
0x6f: {  	_ =	shalt  }
0x70: {  	_ =	shalt  }
0x71: {  	_ =	shalt  }
0x72: {  	_ =	shalt  }
0x73: {  	_ =	shalt  }
0x74: {  	_ =	shalt  }
0x75: {  	_ =	shalt  }
0x76: {  	_ =	shalt  }
0x77: {  	_ =	shalt  }
0x78: {  	_ =	shalt  }
0x79: {  	_ =	shalt  }
0x7a: {  	_ =	shalt  }
0x7b: {  	_ =	shalt  }
0x7c: {  	_ =	shalt  }
0x7d: {  	_ =	shalt  }
0x7e: {  	_ =	shalt  }
0x7f: {  	_ =	shalt  }
0x80: {  	_ =	shalt  }
0x81: {  	_ =	shalt  }
0x82: {  	_ =	shalt  }
0x83: {  	_ =	shalt  }
0x84: {  	_ =	shalt  }
0x85: {  	_ =	shalt  }
0x86: {  	_ =	shalt  }
0x87: {  	_ =	shalt  }
.Lfunc_end0:
.L_simem_size_0:
called_computation.3_lowered:
.L_overlay_start_0:
0x88: {  	s2 =	sld [smem:$0x3FD9]  }
0x89: {  	s3 =	sld [smem:$0x3FFE];
	_ =	sdelay $0x1  }
0x8a: {  	s1 =	srdreg.scid  }
0x8b: {  	s0 =	sand.u32 $0x1, s1  }
0x8c: {  	s16 =	sshll.u32 s0, $0xA;
	s2 =	sadd.s32 s3, s2  }
0x8d: {  	s2 =	sadd.s32 s2, s16  }
0x8e: {  	[smem:$0x3FB4] =	sst s2  }
0x8f: {  	_ = 	snop  }
0x90: {  	(tm) =	ssettm $0x1  }
0x91: {  	s17 =	sld [smem:$0x3FFB];
	_ =	sdelay $0x3  }
0x92: {  	_ =	strace s17  }
0x93: {  	s2 =	sld [smem:$0x3FFC];
	_ =	sdelay $0x3  }
0x94: {  	_ =	strace s2  }
0x95: {  	s2 =	sld [smem:$0x3FFD];
	_ =	sdelay $0x3  }
0x96: {  	_ =	strace s2  }
0x97: {  	_ =	strace $0x8FFFFFFF  }
0x98: {  	s18 =	sld [smem:$0x3FDB];
	_ =	sdelay $0x1  }
0x99: {  	s19 =	simm.s32 $_scs_section_size  }
0x9a: {  	s4 =	simm.s32 $_size__tile_overlayer_lowered;
	s5 =	simm.s32 $_tile_overlayer_lowered  }
0x9b: {  	s22 =	simm.s32 $0x1BFF;
	s21 =	sshll.u32 s5, $0x1;
	s2 =	sadd.s32 s19, s18  }
0x9c: {  	s6 =	simm.s32 $0x0;
	s20 =	sshll.u32 s4, $0x1;
	s4 =	sadd.s32 s21, s2  }
0x9d: {  	[timem:s6], [sflag:s22] =	dma.local [hbm:s4], s20  }
0x9e: {  	_ =	swait.ge [sflag:s22], s20  }
0x9f: {  	s3 =	ssub.s32 $0x0, s20;
	[sflag:s22] =	ssyncset.done $0x0  }
0xa0: {  	[sflag:s22] =	ssyncadd.s32 s3;
	_ =	sdelay $0x1  }
0xa1: {  	s23 =	simm.s32 $0x1B8B  }
0xa2: {  	_ =	swait.ge [sflag:s23], $0x1  }
0xa3: {  	[sflag:s23] =	ssyncset.done $0x0  }
0xa4: {  	s25 =	simm.s32 $0x1B8E;
	s24 =	sld [smem:$0x3FFE];
	[sflag:s23] =	ssyncadd.s32 $0xFFFFFFFF  }
0xa5: {  	s26 =	simm.s32 $execute0_lowered;
	[smem:$0x3FD2] =	sst s25  }
0xa6: {  	s4 =	sshll.u32 s26, $0x1;
	_ =	strace $0x8000004F;
	[dreg:$0x1] =	wrdreg $0xFFFFFFFF  }
0xa7: {  	s28 =	simm.s32 $_size_execute0_lowered;
	s2 =	sadd.s32 s2, s4;
	[dreg:$0x0] =	wrdreg $0x0  }
0xa8: {  	s4 =	sshll.u32 s28, $0x1;
	[dreg:$0x2] =	wrdreg s2  }
0xa9: {  	[dreg:$0x3] =	wrdreg s4  }
0xaa: {  	[dreg:$0x4] =	wrdreg $0xC0  }
0xab: {  	_ =	task [dreg:s6], $0x5FFFF  }
0xac: {  	[dreg:$0x1] =	wrdreg $0xFFFFFFFF  }
0xad: {  	[dreg:$0x0] =	wrdreg $0x60  }
0xae: {  	[dreg:$0x2] =	wrdreg s24  }
0xaf: {  	[dreg:$0x3] =	wrdreg $0x6A200  }
0xb0: {  	[dreg:$0x4] =	wrdreg $0x9  }
0xb1: {  	_ =	task.clear_ibuf [dreg:s6], $0x5FFFF;
	_ =	strace $0x9000004F  }
0xb2: {  	s29 =	simm.s32 $0x9;
	_ =	strace $0x80000051  }
0xb3: {  	_ =	swait.ge [sflag:s29], $0x1  }
0xb4: {  	[sflag:s29] =	ssyncadd.s32 $0xFFFFFFFF  }
0xb5: {  	_ =	strace $0x90000051  }
0xb6: {  	_ =	sfence  }
0xb7: {  	s30 =	sld [smem:$0x0];
	_ =	sdelay $0x2  }
0xb8: {  	s31 =	sshll.u32 s1, $0xD;
	s1 =	sshrl.u32 s1, $0x2  }
0xb9: {  	s3 =	sand.u32 $0x4000, s31;
	s1 =	sadd.s32 s1, s30  }
0xba: {  	s0 =	sor.u32 s3, s0;
	s1 =	sshll.u32 s1, $0x11  }
0xbb: {  	s0 =	sor.u32 s1, s0  }
0xbc: {  	s0 =	sadd.s32 $0x8F2B, s0  }
0xbd: {  	[sflag:s0] =	ssyncadd.remote.s32 $0x1  }
0xbe: {  	_ =	sfence.sel $0xFFFF  }
0xbf: {  	[dreg:$0x0] =	wrdreg $0xFFFFFFFF;
	(pc) =	sbr.abs _section_cstart, $3  }
0xc0: {  	[dreg:$0x1] =	wrdreg $0xFFFFFFFF  }
0xc1: {  	_ =	task.clear_ibuf [dreg:s6], $0x2FFFF;
	_ =	strace $0x9FFFFFFF  }
0xc2: {  	(tm) =	ssettm $0x7FFFFFFF  }
0xc3: {  	_ =	shalt  }
tec
execute0_lowered:
.L_overlay_start_1:
0x0: {  	(tag) =	ssettag $0x1  }
0x1: {  	s3 =	rddreg [dreg:$0x0]  }
0x2: {  	s1 =	rddreg [dreg:$0x1]  }
0x3: {  	s0 =	rddreg [dreg:$0x2]  }
0x4: {  	s2 =	simm.s32 $0x0;
	s4 =	srdreg.scid;
	s14 =	stileid.u32  }
0x5: {  	[smem:$0x7FF] =	sst s2;
	s7 =	sand.u32 $0x1, s4;
	s8 =	sadd.s32 $0xDA00, s3  }
0x6: {  	s5 =	sshll.u32 s14, $0x1;
	s9 =	smul.u32 $0x4E20, s14;
	s10 =	sadd.s32 $0x159C00, s3  }
0x7: {  	s31 =	smul.u32 $0x4E00, s14;
	p0 =	sne.s32 s14, $0x0;
	s14 =	sshll.u32 s14, $0x6  }
0x8: {  	_ =	strace $0x80000050;
	s4 =	smul.u32 $0x9C40, s7;
	s6 =	ssub.s32 $0x2, s7  }
0x9: {  	s5 =	sor.u32 s7, s5;
	s29 =	sshll.u32 s7, $0x4;
	s30 =	sshll.u32 s7, $0x8  }
0xa: {  	s13 =	smul.u32 $0x2700, s7;
	s14 =	sor.u32 $0x1C01, s14;
	s11 =	sshrl.u32 s6, $0x1  }
0xb: {  	s5 =	smul.u32 $0x270, s5;
	s16 =	sshrl.u32 s9, $0x3;
	s12 =	sadd.s32 s4, s3  }
0xc: {  	s11 =	ssub.s32 s6, s11;
	s3 =	sadd.s32 s9, s1;
	s6 =	sadd.s32 s30, s8  }
0xd: {  	s8 =	sadd.s32 s31, s8;
	s9 =	simm.s32 $0x1C00;
	s4 =	sadd.s32 s10, s5  }
0xe: {  	s5 =	sadd.s32 s29, s10;
	s6 =	sadd.s32 $0x4E000, s6;
	s15 =	sadd.s32 $0x5BC00, s12  }
0xf: {  	s7 =	smax.u32 s11, $0x1;
	s8 =	sadd.s32 s13, s8;
	s10 =	simm.s32 $0x1  }
0x10: {  	s11 =	simm.s32 $0x1400;
	s12 =	simm.s32 $0x80;
	s5 =	sadd.s32 $0x4E00, s5  }
0x11: {  	v0 =	vimm.f32 $0.0e+00;
	s13 =	sadd.s32 s16, s15;
	s15 =	sshrl.u32 s3, $0x3;
	s16 =	simm.s32 $0x0  }
.LBB2_1:
0x12: {  	s17 =	simm.s32 $0x40;
	s18 =	simm.s32 $0x0  }
.LBB2_2:
0x13: {  	p1 =	sne.s32 s17, $0x13840;
	[tilespmem:s18+$0x1C00] =	vst v0;
	s18 =	smov.u32 s17;
	s17 =	sadd.s32 $0x40, s17  }
.Ltmp0:
0x14: {  	(pc) =	sbr.rel @p1 .LBB2_2-.Ltmp0, $2  }
0x15: {  	_ =	sdelay $0x2  }
0x16: {  	s18 =	sshra.s32 s18, $0x2  }
0x17: {  	[tilespmem:s18+$0x1C00] =	vst v0  }
0x18: {  	[spmem:s3] =	stream.linear.scatter [tilespmem:s9], [sflag:$0x1], $0x4E20, $0x38;
	[tilespmem:$0xB840] =	vst v63  }
0x19: {  	_ =	swait.ge [sflag:s10], $0x4E20  }
0x1a: {  	[sflag:s10] =	ssyncset.done $0x0  }
0x1b: {  	[sflag:s10] =	ssyncadd.s32 $0xFFFFB1E0  }
0x1c: {  	[bflag:$0x0] =	sbarrier.arrive $0xFFFF  }
0x1d: {  	[tilespmem:s2], [sflag:$0x1] =	stream.linear.gather [hbm4b:s4+s2], $0x1380, $0x38;
	[tilespmem:$0xB840] =	vst v63  }
0x1e: {  	_ =	swait.ge [sflag:s10], $0x1380  }
0x1f: {  	[sflag:s10] =	ssyncset.done $0x0  }
0x20: {  	s17 =	simm.s32 @!p0 $0x0;
	s18 =	simm.s32 @!p0 $0x1380;
	[sflag:s10] =	ssyncadd.s32 $0xFFFFEC80  }
0x21: {  	[tilespmem:s18], [sflag:$0x1] =	stream.linear.gather @!p0 [hbm4b:s5+s17], $0x80, $0x38;
	[tilespmem:$0xB840] =	vst v63  }
0x22: {  	s17 =	simm.s32 @!p0 $0x1  }
0x23: {  	_ =	swait.ge @!p0 [sflag:s17], $0x80  }
0x24: {  	[sflag:s17] =	ssyncset.done @!p0 $0x0  }
0x25: {  	s30 =	sadd.s32 $0x0, s8;
	[sflag:s17] =	ssyncadd.s32 @!p0 $0xFFFFFF80  }
0x26: {  	[tilespmem:s11], [sflag:$0x1] =	stream.linear.gather [hbm4b:s30+s2], $0x800, $0x38;
	[tilespmem:$0xB840] =	vst v63  }
0x27: {  	_ =	swait.ge [sflag:s10], $0x800  }
0x28: {  	[sflag:s10] =	ssyncset.done $0x0  }
0x29: {  	s31 =	simm.s32 $0x0;
	[sflag:s10] =	ssyncadd.s32 $0xFFFFF800  }
0x2a: {  	[spmem:s1] =	stream.indirect.scatter.add.f32 [tilespmem:s11], [sflag:$0x1], $0x10, s31, s12, $0xb8;
	[tilespmem:$0xB840] =	vst v63  }
0x2b: {  	s19 =	simm.s32 $0x200;
	_ =	swait.ge [sflag:s10], $0x800  }
0x2c: {  	s18 =	simm.s32 $0x100;
	s17 =	simm.s32 $0x80;
	[sflag:s10] =	ssyncset.done $0x0  }
.LBB2_4:
0x2d: {  	s20 =	sadd.s32 s18, s8  }
0x2e: {  	[sflag:s10] =	ssyncadd.s32 $0xFFFFF800;
	s18 =	smov.u32 s19;
	s21 =	sadd.s32 $0x100, s19  }
0x2f: {  	[tilespmem:s11], [sflag:$0x1] =	stream.linear.gather [hbm4b:s20+s2], $0x800, $0x38;
	[tilespmem:$0xB840] =	vst v63  }
0x30: {  	p1 =	sne.s32 s19, $0x2600;
	_ =	swait.ge [sflag:s10], $0x800  }
.Ltmp1:
0x31: {  	[sflag:s10] =	ssyncset.done $0x0;
	(pc) =	sbr.rel @p1 .LBB2_4-.Ltmp1, $4  }
0x32: {  	[sflag:s10] =	ssyncadd.s32 $0xFFFFF800  }
0x33: {  	[spmem:s1] =	stream.indirect.scatter.add.f32 [tilespmem:s11], [sflag:$0x1], $0x10, s17, s12, $0xb8;
	[tilespmem:$0xB840] =	vst v63  }
0x34: {  	_ =	swait.ge [sflag:s10], $0x800  }
0x35: {  	s19 =	smov.u32 s21;
	s17 =	sadd.s32 $0x80, s17;
	[sflag:s10] =	ssyncset.done $0x0  }
0x36: {  	s18 =	sadd.s32 s18, s8;
	[sflag:s10] =	ssyncadd.s32 $0xFFFFF800  }
0x37: {  	[tilespmem:s11], [sflag:$0x1] =	stream.linear.gather [hbm4b:s18+s2], $0x800, $0x38;
	[tilespmem:$0xB840] =	vst v63  }
0x38: {  	_ =	swait.ge [sflag:s10], $0x800  }
0x39: {  	[sflag:s10] =	ssyncset.done $0x0  }
0x3a: {  	[sflag:s10] =	ssyncadd.s32 $0xFFFFF800  }
0x3b: {  	[spmem:s1] =	stream.indirect.scatter.add.f32 [tilespmem:s11], [sflag:$0x1], $0x10, s17, s12, $0xb8;
	[tilespmem:$0xB840] =	vst v63  }
0x3c: {  	_ =	swait.ge [sflag:s10], $0x800  }
0x3d: {  	[sflag:s10] =	ssyncset.done $0x0  }
0x3e: {  	s18 =	simm.s32 @!p0 $0x1400;
	s17 =	simm.s32 @!p0 $0x0;
	[sflag:s10] =	ssyncadd.s32 $0xFFFFF800  }
0x3f: {  	[tilespmem:s18], [sflag:$0x1] =	stream.linear.gather @!p0 [hbm4b:s6+s17], $0x800, $0x38;
	[tilespmem:$0xB840] =	vst v63  }
0x40: {  	s17 =	simm.s32 @!p0 $0x1  }
0x41: {  	_ =	swait.ge @!p0 [sflag:s17], $0x800  }
0x42: {  	[sflag:s17] =	ssyncset.done @!p0 $0x0  }
0x43: {  	s19 =	simm.s32 @!p0 $0x80;
	s20 =	simm.s32 @!p0 $0x1380;
	[sflag:s17] =	ssyncadd.s32 @!p0 $0xFFFFF800  }
0x44: {  	[spmem:s1] =	stream.indirect.scatter.add.f32 @!p0 [tilespmem:s18], [sflag:$0x1], $0x10, s20, s19, $0xb8;
	[tilespmem:$0xB840] =	vst v63  }
0x45: {  	_ =	swait.ge @!p0 [sflag:s17], $0x800  }
0x46: {  	s16 =	sadd.s32 $0x1, s16;
	[sflag:s17] =	ssyncset.done @!p0 $0x0  }
0x47: {  	p1 =	sne.s32 s16, s7;
	[sflag:s17] =	ssyncadd.s32 @!p0 $0xFFFFF800  }
.Ltmp2:
0x48: {  	[bflag:$0x0] =	sbarrier.arrive $0xFFFF;
	(pc) =	sbr.rel @p1 .LBB2_1-.Ltmp2, $4  }
0x49: {  	[hbm:s13], [sflag:s14] =	dma.local [spmem:s15], $0x9C4  }
0x4a: {  	_ =	swait.ge [sflag:s10], $0x9C4  }
0x4b: {  	[sflag:s10] =	ssyncset.done $0x0  }
0x4c: {  	[sflag:s10] =	ssyncadd.s32 $0xFFFFF63C  }
0x4d: {  	_ =	sfence.sel $0x180000  }
0x4e: {  	[bflag:$0x0] =	sbarrier.arrive $0xFFFF  }
0x4f: {  	_ =	strace $0x90000050  }
0x50: {  	s0 =	sadd.s32 @!p0 $0x100000, s0;
	[bflag:$0x2] =	sbarrier.arrive $0xFFFF  }
0x51: {  	[sflag:s0] =	ssyncadd.tile.s32 @!p0 $0x1;
	_ =	shalt  }
.Lfunc_end2:
_tile_overlayer_lowered:
.L_overlay_start_2:
0x52: {  	(tag) =	ssettag $0x2  }
0x53: {  	s0 =	rddreg [dreg:$0x0];
	s2 =	stileid.u32  }
0x54: {  	s1 =	rddreg [dreg:$0x1];
	p0 =	sne.s32 s2, $0x0  }
0x55: {  	s3 =	rddreg [dreg:$0x2];
	[bflag:$0x3] =	sbarrier.arrive $0xFFFF;
	s2 =	simm.s32 @!p0 $0x1C01  }
0x56: {  	[timem:s3], [sflag:s2] =	dma.local @!p0 [hbm:s0], s1  }
0x57: {  	s0 =	simm.s32 @!p0 $0x1  }
0x58: {  	_ =	swait.ge @!p0 [sflag:s0], s1  }
0x59: {  	s1 =	ssub.s32 @!p0 $0x0, s1;
	[sflag:s0] =	ssyncset.done @!p0 $0x0  }
0x5a: {  	[sflag:s0] =	ssyncadd.s32 @!p0 s1  }
0x5b: {  	[bflag:$0x3] =	sbarrier.arrive $0xFFFF  }
0x5c: {  	_ =	shalt  }

// kernel: kernel.28.cloned.1.call-start
scs
__scs_entry_jumppad:
0x0: {  	(pc) =	sbr.rel $0x88, $3  }
0x1: {  	(tag) =	ssettag $0x0;
	lr =	simm.s32 $0x1  }
0x2: {  	[smem:$0x3F8D] =	sst lr;
	_ =	strace $0xD0000000  }
0x3: {  	_ = 	snop  }
0x4: {  	_ = 	snop  }
0x5: {  	_ = 	snop  }
0x6: {  	_ = 	snop  }
0x7: {  	_ = 	snop  }
__scs_overlays_trampoline_lowered:
0x8: {  	[smem:$0x3F9C] =	sst s0  }
0x9: {  	[smem:$0x3F9D] =	sst s1  }
0xa: {  	[smem:$0x3F9E] =	sst s2  }
0xb: {  	[smem:$0x3F9F] =	sst s3  }
0xc: {  	[smem:$0x3FA0] =	sst s4  }
0xd: {  	[smem:$0x3FA1] =	sst s5  }
0xe: {  	[smem:$0x3FA2] =	sst s6  }
0xf: {  	[smem:$0x3FA3] =	sst s7  }
0x10: {  	[smem:$0x3FA4] =	sst s8  }
0x11: {  	[smem:$0x3FA5] =	sst s9;
	s0 =	simm.s32 @!p0 $0x0  }
0x12: {  	s1 =	sld [smem:$0x3F8B];
	s0 =	simm.s32 @p0 $0x1  }
0x13: {  	[smem:$0x3FA6] =	sst s0;
	s0 =	simm.s32 @!p1 $0x0  }
0x14: {  	s2 =	sld [smem:$0x3F8A];
	s0 =	simm.s32 @p1 $0x1  }
0x15: {  	[smem:$0x3FA7] =	sst s0;
	s0 =	simm.s32 @!p2 $0x0  }
0x16: {  	s3 =	sld [smem:$0x3FDB];
	s0 =	simm.s32 @p2 $0x1  }
0x17: {  	s4 =	simm.s32 $0x1BF5;
	[smem:$0x3FA9] =	sst s0  }
0x18: {  	s0 =	sld [smem:$0x3F8C];
	_ =	swait.ge [sflag:s4], $0x0  }
0x19: {  	s7 =	sld [smem:$0x3F8D]  }
0x1a: {  	s8 =	sadd.s32 $0xFFFFE003, lr  }
0x1b: {  	s9 =	sadd.s32 $0xFFFFFEF7, lr;
	s5 =	simm.s32 $0xFFFFFFFF;
	p2 =	slt.u32 s8, $0xFFFFF086  }
0x1c: {  	p1 =	slt.u32 s9, $0xF7A;
	s5 =	simm.s32 @!p2 $0x0  }
0x1d: {  	s5 =	simm.s32 @p1 $0x1;
	p0 =	seq.s32 s7, s2  }
0x1e: {  	s7 =	smul.u32 @!p0 $0xF7A, s2;
	p2 =	seq.s32 @!p0 s5, $0x0  }
0x1f: {  	s9 =	smul.u32 $0xF7A, s1;
	s8 =	simm.s32 @!p0 $0x1BF5;
	p2 =	por !p2, p0  }
0x20: {  	[sflag:s8] =	ssyncset.s32 @!p0 $0xFFFFF086;
	s6 =	sadd.s32 @!p0 s3, s7;
	s7 =	simm.s32 @!p0 $0x108  }
0x21: {  	s3 =	sadd.s32 s3, s9;
	s6 =	sadd.s32 @!p0 $0x88, s6;
	s7 =	simm.s32 @p2 $0x1082  }
0x22: {  	[simem:s7], [sflag:s8] =	dma.local @!p0 [hbm:s6], $0xF7A  }
0x23: {  	s9 =	sor.u32 $0xD0000000, s2;
	s6 =	simm.s32 $0x108;
	_ =	swait.ge @!p0 [sflag:s8], $0x0  }
0x24: {  	s3 =	sadd.s32 $0x88, s3;
	s6 =	simm.s32 @!p1 $0x1082;
	[sflag:s4] =	ssyncset.s32 $0xFFFFF086  }
0x25: {  	[simem:s6], [sflag:s4] =	dma.local [hbm:s3], $0xF7A  }
0x26: {  	[smem:$0x3F8D] =	sst s1;
	(tag) =	ssettag s2;
	_ =	strace s9  }
0x27: {  	s1 =	sld [smem:$0x3F9D]  }
0x28: {  	s2 =	sld [smem:$0x3F9E]  }
0x29: {  	s4 =	sld [smem:$0x3FA0]  }
0x2a: {  	p0 =	seq.s32 s5, $0x0;
	s5 =	sld [smem:$0x3FA1]  }
0x2b: {  	s6 =	sld [smem:$0x3FA2]  }
0x2c: {  	s7 =	sld [smem:$0x3FA3]  }
0x2d: {  	s3 =	simm.s32 $0x108;
	s8 =	sld [smem:$0x3FA4]  }
0x2e: {  	s3 =	simm.s32 @!p0 $0x1082;
	s9 =	sld [smem:$0x3FA5]  }
0x2f: {  	lr =	sadd.s32 s0, s3;
	s0 =	sld [smem:$0x3F9C]  }
0x30: {  	s3 =	sld [smem:$0x3F9F]  }
0x31: {  	[smem:$0x3FA8] =	sst s10  }
0x32: {  	s10 =	sld [smem:$0x3FA6];
	_ =	sdelay $0x3  }
0x33: {  	p0 =	seq.s32 s10, $0x1;
	s10 =	sld [smem:$0x3FA8];
	_ =	sdelay $0x3  }
0x34: {  	[smem:$0x3FA8] =	sst s10  }
0x35: {  	s10 =	sld [smem:$0x3FA7];
	_ =	sdelay $0x3  }
0x36: {  	p1 =	seq.s32 s10, $0x1;
	s10 =	sld [smem:$0x3FA8];
	_ =	sdelay $0x3  }
0x37: {  	[smem:$0x3FA8] =	sst s10  }
0x38: {  	s10 =	sld [smem:$0x3FA9]  }
0x39: {  	_ = 	snop;
	(pc) =	sbr.ind lr, $3  }
0x3a: {  	_ = 	snop  }
0x3b: {  	_ = 	snop  }
0x3c: {  	p2 =	seq.s32 s10, $0x1;
	s10 =	sld [smem:$0x3FA8]  }
0x3d: {  	_ =	shalt  }
0x3e: {  	_ =	shalt  }
0x3f: {  	_ =	shalt  }
0x40: {  	_ =	shalt  }
0x41: {  	_ =	shalt  }
0x42: {  	_ =	shalt  }
0x43: {  	_ =	shalt  }
0x44: {  	_ =	shalt  }
0x45: {  	_ =	shalt  }
0x46: {  	_ =	shalt  }
0x47: {  	_ =	shalt  }
0x48: {  	_ =	shalt  }
0x49: {  	_ =	shalt  }
0x4a: {  	_ =	shalt  }
0x4b: {  	_ =	shalt  }
0x4c: {  	_ =	shalt  }
0x4d: {  	_ =	shalt  }
0x4e: {  	_ =	shalt  }
0x4f: {  	_ =	shalt  }
0x50: {  	_ =	shalt  }
0x51: {  	_ =	shalt  }
0x52: {  	_ =	shalt  }
0x53: {  	_ =	shalt  }
0x54: {  	_ =	shalt  }
0x55: {  	_ =	shalt  }
0x56: {  	_ =	shalt  }
0x57: {  	_ =	shalt  }
0x58: {  	_ =	shalt  }
0x59: {  	_ =	shalt  }
0x5a: {  	_ =	shalt  }
0x5b: {  	_ =	shalt  }
0x5c: {  	_ =	shalt  }
0x5d: {  	_ =	shalt  }
0x5e: {  	_ =	shalt  }
0x5f: {  	_ =	shalt  }
0x60: {  	_ =	shalt  }
0x61: {  	_ =	shalt  }
0x62: {  	_ =	shalt  }
0x63: {  	_ =	shalt  }
0x64: {  	_ =	shalt  }
0x65: {  	_ =	shalt  }
0x66: {  	_ =	shalt  }
0x67: {  	_ =	shalt  }
0x68: {  	_ =	shalt  }
0x69: {  	_ =	shalt  }
0x6a: {  	_ =	shalt  }
0x6b: {  	_ =	shalt  }
0x6c: {  	_ =	shalt  }
0x6d: {  	_ =	shalt  }
0x6e: {  	_ =	shalt  }
0x6f: {  	_ =	shalt  }
0x70: {  	_ =	shalt  }
0x71: {  	_ =	shalt  }
0x72: {  	_ =	shalt  }
0x73: {  	_ =	shalt  }
0x74: {  	_ =	shalt  }
0x75: {  	_ =	shalt  }
0x76: {  	_ =	shalt  }
0x77: {  	_ =	shalt  }
0x78: {  	_ =	shalt  }
0x79: {  	_ =	shalt  }
0x7a: {  	_ =	shalt  }
0x7b: {  	_ =	shalt  }
0x7c: {  	_ =	shalt  }
0x7d: {  	_ =	shalt  }
0x7e: {  	_ =	shalt  }
0x7f: {  	_ =	shalt  }
0x80: {  	_ =	shalt  }
0x81: {  	_ =	shalt  }
0x82: {  	_ =	shalt  }
0x83: {  	_ =	shalt  }
0x84: {  	_ =	shalt  }
0x85: {  	_ =	shalt  }
0x86: {  	_ =	shalt  }
0x87: {  	_ =	shalt  }
.Lfunc_end0:
.L_simem_size_0:
called_computation.4_lowered:
.L_overlay_start_0:
0x88: {  	s2 =	sld [smem:$0x3FD9]  }
0x89: {  	s3 =	sld [smem:$0x3FFE];
	_ =	sdelay $0x1  }
0x8a: {  	s1 =	srdreg.scid  }
0x8b: {  	s0 =	sand.u32 $0x1, s1  }
0x8c: {  	s17 =	sshll.u32 s0, $0xA;
	s2 =	sadd.s32 s3, s2  }
0x8d: {  	s2 =	sadd.s32 s2, s17  }
0x8e: {  	[smem:$0x3FB4] =	sst s2  }
0x8f: {  	_ = 	snop  }
0x90: {  	s2 =	sld [smem:$0x3FD0];
	(tm) =	ssettm $0x1  }
0x91: {  	s18 =	sld [smem:$0x3FFB];
	_ =	sdelay $0x3  }
0x92: {  	_ =	strace s18  }
0x93: {  	s3 =	sld [smem:$0x3FFC];
	_ =	sdelay $0x3  }
0x94: {  	_ =	strace s3  }
0x95: {  	s3 =	sld [smem:$0x3FFD];
	_ =	sdelay $0x3  }
0x96: {  	_ =	strace s3  }
0x97: {  	_ =	strace $0x8FFFFFFF  }
0x98: {  	s19 =	sld [smem:$0x3FDB];
	_ =	sdelay $0x1  }
0x99: {  	s4 =	simm.s32 $_scs_section_size  }
0x9a: {  	s5 =	simm.s32 $_size__tile_overlayer_lowered;
	s6 =	simm.s32 $_tile_overlayer_lowered  }
0x9b: {  	s22 =	simm.s32 $0x1BFF;
	s21 =	sshll.u32 s6, $0x1;
	s3 =	sadd.s32 s4, s19  }
0x9c: {  	s7 =	simm.s32 $0x0;
	s20 =	sshll.u32 s5, $0x1;
	s5 =	sadd.s32 s21, s3  }
0x9d: {  	[timem:s7], [sflag:s22] =	dma.local [hbm:s5], s20  }
0x9e: {  	_ =	swait.ge [sflag:s22], s20  }
0x9f: {  	s4 =	ssub.s32 $0x0, s20;
	[sflag:s22] =	ssyncset.done $0x0  }
0xa0: {  	[sflag:s22] =	ssyncadd.s32 s4;
	_ =	sdelay $0x1  }
0xa1: {  	s23 =	simm.s32 $0x1B8B  }
0xa2: {  	_ =	swait.ge [sflag:s23], $0x1  }
0xa3: {  	[sflag:s23] =	ssyncset.done $0x0  }
0xa4: {  	s25 =	simm.s32 $0x1B8E;
	s24 =	sld [smem:$0x3FFE];
	[sflag:s23] =	ssyncadd.s32 $0xFFFFFFFF  }
0xa5: {  	s26 =	simm.s32 $execute0_lowered;
	[smem:$0x3FD2] =	sst s25  }
0xa6: {  	s5 =	sshll.u32 s26, $0x1;
	_ =	strace $0x80000052;
	[dreg:$0x1] =	wrdreg $0xFFFFFFFF  }
0xa7: {  	s28 =	simm.s32 $_size_execute0_lowered;
	s3 =	sadd.s32 s3, s5;
	[dreg:$0x0] =	wrdreg $0x0  }
0xa8: {  	s5 =	sshll.u32 s28, $0x1;
	[dreg:$0x2] =	wrdreg s3  }
0xa9: {  	[dreg:$0x3] =	wrdreg s5  }
0xaa: {  	[dreg:$0x4] =	wrdreg $0xC0  }
0xab: {  	_ =	task [dreg:s7], $0x5FFFF  }
0xac: {  	[dreg:$0x1] =	wrdreg $0xFFFFFFFF  }
0xad: {  	[dreg:$0x0] =	wrdreg $0x60  }
0xae: {  	[dreg:$0x2] =	wrdreg s24  }
0xaf: {  	[dreg:$0x3] =	wrdreg s2  }
0xb0: {  	[dreg:$0x4] =	wrdreg $0x9  }
0xb1: {  	_ =	task.clear_ibuf [dreg:s7], $0x5FFFF;
	_ =	strace $0x90000052  }
0xb2: {  	s29 =	simm.s32 $0x9;
	_ =	strace $0x80000054  }
0xb3: {  	_ =	swait.ge [sflag:s29], $0x1  }
0xb4: {  	[sflag:s29] =	ssyncadd.s32 $0xFFFFFFFF  }
0xb5: {  	_ =	strace $0x90000054  }
0xb6: {  	_ =	sfence  }
0xb7: {  	s30 =	sld [smem:$0x0];
	_ =	sdelay $0x2  }
0xb8: {  	s31 =	sshll.u32 s1, $0xD;
	s1 =	sshrl.u32 s1, $0x2  }
0xb9: {  	s3 =	sand.u32 $0x4000, s31;
	s1 =	sadd.s32 s1, s30  }
0xba: {  	s0 =	sor.u32 s3, s0;
	s1 =	sshll.u32 s1, $0x11  }
0xbb: {  	s0 =	sor.u32 s1, s0  }
0xbc: {  	s0 =	sadd.s32 $0x8F2B, s0  }
0xbd: {  	[sflag:s0] =	ssyncadd.remote.s32 $0x1  }
0xbe: {  	_ =	sfence.sel $0xFFFF  }
0xbf: {  	[dreg:$0x0] =	wrdreg $0xFFFFFFFF;
	(pc) =	sbr.abs _section_cstart, $3  }
0xc0: {  	[dreg:$0x1] =	wrdreg $0xFFFFFFFF  }
0xc1: {  	_ =	task.clear_ibuf [dreg:s7], $0x2FFFF;
	_ =	strace $0x9FFFFFFF  }
0xc2: {  	(tm) =	ssettm $0x7FFFFFFF  }
0xc3: {  	_ =	shalt  }
tec
execute0_lowered:
.L_overlay_start_1:
0x0: {  	(tag) =	ssettag $0x1  }
0x1: {  	s3 =	rddreg [dreg:$0x0]  }
0x2: {  	s4 =	rddreg [dreg:$0x1]  }
0x3: {  	s0 =	rddreg [dreg:$0x2]  }
0x4: {  	s2 =	srdreg.scid;
	s8 =	stileid.u32  }
0x5: {  	s1 =	simm.s32 $0x0;
	s12 =	simm.s32 $0x0;
	s5 =	sand.u32 $0x1, s2  }
0x6: {  	s25 =	sshll.u32 s8, $0x1;
	[smem:$0x7FF] =	sst s1;
	s10 =	sadd.s32 $0x17800, s3  }
0x7: {  	s28 =	smul.u32 $0x4E00, s8;
	p0 =	sne.s32 s8, $0x0;
	s8 =	simm.s32 $0x2  }
0x8: {  	s6 =	ssub.s32 $0x2, s5;
	s2 =	sor.u32 s5, s25;
	_ =	strace $0x80000053  }
0x9: {  	s26 =	sshll.u32 s5, $0x4;
	s29 =	sshll.u32 s5, $0x8;
	s11 =	smul.u32 $0x2700, s5  }
0xa: {  	s7 =	sshrl.u32 s6, $0x1;
	s9 =	smul.u32 $0x270, s2;
	s2 =	sadd.s32 $0xDA00, s3  }
0xb: {  	s30 =	sadd.s32 s29, s10;
	s31 =	sadd.s32 s28, s10;
	s10 =	simm.s32 $0x1400  }
0xc: {  	s6 =	ssub.s32 s6, s7;
	s5 =	sadd.s32 $0x4E000, s30;
	s7 =	sadd.s32 s11, s31  }
0xd: {  	s11 =	simm.s32 $0x1;
	s3 =	sadd.s32 s4, s9;
	s4 =	sadd.s32 s26, s4  }
0xe: {  	s6 =	smax.u32 s6, $0x1;
	s9 =	simm.s32 $0x80;
	s4 =	sadd.s32 $0x4E00, s4  }
.LBB2_1:
0xf: {  	[tilespmem:s1], [sflag:$0x2] =	stream.linear.gather [hbm4b:s3+s1], $0x1380, $0x38;
	[tilespmem:$0x1C00] =	vst v63  }
0x10: {  	_ =	swait.ge [sflag:s8], $0x1380  }
0x11: {  	[sflag:s8] =	ssyncset.done $0x0  }
0x12: {  	s13 =	simm.s32 @!p0 $0x0;
	s14 =	simm.s32 @!p0 $0x1380;
	[sflag:s8] =	ssyncadd.s32 $0xFFFFEC80  }
0x13: {  	[tilespmem:s14], [sflag:$0x2] =	stream.linear.gather @!p0 [hbm4b:s4+s13], $0x80, $0x38;
	[tilespmem:$0x1C00] =	vst v63  }
0x14: {  	s13 =	simm.s32 @!p0 $0x2  }
0x15: {  	_ =	swait.ge @!p0 [sflag:s13], $0x80  }
0x16: {  	[sflag:s13] =	ssyncset.done @!p0 $0x0  }
0x17: {  	[sflag:s13] =	ssyncadd.s32 @!p0 $0xFFFFFF80  }
0x18: {  	[tilespmem:s10], [sflag:$0x1] =	stream.indirect.gather [hbm4b:s2+s9], $0x10, s1, s9, $0xb8;
	[tilespmem:$0x1C00] =	vst v63  }
0x19: {  	_ =	swait.ge [sflag:s11], $0x800  }
0x1a: {  	[sflag:s11] =	ssyncset.done $0x0  }
0x1b: {  	s31 =	sadd.s32 $0x0, s7;
	[sflag:s11] =	ssyncadd.s32 $0xFFFFF800  }
0x1c: {  	[hbm4b:s31+s1] =	stream.linear.scatter [tilespmem:s10], [sflag:$0x2], $0x800, $0x38;
	[tilespmem:$0x1C00] =	vst v63  }
0x1d: {  	_ =	swait.ge [sflag:s8], $0x800  }
0x1e: {  	s14 =	simm.s32 $0x0;
	s13 =	simm.s32 $0x100;
	[sflag:s8] =	ssyncset.done $0x0  }
.LBB2_2:
0x1f: {  	p1 =	sne.s32 s13, $0x2600;
	[sflag:s8] =	ssyncadd.s32 $0xFFFFF800;
	s14 =	sadd.s32 $0x80, s14  }
0x20: {  	[tilespmem:s10], [sflag:$0x1] =	stream.indirect.gather [hbm4b:s2+s9], $0x10, s14, s9, $0xb8;
	[tilespmem:$0x1C00] =	vst v63  }
0x21: {  	s15 =	smov.u32 s13;
	s13 =	sadd.s32 $0x100, s13;
	_ =	swait.ge [sflag:s11], $0x800  }
.Ltmp0:
0x22: {  	[sflag:s11] =	ssyncset.done $0x0;
	(pc) =	sbr.rel @p1 .LBB2_2-.Ltmp0, $4  }
0x23: {  	s15 =	sadd.s32 s15, s7;
	[sflag:s11] =	ssyncadd.s32 $0xFFFFF800  }
0x24: {  	[hbm4b:s15+s1] =	stream.linear.scatter [tilespmem:s10], [sflag:$0x2], $0x800, $0x38;
	[tilespmem:$0x1C00] =	vst v63  }
0x25: {  	_ =	swait.ge [sflag:s8], $0x800  }
0x26: {  	[sflag:s8] =	ssyncset.done $0x0  }
0x27: {  	[sflag:s8] =	ssyncadd.s32 $0xFFFFF800  }
0x28: {  	s13 =	simm.s32 @!p0 $0x80;
	s14 =	simm.s32 @!p0 $0x1380;
	s15 =	simm.s32 @!p0 $0x1400  }
0x29: {  	[tilespmem:s15], [sflag:$0x1] =	stream.indirect.gather @!p0 [hbm4b:s2+s13], $0x10, s14, s13, $0xb8;
	[tilespmem:$0x1C00] =	vst v63  }
0x2a: {  	s13 =	simm.s32 @!p0 $0x1  }
0x2b: {  	_ =	swait.ge @!p0 [sflag:s13], $0x800  }
0x2c: {  	s12 =	sadd.s32 $0x1, s12;
	[sflag:s13] =	ssyncset.done @!p0 $0x0  }
0x2d: {  	p1 =	sne.s32 s12, s6;
	[sflag:s13] =	ssyncadd.s32 @!p0 $0xFFFFF800;
	s13 =	simm.s32 @!p0 $0x0  }
0x2e: {  	[hbm4b:s5+s13] =	stream.linear.scatter @!p0 [tilespmem:s15], [sflag:$0x2], $0x800, $0x38;
	[tilespmem:$0x1C00] =	vst v63  }
.Ltmp1:
0x2f: {  	_ = 	snop;
	(pc) =	sbr.rel @p1 .LBB2_1-.Ltmp1, $4  }
0x30: {  	s13 =	simm.s32 @!p0 $0x2  }
0x31: {  	_ =	swait.ge @!p0 [sflag:s13], $0x800  }
0x32: {  	[sflag:s13] =	ssyncset.done @!p0 $0x0  }
0x33: {  	[sflag:s13] =	ssyncadd.s32 @!p0 $0xFFFFF800  }
0x34: {  	_ =	sfence.sel $0x180000  }
0x35: {  	[bflag:$0x0] =	sbarrier.arrive $0xFFFF  }
0x36: {  	_ =	strace $0x90000053  }
0x37: {  	s0 =	sadd.s32 @!p0 $0x100000, s0;
	[bflag:$0x2] =	sbarrier.arrive $0xFFFF  }
0x38: {  	[sflag:s0] =	ssyncadd.tile.s32 @!p0 $0x1;
	_ =	shalt  }
.Lfunc_end2:
_tile_overlayer_lowered:
.L_overlay_start_2:
0x39: {  	(tag) =	ssettag $0x2  }
0x3a: {  	s0 =	rddreg [dreg:$0x0];
	s2 =	stileid.u32  }
0x3b: {  	s1 =	rddreg [dreg:$0x1];
	p0 =	sne.s32 s2, $0x0  }
0x3c: {  	s3 =	rddreg [dreg:$0x2];
	[bflag:$0x3] =	sbarrier.arrive $0xFFFF;
	s2 =	simm.s32 @!p0 $0x1C02  }
0x3d: {  	[timem:s3], [sflag:s2] =	dma.local @!p0 [hbm:s0], s1  }
0x3e: {  	s0 =	simm.s32 @!p0 $0x2  }
0x3f: {  	_ =	swait.ge @!p0 [sflag:s0], s1  }
0x40: {  	s1 =	ssub.s32 @!p0 $0x0, s1;
	[sflag:s0] =	ssyncset.done @!p0 $0x0  }
0x41: {  	[sflag:s0] =	ssyncadd.s32 @!p0 s1  }
0x42: {  	[bflag:$0x3] =	sbarrier.arrive $0xFFFF  }
0x43: {  	_ =	shalt  }

// kernel: kernel.31.cloned.1.call-start
scs
__scs_entry_jumppad:
0x0: {  	(pc) =	sbr.rel $0x88, $3  }
0x1: {  	(tag) =	ssettag $0x0;
	lr =	simm.s32 $0x1  }
0x2: {  	[smem:$0x3F8D] =	sst lr;
	_ =	strace $0xD0000000  }
0x3: {  	_ = 	snop  }
0x4: {  	_ = 	snop  }
0x5: {  	_ = 	snop  }
0x6: {  	_ = 	snop  }
0x7: {  	_ = 	snop  }
__scs_overlays_trampoline_lowered:
0x8: {  	[smem:$0x3F9C] =	sst s0  }
0x9: {  	[smem:$0x3F9D] =	sst s1  }
0xa: {  	[smem:$0x3F9E] =	sst s2  }
0xb: {  	[smem:$0x3F9F] =	sst s3  }
0xc: {  	[smem:$0x3FA0] =	sst s4  }
0xd: {  	[smem:$0x3FA1] =	sst s5  }
0xe: {  	[smem:$0x3FA2] =	sst s6  }
0xf: {  	[smem:$0x3FA3] =	sst s7  }
0x10: {  	[smem:$0x3FA4] =	sst s8  }
0x11: {  	[smem:$0x3FA5] =	sst s9;
	s0 =	simm.s32 @!p0 $0x0  }
0x12: {  	s1 =	sld [smem:$0x3F8B];
	s0 =	simm.s32 @p0 $0x1  }
0x13: {  	[smem:$0x3FA6] =	sst s0;
	s0 =	simm.s32 @!p1 $0x0  }
0x14: {  	s2 =	sld [smem:$0x3F8A];
	s0 =	simm.s32 @p1 $0x1  }
0x15: {  	[smem:$0x3FA7] =	sst s0;
	s0 =	simm.s32 @!p2 $0x0  }
0x16: {  	s3 =	sld [smem:$0x3FDB];
	s0 =	simm.s32 @p2 $0x1  }
0x17: {  	s4 =	simm.s32 $0x1BF5;
	[smem:$0x3FA9] =	sst s0  }
0x18: {  	s0 =	sld [smem:$0x3F8C];
	_ =	swait.ge [sflag:s4], $0x0  }
0x19: {  	s7 =	sld [smem:$0x3F8D]  }
0x1a: {  	s8 =	sadd.s32 $0xFFFFE003, lr  }
0x1b: {  	s9 =	sadd.s32 $0xFFFFFEF7, lr;
	s5 =	simm.s32 $0xFFFFFFFF;
	p2 =	slt.u32 s8, $0xFFFFF086  }
0x1c: {  	p1 =	slt.u32 s9, $0xF7A;
	s5 =	simm.s32 @!p2 $0x0  }
0x1d: {  	s5 =	simm.s32 @p1 $0x1;
	p0 =	seq.s32 s7, s2  }
0x1e: {  	s7 =	smul.u32 @!p0 $0xF7A, s2;
	p2 =	seq.s32 @!p0 s5, $0x0  }
0x1f: {  	s9 =	smul.u32 $0xF7A, s1;
	s8 =	simm.s32 @!p0 $0x1BF5;
	p2 =	por !p2, p0  }
0x20: {  	[sflag:s8] =	ssyncset.s32 @!p0 $0xFFFFF086;
	s6 =	sadd.s32 @!p0 s3, s7;
	s7 =	simm.s32 @!p0 $0x108  }
0x21: {  	s3 =	sadd.s32 s3, s9;
	s6 =	sadd.s32 @!p0 $0x88, s6;
	s7 =	simm.s32 @p2 $0x1082  }
0x22: {  	[simem:s7], [sflag:s8] =	dma.local @!p0 [hbm:s6], $0xF7A  }
0x23: {  	s9 =	sor.u32 $0xD0000000, s2;
	s6 =	simm.s32 $0x108;
	_ =	swait.ge @!p0 [sflag:s8], $0x0  }
0x24: {  	s3 =	sadd.s32 $0x88, s3;
	s6 =	simm.s32 @!p1 $0x1082;
	[sflag:s4] =	ssyncset.s32 $0xFFFFF086  }
0x25: {  	[simem:s6], [sflag:s4] =	dma.local [hbm:s3], $0xF7A  }
0x26: {  	[smem:$0x3F8D] =	sst s1;
	(tag) =	ssettag s2;
	_ =	strace s9  }
0x27: {  	s1 =	sld [smem:$0x3F9D]  }
0x28: {  	s2 =	sld [smem:$0x3F9E]  }
0x29: {  	s4 =	sld [smem:$0x3FA0]  }
0x2a: {  	p0 =	seq.s32 s5, $0x0;
	s5 =	sld [smem:$0x3FA1]  }
0x2b: {  	s6 =	sld [smem:$0x3FA2]  }
0x2c: {  	s7 =	sld [smem:$0x3FA3]  }
0x2d: {  	s3 =	simm.s32 $0x108;
	s8 =	sld [smem:$0x3FA4]  }
0x2e: {  	s3 =	simm.s32 @!p0 $0x1082;
	s9 =	sld [smem:$0x3FA5]  }
0x2f: {  	lr =	sadd.s32 s0, s3;
	s0 =	sld [smem:$0x3F9C]  }
0x30: {  	s3 =	sld [smem:$0x3F9F]  }
0x31: {  	[smem:$0x3FA8] =	sst s10  }
0x32: {  	s10 =	sld [smem:$0x3FA6];
	_ =	sdelay $0x3  }
0x33: {  	p0 =	seq.s32 s10, $0x1;
	s10 =	sld [smem:$0x3FA8];
	_ =	sdelay $0x3  }
0x34: {  	[smem:$0x3FA8] =	sst s10  }
0x35: {  	s10 =	sld [smem:$0x3FA7];
	_ =	sdelay $0x3  }
0x36: {  	p1 =	seq.s32 s10, $0x1;
	s10 =	sld [smem:$0x3FA8];
	_ =	sdelay $0x3  }
0x37: {  	[smem:$0x3FA8] =	sst s10  }
0x38: {  	s10 =	sld [smem:$0x3FA9]  }
0x39: {  	_ = 	snop;
	(pc) =	sbr.ind lr, $3  }
0x3a: {  	_ = 	snop  }
0x3b: {  	_ = 	snop  }
0x3c: {  	p2 =	seq.s32 s10, $0x1;
	s10 =	sld [smem:$0x3FA8]  }
0x3d: {  	_ =	shalt  }
0x3e: {  	_ =	shalt  }
0x3f: {  	_ =	shalt  }
0x40: {  	_ =	shalt  }
0x41: {  	_ =	shalt  }
0x42: {  	_ =	shalt  }
0x43: {  	_ =	shalt  }
0x44: {  	_ =	shalt  }
0x45: {  	_ =	shalt  }
0x46: {  	_ =	shalt  }
0x47: {  	_ =	shalt  }
0x48: {  	_ =	shalt  }
0x49: {  	_ =	shalt  }
0x4a: {  	_ =	shalt  }
0x4b: {  	_ =	shalt  }
0x4c: {  	_ =	shalt  }
0x4d: {  	_ =	shalt  }
0x4e: {  	_ =	shalt  }
0x4f: {  	_ =	shalt  }
0x50: {  	_ =	shalt  }
0x51: {  	_ =	shalt  }
0x52: {  	_ =	shalt  }
0x53: {  	_ =	shalt  }
0x54: {  	_ =	shalt  }
0x55: {  	_ =	shalt  }
0x56: {  	_ =	shalt  }
0x57: {  	_ =	shalt  }
0x58: {  	_ =	shalt  }
0x59: {  	_ =	shalt  }
0x5a: {  	_ =	shalt  }
0x5b: {  	_ =	shalt  }
0x5c: {  	_ =	shalt  }
0x5d: {  	_ =	shalt  }
0x5e: {  	_ =	shalt  }
0x5f: {  	_ =	shalt  }
0x60: {  	_ =	shalt  }
0x61: {  	_ =	shalt  }
0x62: {  	_ =	shalt  }
0x63: {  	_ =	shalt  }
0x64: {  	_ =	shalt  }
0x65: {  	_ =	shalt  }
0x66: {  	_ =	shalt  }
0x67: {  	_ =	shalt  }
0x68: {  	_ =	shalt  }
0x69: {  	_ =	shalt  }
0x6a: {  	_ =	shalt  }
0x6b: {  	_ =	shalt  }
0x6c: {  	_ =	shalt  }
0x6d: {  	_ =	shalt  }
0x6e: {  	_ =	shalt  }
0x6f: {  	_ =	shalt  }
0x70: {  	_ =	shalt  }
0x71: {  	_ =	shalt  }
0x72: {  	_ =	shalt  }
0x73: {  	_ =	shalt  }
0x74: {  	_ =	shalt  }
0x75: {  	_ =	shalt  }
0x76: {  	_ =	shalt  }
0x77: {  	_ =	shalt  }
0x78: {  	_ =	shalt  }
0x79: {  	_ =	shalt  }
0x7a: {  	_ =	shalt  }
0x7b: {  	_ =	shalt  }
0x7c: {  	_ =	shalt  }
0x7d: {  	_ =	shalt  }
0x7e: {  	_ =	shalt  }
0x7f: {  	_ =	shalt  }
0x80: {  	_ =	shalt  }
0x81: {  	_ =	shalt  }
0x82: {  	_ =	shalt  }
0x83: {  	_ =	shalt  }
0x84: {  	_ =	shalt  }
0x85: {  	_ =	shalt  }
0x86: {  	_ =	shalt  }
0x87: {  	_ =	shalt  }
.Lfunc_end0:
.L_simem_size_0:
called_computation.5_lowered:
.L_overlay_start_0:
0x88: {  	s2 =	sld [smem:$0x3FD9]  }
0x89: {  	s3 =	sld [smem:$0x3FFE];
	_ =	sdelay $0x1  }
0x8a: {  	s1 =	srdreg.scid  }
0x8b: {  	s0 =	sand.u32 $0x1, s1  }
0x8c: {  	s16 =	sshll.u32 s0, $0xA;
	s2 =	sadd.s32 s3, s2  }
0x8d: {  	s2 =	sadd.s32 s2, s16  }
0x8e: {  	[smem:$0x3FB4] =	sst s2  }
0x8f: {  	_ = 	snop  }
0x90: {  	(tm) =	ssettm $0x1  }
0x91: {  	s17 =	sld [smem:$0x3FFB];
	_ =	sdelay $0x3  }
0x92: {  	_ =	strace s17  }
0x93: {  	s2 =	sld [smem:$0x3FFC];
	_ =	sdelay $0x3  }
0x94: {  	_ =	strace s2  }
0x95: {  	s2 =	sld [smem:$0x3FFD];
	_ =	sdelay $0x3  }
0x96: {  	_ =	strace s2  }
0x97: {  	_ =	strace $0x8FFFFFFF  }
0x98: {  	s18 =	sld [smem:$0x3FDB];
	_ =	sdelay $0x1  }
0x99: {  	s19 =	simm.s32 $_scs_section_size  }
0x9a: {  	s4 =	simm.s32 $_size__tile_overlayer_lowered;
	s5 =	simm.s32 $_tile_overlayer_lowered  }
0x9b: {  	s22 =	simm.s32 $0x1BFF;
	s21 =	sshll.u32 s5, $0x1;
	s2 =	sadd.s32 s19, s18  }
0x9c: {  	s6 =	simm.s32 $0x0;
	s20 =	sshll.u32 s4, $0x1;
	s4 =	sadd.s32 s21, s2  }
0x9d: {  	[timem:s6], [sflag:s22] =	dma.local [hbm:s4], s20  }
0x9e: {  	_ =	swait.ge [sflag:s22], s20  }
0x9f: {  	s3 =	ssub.s32 $0x0, s20;
	[sflag:s22] =	ssyncset.done $0x0  }
0xa0: {  	[sflag:s22] =	ssyncadd.s32 s3;
	_ =	sdelay $0x1  }
0xa1: {  	s23 =	simm.s32 $0x1B8B  }
0xa2: {  	_ =	swait.ge [sflag:s23], $0x1  }
0xa3: {  	[sflag:s23] =	ssyncset.done $0x0  }
0xa4: {  	s25 =	simm.s32 $0x1B8E;
	s24 =	sld [smem:$0x3FFE];
	[sflag:s23] =	ssyncadd.s32 $0xFFFFFFFF  }
0xa5: {  	s26 =	simm.s32 $execute0_lowered;
	[smem:$0x3FD2] =	sst s25  }
0xa6: {  	s4 =	sshll.u32 s26, $0x1;
	_ =	strace $0x80000055;
	[dreg:$0x1] =	wrdreg $0xFFFFFFFF  }
0xa7: {  	s28 =	simm.s32 $_size_execute0_lowered;
	s2 =	sadd.s32 s2, s4;
	[dreg:$0x0] =	wrdreg $0x0  }
0xa8: {  	s4 =	sshll.u32 s28, $0x1;
	[dreg:$0x2] =	wrdreg s2  }
0xa9: {  	[dreg:$0x3] =	wrdreg s4  }
0xaa: {  	[dreg:$0x4] =	wrdreg $0xC0  }
0xab: {  	_ =	task [dreg:s6], $0x5FFFF  }
0xac: {  	[dreg:$0x1] =	wrdreg $0xFFFFFFFF  }
0xad: {  	[dreg:$0x0] =	wrdreg $0x60  }
0xae: {  	[dreg:$0x2] =	wrdreg s24  }
0xaf: {  	[dreg:$0x3] =	wrdreg $0x6A200  }
0xb0: {  	[dreg:$0x4] =	wrdreg $0x9  }
0xb1: {  	_ =	task.clear_ibuf [dreg:s6], $0x5FFFF;
	_ =	strace $0x90000055  }
0xb2: {  	s29 =	simm.s32 $0x9;
	_ =	strace $0x80000057  }
0xb3: {  	_ =	swait.ge [sflag:s29], $0x1  }
0xb4: {  	[sflag:s29] =	ssyncadd.s32 $0xFFFFFFFF  }
0xb5: {  	_ =	strace $0x90000057  }
0xb6: {  	_ =	sfence  }
0xb7: {  	s30 =	sld [smem:$0x0];
	_ =	sdelay $0x2  }
0xb8: {  	s31 =	sshll.u32 s1, $0xD;
	s1 =	sshrl.u32 s1, $0x2  }
0xb9: {  	s3 =	sand.u32 $0x4000, s31;
	s1 =	sadd.s32 s1, s30  }
0xba: {  	s0 =	sor.u32 s3, s0;
	s1 =	sshll.u32 s1, $0x11  }
0xbb: {  	s0 =	sor.u32 s1, s0  }
0xbc: {  	s0 =	sadd.s32 $0x8F2B, s0  }
0xbd: {  	[sflag:s0] =	ssyncadd.remote.s32 $0x1  }
0xbe: {  	_ =	sfence.sel $0xFFFF  }
0xbf: {  	[dreg:$0x0] =	wrdreg $0xFFFFFFFF;
	(pc) =	sbr.abs _section_cstart, $3  }
0xc0: {  	[dreg:$0x1] =	wrdreg $0xFFFFFFFF  }
0xc1: {  	_ =	task.clear_ibuf [dreg:s6], $0x2FFFF;
	_ =	strace $0x9FFFFFFF  }
0xc2: {  	(tm) =	ssettm $0x7FFFFFFF  }
0xc3: {  	_ =	shalt  }
tec
execute0_lowered:
.L_overlay_start_1:
0x0: {  	(tag) =	ssettag $0x1  }
0x1: {  	s3 =	rddreg [dreg:$0x0]  }
0x2: {  	s1 =	rddreg [dreg:$0x1]  }
0x3: {  	s0 =	rddreg [dreg:$0x2]  }
0x4: {  	s2 =	simm.s32 $0x0;
	s4 =	srdreg.scid;
	s14 =	stileid.u32  }
0x5: {  	[smem:$0x7FF] =	sst s2;
	s7 =	sand.u32 $0x1, s4;
	s8 =	sadd.s32 $0xDA00, s3  }
0x6: {  	s5 =	sshll.u32 s14, $0x1;
	s9 =	smul.u32 $0x4E20, s14;
	s10 =	sadd.s32 $0x159C00, s3  }
0x7: {  	s31 =	smul.u32 $0x4E00, s14;
	p0 =	sne.s32 s14, $0x0;
	s14 =	sshll.u32 s14, $0x6  }
0x8: {  	_ =	strace $0x80000056;
	s4 =	smul.u32 $0x9C40, s7;
	s6 =	ssub.s32 $0x2, s7  }
0x9: {  	s5 =	sor.u32 s7, s5;
	s29 =	sshll.u32 s7, $0x4;
	s30 =	sshll.u32 s7, $0x8  }
0xa: {  	s13 =	smul.u32 $0x2700, s7;
	s14 =	sor.u32 $0x1C01, s14;
	s11 =	sshrl.u32 s6, $0x1  }
0xb: {  	s5 =	smul.u32 $0x270, s5;
	s16 =	sshrl.u32 s9, $0x3;
	s12 =	sadd.s32 s4, s3  }
0xc: {  	s11 =	ssub.s32 s6, s11;
	s3 =	sadd.s32 s9, s1;
	s6 =	sadd.s32 s30, s8  }
0xd: {  	s8 =	sadd.s32 s31, s8;
	s9 =	simm.s32 $0x1C00;
	s4 =	sadd.s32 s10, s5  }
0xe: {  	s5 =	sadd.s32 s29, s10;
	s6 =	sadd.s32 $0x4E000, s6;
	s15 =	sadd.s32 $0x5BC00, s12  }
0xf: {  	s7 =	smax.u32 s11, $0x1;
	s8 =	sadd.s32 s13, s8;
	s10 =	simm.s32 $0x1  }
0x10: {  	s11 =	simm.s32 $0x1400;
	s12 =	simm.s32 $0x80;
	s5 =	sadd.s32 $0x4E00, s5  }
0x11: {  	v0 =	vimm.f32 $0.0e+00;
	s13 =	sadd.s32 s16, s15;
	s15 =	sshrl.u32 s3, $0x3;
	s16 =	simm.s32 $0x0  }
.LBB2_1:
0x12: {  	s17 =	simm.s32 $0x40;
	s18 =	simm.s32 $0x0  }
.LBB2_2:
0x13: {  	p1 =	sne.s32 s17, $0x13840;
	[tilespmem:s18+$0x1C00] =	vst v0;
	s18 =	smov.u32 s17;
	s17 =	sadd.s32 $0x40, s17  }
.Ltmp0:
0x14: {  	(pc) =	sbr.rel @p1 .LBB2_2-.Ltmp0, $2  }
0x15: {  	_ =	sdelay $0x2  }
0x16: {  	s18 =	sshra.s32 s18, $0x2  }
0x17: {  	[tilespmem:s18+$0x1C00] =	vst v0  }
0x18: {  	[spmem:s3] =	stream.linear.scatter [tilespmem:s9], [sflag:$0x1], $0x4E20, $0x38;
	[tilespmem:$0xB840] =	vst v63  }
0x19: {  	_ =	swait.ge [sflag:s10], $0x4E20  }
0x1a: {  	[sflag:s10] =	ssyncset.done $0x0  }
0x1b: {  	[sflag:s10] =	ssyncadd.s32 $0xFFFFB1E0  }
0x1c: {  	[bflag:$0x0] =	sbarrier.arrive $0xFFFF  }
0x1d: {  	[tilespmem:s2], [sflag:$0x1] =	stream.linear.gather [hbm4b:s4+s2], $0x1380, $0x38;
	[tilespmem:$0xB840] =	vst v63  }
0x1e: {  	_ =	swait.ge [sflag:s10], $0x1380  }
0x1f: {  	[sflag:s10] =	ssyncset.done $0x0  }
0x20: {  	s17 =	simm.s32 @!p0 $0x0;
	s18 =	simm.s32 @!p0 $0x1380;
	[sflag:s10] =	ssyncadd.s32 $0xFFFFEC80  }
0x21: {  	[tilespmem:s18], [sflag:$0x1] =	stream.linear.gather @!p0 [hbm4b:s5+s17], $0x80, $0x38;
	[tilespmem:$0xB840] =	vst v63  }
0x22: {  	s17 =	simm.s32 @!p0 $0x1  }
0x23: {  	_ =	swait.ge @!p0 [sflag:s17], $0x80  }
0x24: {  	[sflag:s17] =	ssyncset.done @!p0 $0x0  }
0x25: {  	s30 =	sadd.s32 $0x0, s8;
	[sflag:s17] =	ssyncadd.s32 @!p0 $0xFFFFFF80  }
0x26: {  	[tilespmem:s11], [sflag:$0x1] =	stream.linear.gather [hbm4b:s30+s2], $0x800, $0x38;
	[tilespmem:$0xB840] =	vst v63  }
0x27: {  	_ =	swait.ge [sflag:s10], $0x800  }
0x28: {  	[sflag:s10] =	ssyncset.done $0x0  }
0x29: {  	s31 =	simm.s32 $0x0;
	[sflag:s10] =	ssyncadd.s32 $0xFFFFF800  }
0x2a: {  	[spmem:s1] =	stream.indirect.scatter.add.f32 [tilespmem:s11], [sflag:$0x1], $0x10, s31, s12, $0xb8;
	[tilespmem:$0xB840] =	vst v63  }
0x2b: {  	s19 =	simm.s32 $0x200;
	_ =	swait.ge [sflag:s10], $0x800  }
0x2c: {  	s18 =	simm.s32 $0x100;
	s17 =	simm.s32 $0x80;
	[sflag:s10] =	ssyncset.done $0x0  }
.LBB2_4:
0x2d: {  	s20 =	sadd.s32 s18, s8  }
0x2e: {  	[sflag:s10] =	ssyncadd.s32 $0xFFFFF800;
	s18 =	smov.u32 s19;
	s21 =	sadd.s32 $0x100, s19  }
0x2f: {  	[tilespmem:s11], [sflag:$0x1] =	stream.linear.gather [hbm4b:s20+s2], $0x800, $0x38;
	[tilespmem:$0xB840] =	vst v63  }
0x30: {  	p1 =	sne.s32 s19, $0x2600;
	_ =	swait.ge [sflag:s10], $0x800  }
.Ltmp1:
0x31: {  	[sflag:s10] =	ssyncset.done $0x0;
	(pc) =	sbr.rel @p1 .LBB2_4-.Ltmp1, $4  }
0x32: {  	[sflag:s10] =	ssyncadd.s32 $0xFFFFF800  }
0x33: {  	[spmem:s1] =	stream.indirect.scatter.add.f32 [tilespmem:s11], [sflag:$0x1], $0x10, s17, s12, $0xb8;
	[tilespmem:$0xB840] =	vst v63  }
0x34: {  	_ =	swait.ge [sflag:s10], $0x800  }
0x35: {  	s19 =	smov.u32 s21;
	s17 =	sadd.s32 $0x80, s17;
	[sflag:s10] =	ssyncset.done $0x0  }
0x36: {  	s18 =	sadd.s32 s18, s8;
	[sflag:s10] =	ssyncadd.s32 $0xFFFFF800  }
0x37: {  	[tilespmem:s11], [sflag:$0x1] =	stream.linear.gather [hbm4b:s18+s2], $0x800, $0x38;
	[tilespmem:$0xB840] =	vst v63  }
0x38: {  	_ =	swait.ge [sflag:s10], $0x800  }
0x39: {  	[sflag:s10] =	ssyncset.done $0x0  }
0x3a: {  	[sflag:s10] =	ssyncadd.s32 $0xFFFFF800  }
0x3b: {  	[spmem:s1] =	stream.indirect.scatter.add.f32 [tilespmem:s11], [sflag:$0x1], $0x10, s17, s12, $0xb8;
	[tilespmem:$0xB840] =	vst v63  }
0x3c: {  	_ =	swait.ge [sflag:s10], $0x800  }
0x3d: {  	[sflag:s10] =	ssyncset.done $0x0  }
0x3e: {  	s18 =	simm.s32 @!p0 $0x1400;
	s17 =	simm.s32 @!p0 $0x0;
	[sflag:s10] =	ssyncadd.s32 $0xFFFFF800  }
0x3f: {  	[tilespmem:s18], [sflag:$0x1] =	stream.linear.gather @!p0 [hbm4b:s6+s17], $0x800, $0x38;
	[tilespmem:$0xB840] =	vst v63  }
0x40: {  	s17 =	simm.s32 @!p0 $0x1  }
0x41: {  	_ =	swait.ge @!p0 [sflag:s17], $0x800  }
0x42: {  	[sflag:s17] =	ssyncset.done @!p0 $0x0  }
0x43: {  	s19 =	simm.s32 @!p0 $0x80;
	s20 =	simm.s32 @!p0 $0x1380;
	[sflag:s17] =	ssyncadd.s32 @!p0 $0xFFFFF800  }
0x44: {  	[spmem:s1] =	stream.indirect.scatter.add.f32 @!p0 [tilespmem:s18], [sflag:$0x1], $0x10, s20, s19, $0xb8;
	[tilespmem:$0xB840] =	vst v63  }
0x45: {  	_ =	swait.ge @!p0 [sflag:s17], $0x800  }
0x46: {  	s16 =	sadd.s32 $0x1, s16;
	[sflag:s17] =	ssyncset.done @!p0 $0x0  }
0x47: {  	p1 =	sne.s32 s16, s7;
	[sflag:s17] =	ssyncadd.s32 @!p0 $0xFFFFF800  }
.Ltmp2:
0x48: {  	[bflag:$0x0] =	sbarrier.arrive $0xFFFF;
	(pc) =	sbr.rel @p1 .LBB2_1-.Ltmp2, $4  }
0x49: {  	[hbm:s13], [sflag:s14] =	dma.local [spmem:s15], $0x9C4  }
0x4a: {  	_ =	swait.ge [sflag:s10], $0x9C4  }
0x4b: {  	[sflag:s10] =	ssyncset.done $0x0  }
0x4c: {  	[sflag:s10] =	ssyncadd.s32 $0xFFFFF63C  }
0x4d: {  	_ =	sfence.sel $0x180000  }
0x4e: {  	[bflag:$0x0] =	sbarrier.arrive $0xFFFF  }
0x4f: {  	_ =	strace $0x90000056  }
0x50: {  	s0 =	sadd.s32 @!p0 $0x100000, s0;
	[bflag:$0x2] =	sbarrier.arrive $0xFFFF  }
0x51: {  	[sflag:s0] =	ssyncadd.tile.s32 @!p0 $0x1;
	_ =	shalt  }
.Lfunc_end2:
_tile_overlayer_lowered:
.L_overlay_start_2:
0x52: {  	(tag) =	ssettag $0x2  }
0x53: {  	s0 =	rddreg [dreg:$0x0];
	s2 =	stileid.u32  }
0x54: {  	s1 =	rddreg [dreg:$0x1];
	p0 =	sne.s32 s2, $0x0  }
0x55: {  	s3 =	rddreg [dreg:$0x2];
	[bflag:$0x3] =	sbarrier.arrive $0xFFFF;
	s2 =	simm.s32 @!p0 $0x1C01  }
0x56: {  	[timem:s3], [sflag:s2] =	dma.local @!p0 [hbm:s0], s1  }
0x57: {  	s0 =	simm.s32 @!p0 $0x1  }
0x58: {  	_ =	swait.ge @!p0 [sflag:s0], s1  }
0x59: {  	s1 =	ssub.s32 @!p0 $0x0, s1;
	[sflag:s0] =	ssyncset.done @!p0 $0x0  }
0x5a: {  	[sflag:s0] =	ssyncadd.s32 @!p0 s1  }
0x5b: {  	[bflag:$0x3] =	sbarrier.arrive $0xFFFF  }
0x5c: {  	_ =	shalt  }

// kernel: kernel.34.cloned.1.call-start
scs
__scs_entry_jumppad:
0x0: {  	(pc) =	sbr.rel $0x88, $3  }
0x1: {  	(tag) =	ssettag $0x0;
	lr =	simm.s32 $0x1  }
0x2: {  	[smem:$0x3F8D] =	sst lr;
	_ =	strace $0xD0000000  }
0x3: {  	_ = 	snop  }
0x4: {  	_ = 	snop  }
0x5: {  	_ = 	snop  }
0x6: {  	_ = 	snop  }
0x7: {  	_ = 	snop  }
__scs_overlays_trampoline_lowered:
0x8: {  	[smem:$0x3F9C] =	sst s0  }
0x9: {  	[smem:$0x3F9D] =	sst s1  }
0xa: {  	[smem:$0x3F9E] =	sst s2  }
0xb: {  	[smem:$0x3F9F] =	sst s3  }
0xc: {  	[smem:$0x3FA0] =	sst s4  }
0xd: {  	[smem:$0x3FA1] =	sst s5  }
0xe: {  	[smem:$0x3FA2] =	sst s6  }
0xf: {  	[smem:$0x3FA3] =	sst s7  }
0x10: {  	[smem:$0x3FA4] =	sst s8  }
0x11: {  	[smem:$0x3FA5] =	sst s9;
	s0 =	simm.s32 @!p0 $0x0  }
0x12: {  	s1 =	sld [smem:$0x3F8B];
	s0 =	simm.s32 @p0 $0x1  }
0x13: {  	[smem:$0x3FA6] =	sst s0;
	s0 =	simm.s32 @!p1 $0x0  }
0x14: {  	s2 =	sld [smem:$0x3F8A];
	s0 =	simm.s32 @p1 $0x1  }
0x15: {  	[smem:$0x3FA7] =	sst s0;
	s0 =	simm.s32 @!p2 $0x0  }
0x16: {  	s3 =	sld [smem:$0x3FDB];
	s0 =	simm.s32 @p2 $0x1  }
0x17: {  	s4 =	simm.s32 $0x1BF5;
	[smem:$0x3FA9] =	sst s0  }
0x18: {  	s0 =	sld [smem:$0x3F8C];
	_ =	swait.ge [sflag:s4], $0x0  }
0x19: {  	s7 =	sld [smem:$0x3F8D]  }
0x1a: {  	s8 =	sadd.s32 $0xFFFFE003, lr  }
0x1b: {  	s9 =	sadd.s32 $0xFFFFFEF7, lr;
	s5 =	simm.s32 $0xFFFFFFFF;
	p2 =	slt.u32 s8, $0xFFFFF086  }
0x1c: {  	p1 =	slt.u32 s9, $0xF7A;
	s5 =	simm.s32 @!p2 $0x0  }
0x1d: {  	s5 =	simm.s32 @p1 $0x1;
	p0 =	seq.s32 s7, s2  }
0x1e: {  	s7 =	smul.u32 @!p0 $0xF7A, s2;
	p2 =	seq.s32 @!p0 s5, $0x0  }
0x1f: {  	s9 =	smul.u32 $0xF7A, s1;
	s8 =	simm.s32 @!p0 $0x1BF5;
	p2 =	por !p2, p0  }
0x20: {  	[sflag:s8] =	ssyncset.s32 @!p0 $0xFFFFF086;
	s6 =	sadd.s32 @!p0 s3, s7;
	s7 =	simm.s32 @!p0 $0x108  }
0x21: {  	s3 =	sadd.s32 s3, s9;
	s6 =	sadd.s32 @!p0 $0x88, s6;
	s7 =	simm.s32 @p2 $0x1082  }
0x22: {  	[simem:s7], [sflag:s8] =	dma.local @!p0 [hbm:s6], $0xF7A  }
0x23: {  	s9 =	sor.u32 $0xD0000000, s2;
	s6 =	simm.s32 $0x108;
	_ =	swait.ge @!p0 [sflag:s8], $0x0  }
0x24: {  	s3 =	sadd.s32 $0x88, s3;
	s6 =	simm.s32 @!p1 $0x1082;
	[sflag:s4] =	ssyncset.s32 $0xFFFFF086  }
0x25: {  	[simem:s6], [sflag:s4] =	dma.local [hbm:s3], $0xF7A  }
0x26: {  	[smem:$0x3F8D] =	sst s1;
	(tag) =	ssettag s2;
	_ =	strace s9  }
0x27: {  	s1 =	sld [smem:$0x3F9D]  }
0x28: {  	s2 =	sld [smem:$0x3F9E]  }
0x29: {  	s4 =	sld [smem:$0x3FA0]  }
0x2a: {  	p0 =	seq.s32 s5, $0x0;
	s5 =	sld [smem:$0x3FA1]  }
0x2b: {  	s6 =	sld [smem:$0x3FA2]  }
0x2c: {  	s7 =	sld [smem:$0x3FA3]  }
0x2d: {  	s3 =	simm.s32 $0x108;
	s8 =	sld [smem:$0x3FA4]  }
0x2e: {  	s3 =	simm.s32 @!p0 $0x1082;
	s9 =	sld [smem:$0x3FA5]  }
0x2f: {  	lr =	sadd.s32 s0, s3;
	s0 =	sld [smem:$0x3F9C]  }
0x30: {  	s3 =	sld [smem:$0x3F9F]  }
0x31: {  	[smem:$0x3FA8] =	sst s10  }
0x32: {  	s10 =	sld [smem:$0x3FA6];
	_ =	sdelay $0x3  }
0x33: {  	p0 =	seq.s32 s10, $0x1;
	s10 =	sld [smem:$0x3FA8];
	_ =	sdelay $0x3  }
0x34: {  	[smem:$0x3FA8] =	sst s10  }
0x35: {  	s10 =	sld [smem:$0x3FA7];
	_ =	sdelay $0x3  }
0x36: {  	p1 =	seq.s32 s10, $0x1;
	s10 =	sld [smem:$0x3FA8];
	_ =	sdelay $0x3  }
0x37: {  	[smem:$0x3FA8] =	sst s10  }
0x38: {  	s10 =	sld [smem:$0x3FA9]  }
0x39: {  	_ = 	snop;
	(pc) =	sbr.ind lr, $3  }
0x3a: {  	_ = 	snop  }
0x3b: {  	_ = 	snop  }
0x3c: {  	p2 =	seq.s32 s10, $0x1;
	s10 =	sld [smem:$0x3FA8]  }
0x3d: {  	_ =	shalt  }
0x3e: {  	_ =	shalt  }
0x3f: {  	_ =	shalt  }
0x40: {  	_ =	shalt  }
0x41: {  	_ =	shalt  }
0x42: {  	_ =	shalt  }
0x43: {  	_ =	shalt  }
0x44: {  	_ =	shalt  }
0x45: {  	_ =	shalt  }
0x46: {  	_ =	shalt  }
0x47: {  	_ =	shalt  }
0x48: {  	_ =	shalt  }
0x49: {  	_ =	shalt  }
0x4a: {  	_ =	shalt  }
0x4b: {  	_ =	shalt  }
0x4c: {  	_ =	shalt  }
0x4d: {  	_ =	shalt  }
0x4e: {  	_ =	shalt  }
0x4f: {  	_ =	shalt  }
0x50: {  	_ =	shalt  }
0x51: {  	_ =	shalt  }
0x52: {  	_ =	shalt  }
0x53: {  	_ =	shalt  }
0x54: {  	_ =	shalt  }
0x55: {  	_ =	shalt  }
0x56: {  	_ =	shalt  }
0x57: {  	_ =	shalt  }
0x58: {  	_ =	shalt  }
0x59: {  	_ =	shalt  }
0x5a: {  	_ =	shalt  }
0x5b: {  	_ =	shalt  }
0x5c: {  	_ =	shalt  }
0x5d: {  	_ =	shalt  }
0x5e: {  	_ =	shalt  }
0x5f: {  	_ =	shalt  }
0x60: {  	_ =	shalt  }
0x61: {  	_ =	shalt  }
0x62: {  	_ =	shalt  }
0x63: {  	_ =	shalt  }
0x64: {  	_ =	shalt  }
0x65: {  	_ =	shalt  }
0x66: {  	_ =	shalt  }
0x67: {  	_ =	shalt  }
0x68: {  	_ =	shalt  }
0x69: {  	_ =	shalt  }
0x6a: {  	_ =	shalt  }
0x6b: {  	_ =	shalt  }
0x6c: {  	_ =	shalt  }
0x6d: {  	_ =	shalt  }
0x6e: {  	_ =	shalt  }
0x6f: {  	_ =	shalt  }
0x70: {  	_ =	shalt  }
0x71: {  	_ =	shalt  }
0x72: {  	_ =	shalt  }
0x73: {  	_ =	shalt  }
0x74: {  	_ =	shalt  }
0x75: {  	_ =	shalt  }
0x76: {  	_ =	shalt  }
0x77: {  	_ =	shalt  }
0x78: {  	_ =	shalt  }
0x79: {  	_ =	shalt  }
0x7a: {  	_ =	shalt  }
0x7b: {  	_ =	shalt  }
0x7c: {  	_ =	shalt  }
0x7d: {  	_ =	shalt  }
0x7e: {  	_ =	shalt  }
0x7f: {  	_ =	shalt  }
0x80: {  	_ =	shalt  }
0x81: {  	_ =	shalt  }
0x82: {  	_ =	shalt  }
0x83: {  	_ =	shalt  }
0x84: {  	_ =	shalt  }
0x85: {  	_ =	shalt  }
0x86: {  	_ =	shalt  }
0x87: {  	_ =	shalt  }
.Lfunc_end0:
.L_simem_size_0:
called_computation.6_lowered:
.L_overlay_start_0:
0x88: {  	s2 =	sld [smem:$0x3FD9]  }
0x89: {  	s3 =	sld [smem:$0x3FFE];
	_ =	sdelay $0x1  }
0x8a: {  	s1 =	srdreg.scid  }
0x8b: {  	s0 =	sand.u32 $0x1, s1  }
0x8c: {  	s16 =	sshll.u32 s0, $0xA;
	s2 =	sadd.s32 s3, s2  }
0x8d: {  	s2 =	sadd.s32 s2, s16  }
0x8e: {  	[smem:$0x3FB4] =	sst s2  }
0x8f: {  	_ = 	snop  }
0x90: {  	(tm) =	ssettm $0x1  }
0x91: {  	s17 =	sld [smem:$0x3FFB];
	_ =	sdelay $0x3  }
0x92: {  	_ =	strace s17  }
0x93: {  	s2 =	sld [smem:$0x3FFC];
	_ =	sdelay $0x3  }
0x94: {  	_ =	strace s2  }
0x95: {  	s2 =	sld [smem:$0x3FFD];
	_ =	sdelay $0x3  }
0x96: {  	_ =	strace s2  }
0x97: {  	_ =	strace $0x8FFFFFFF  }
0x98: {  	s18 =	sld [smem:$0x3FDB];
	_ =	sdelay $0x1  }
0x99: {  	s19 =	simm.s32 $_scs_section_size  }
0x9a: {  	s4 =	simm.s32 $_size__tile_overlayer_lowered;
	s5 =	simm.s32 $_tile_overlayer_lowered  }
0x9b: {  	s22 =	simm.s32 $0x1BFF;
	s21 =	sshll.u32 s5, $0x1;
	s2 =	sadd.s32 s19, s18  }
0x9c: {  	s6 =	simm.s32 $0x0;
	s20 =	sshll.u32 s4, $0x1;
	s4 =	sadd.s32 s21, s2  }
0x9d: {  	[timem:s6], [sflag:s22] =	dma.local [hbm:s4], s20  }
0x9e: {  	_ =	swait.ge [sflag:s22], s20  }
0x9f: {  	s3 =	ssub.s32 $0x0, s20;
	[sflag:s22] =	ssyncset.done $0x0  }
0xa0: {  	[sflag:s22] =	ssyncadd.s32 s3;
	_ =	sdelay $0x1  }
0xa1: {  	s23 =	simm.s32 $0x1B8B  }
0xa2: {  	_ =	swait.ge [sflag:s23], $0x1  }
0xa3: {  	[sflag:s23] =	ssyncset.done $0x0  }
0xa4: {  	s25 =	simm.s32 $0x1B8E;
	s24 =	sld [smem:$0x3FFE];
	[sflag:s23] =	ssyncadd.s32 $0xFFFFFFFF  }
0xa5: {  	s26 =	simm.s32 $execute0_lowered;
	[smem:$0x3FD2] =	sst s25  }
0xa6: {  	s4 =	sshll.u32 s26, $0x1;
	_ =	strace $0x80000058;
	[dreg:$0x1] =	wrdreg $0xFFFFFFFF  }
0xa7: {  	s28 =	simm.s32 $_size_execute0_lowered;
	s2 =	sadd.s32 s2, s4;
	[dreg:$0x0] =	wrdreg $0x0  }
0xa8: {  	s4 =	sshll.u32 s28, $0x1;
	[dreg:$0x2] =	wrdreg s2  }
0xa9: {  	[dreg:$0x3] =	wrdreg s4  }
0xaa: {  	[dreg:$0x4] =	wrdreg $0xC0  }
0xab: {  	_ =	task [dreg:s6], $0x5FFFF  }
0xac: {  	[dreg:$0x1] =	wrdreg $0xFFFFFFFF  }
0xad: {  	[dreg:$0x0] =	wrdreg $0x60  }
0xae: {  	[dreg:$0x2] =	wrdreg s24  }
0xaf: {  	[dreg:$0x3] =	wrdreg $0x9  }
0xb0: {  	_ =	task.clear_ibuf [dreg:s6], $0x4FFFF;
	_ =	strace $0x90000058  }
0xb1: {  	s29 =	simm.s32 $0x9;
	_ =	strace $0x8000005A  }
0xb2: {  	_ =	swait.ge [sflag:s29], $0x1  }
0xb3: {  	[sflag:s29] =	ssyncadd.s32 $0xFFFFFFFF  }
0xb4: {  	_ =	strace $0x9000005A  }
0xb5: {  	_ =	sfence  }
0xb6: {  	s30 =	sld [smem:$0x0];
	_ =	sdelay $0x2  }
0xb7: {  	s31 =	sshll.u32 s1, $0xD;
	s1 =	sshrl.u32 s1, $0x2  }
0xb8: {  	s3 =	sand.u32 $0x4000, s31;
	s1 =	sadd.s32 s1, s30  }
0xb9: {  	s0 =	sor.u32 s3, s0;
	s1 =	sshll.u32 s1, $0x11  }
0xba: {  	s0 =	sor.u32 s1, s0  }
0xbb: {  	s0 =	sadd.s32 $0x8F2B, s0  }
0xbc: {  	[sflag:s0] =	ssyncadd.remote.s32 $0x1  }
0xbd: {  	_ =	sfence.sel $0xFFFF  }
0xbe: {  	[dreg:$0x0] =	wrdreg $0xFFFFFFFF;
	(pc) =	sbr.abs _section_cstart, $3  }
0xbf: {  	[dreg:$0x1] =	wrdreg $0xFFFFFFFF  }
0xc0: {  	_ =	task.clear_ibuf [dreg:s6], $0x2FFFF;
	_ =	strace $0x9FFFFFFF  }
0xc1: {  	(tm) =	ssettm $0x7FFFFFFF  }
tec
execute0_lowered:
.L_overlay_start_1:
0x0: {  	(tag) =	ssettag $0x1  }
0x1: {  	s4 =	rddreg [dreg:$0x0]  }
0x2: {  	s0 =	rddreg [dreg:$0x1]  }
0x3: {  	s2 =	simm.s32 $0x0;
	s3 =	srdreg.scid;
	s1 =	stileid.u32  }
0x4: {  	s12 =	simm.s32 $0x1;
	s13 =	simm.s32 $0x0;
	[smem:$0x7FF] =	sst s2  }
0x5: {  	s5 =	sand.u32 $0x1, s3;
	s26 =	sshll.u32 s1, $0x1;
	s3 =	sadd.s32 $0xDA00, s4  }
0x6: {  	s10 =	sadd.s32 $0x3C00, s4;
	s11 =	sadd.s32 $0x17800, s4;
	s29 =	smul.u32 $0x9C00, s1  }
0x7: {  	p0 =	sgt.u32 s1, $0x1;
	_ =	strace $0x80000059;
	s6 =	ssub.s32 $0x2, s5  }
0x8: {  	s7 =	sor.u32 s5, s26;
	s30 =	smul.u32 $0x4E00, s5;
	s8 =	sshrl.u32 s6, $0x1  }
0x9: {  	s9 =	smul.u32 $0x4E0, s7;
	s28 =	sshll.u32 s7, $0x4;
	s7 =	sshll.u32 s7, $0x8  }
0xa: {  	s8 =	ssub.s32 s6, s8;
	s6 =	sadd.s32 s28, s10;
	s31 =	sadd.s32 s7, s11  }
0xb: {  	s4 =	sadd.s32 s10, s9;
	s5 =	sadd.s32 $0x9C00, s6;
	s9 =	sadd.s32 s29, s11  }
0xc: {  	s6 =	sadd.s32 $0x9C000, s31;
	s7 =	smax.u32 s8, $0x1;
	s10 =	simm.s32 $0x80  }
0xd: {  	s11 =	simm.s32 $0x2780;
	s8 =	sadd.s32 s30, s9;
	s9 =	simm.s32 $0x2  }
.LBB2_1:
0xe: {  	[tilespmem:s2], [sflag:$0x2] =	stream.linear.gather [hbm4b:s4+s2], $0x2700, $0x38;
	[tilespmem:$0x2F80] =	vst v63  }
0xf: {  	_ =	swait.ge [sflag:s9], $0x2700  }
0x10: {  	[sflag:s9] =	ssyncset.done $0x0  }
0x11: {  	s14 =	simm.s32 @!p0 $0x0;
	s15 =	simm.s32 @!p0 $0x2700;
	[sflag:s9] =	ssyncadd.s32 $0xFFFFD900  }
0x12: {  	[tilespmem:s15], [sflag:$0x2] =	stream.linear.gather @!p0 [hbm4b:s5+s14], $0x80, $0x38;
	[tilespmem:$0x2F80] =	vst v63  }
0x13: {  	s14 =	simm.s32 @!p0 $0x2  }
0x14: {  	_ =	swait.ge @!p0 [sflag:s14], $0x80  }
0x15: {  	[sflag:s14] =	ssyncset.done @!p0 $0x0  }
0x16: {  	[sflag:s14] =	ssyncadd.s32 @!p0 $0xFFFFFF80  }
0x17: {  	[tilespmem:s11], [sflag:$0x1] =	stream.indirect.gather [hbm4b:s3+s10], $0x10, s2, s10, $0xb8;
	[tilespmem:$0x2F80] =	vst v63  }
0x18: {  	_ =	swait.ge [sflag:s12], $0x800  }
0x19: {  	[sflag:s12] =	ssyncset.done $0x0  }
0x1a: {  	s31 =	sadd.s32 $0x0, s8;
	[sflag:s12] =	ssyncadd.s32 $0xFFFFF800  }
0x1b: {  	[hbm4b:s31+s2] =	stream.linear.scatter [tilespmem:s11], [sflag:$0x2], $0x800, $0x38;
	[tilespmem:$0x2F80] =	vst v63  }
0x1c: {  	_ =	swait.ge [sflag:s9], $0x800  }
0x1d: {  	s15 =	simm.s32 $0x0;
	s14 =	simm.s32 $0x100;
	[sflag:s9] =	ssyncset.done $0x0  }
.LBB2_2:
0x1e: {  	p1 =	sne.s32 s14, $0x4D00;
	[sflag:s9] =	ssyncadd.s32 $0xFFFFF800;
	s15 =	sadd.s32 $0x80, s15  }
0x1f: {  	[tilespmem:s11], [sflag:$0x1] =	stream.indirect.gather [hbm4b:s3+s10], $0x10, s15, s10, $0xb8;
	[tilespmem:$0x2F80] =	vst v63  }
0x20: {  	s16 =	smov.u32 s14;
	s14 =	sadd.s32 $0x100, s14;
	_ =	swait.ge [sflag:s12], $0x800  }
.Ltmp0:
0x21: {  	[sflag:s12] =	ssyncset.done $0x0;
	(pc) =	sbr.rel @p1 .LBB2_2-.Ltmp0, $4  }
0x22: {  	s16 =	sadd.s32 s16, s8;
	[sflag:s12] =	ssyncadd.s32 $0xFFFFF800  }
0x23: {  	[hbm4b:s16+s2] =	stream.linear.scatter [tilespmem:s11], [sflag:$0x2], $0x800, $0x38;
	[tilespmem:$0x2F80] =	vst v63  }
0x24: {  	_ =	swait.ge [sflag:s9], $0x800  }
0x25: {  	[sflag:s9] =	ssyncset.done $0x0  }
0x26: {  	[sflag:s9] =	ssyncadd.s32 $0xFFFFF800  }
0x27: {  	s14 =	simm.s32 @!p0 $0x80;
	s15 =	simm.s32 @!p0 $0x2700;
	s16 =	simm.s32 @!p0 $0x2780  }
0x28: {  	[tilespmem:s16], [sflag:$0x1] =	stream.indirect.gather @!p0 [hbm4b:s3+s14], $0x10, s15, s14, $0xb8;
	[tilespmem:$0x2F80] =	vst v63  }
0x29: {  	s14 =	simm.s32 @!p0 $0x1  }
0x2a: {  	_ =	swait.ge @!p0 [sflag:s14], $0x800  }
0x2b: {  	s13 =	sadd.s32 $0x1, s13;
	[sflag:s14] =	ssyncset.done @!p0 $0x0  }
0x2c: {  	p1 =	sne.s32 s13, s7;
	[sflag:s14] =	ssyncadd.s32 @!p0 $0xFFFFF800;
	s14 =	simm.s32 @!p0 $0x0  }
0x2d: {  	[hbm4b:s6+s14] =	stream.linear.scatter @!p0 [tilespmem:s16], [sflag:$0x2], $0x800, $0x38;
	[tilespmem:$0x2F80] =	vst v63  }
.Ltmp1:
0x2e: {  	_ = 	snop;
	(pc) =	sbr.rel @p1 .LBB2_1-.Ltmp1, $4  }
0x2f: {  	s14 =	simm.s32 @!p0 $0x2  }
0x30: {  	_ =	swait.ge @!p0 [sflag:s14], $0x800  }
0x31: {  	[sflag:s14] =	ssyncset.done @!p0 $0x0  }
0x32: {  	[sflag:s14] =	ssyncadd.s32 @!p0 $0xFFFFF800  }
0x33: {  	_ =	sfence.sel $0x180000  }
0x34: {  	[bflag:$0x0] =	sbarrier.arrive $0xFFFF  }
0x35: {  	p0 =	sne.s32 s1, $0x0;
	_ =	strace $0x90000059  }
0x36: {  	s0 =	sadd.s32 @!p0 $0x100000, s0;
	[bflag:$0x2] =	sbarrier.arrive $0xFFFF  }
0x37: {  	[sflag:s0] =	ssyncadd.tile.s32 @!p0 $0x1;
	_ =	shalt  }
.Lfunc_end2:
_tile_overlayer_lowered:
.L_overlay_start_2:
0x38: {  	(tag) =	ssettag $0x2  }
0x39: {  	s0 =	rddreg [dreg:$0x0];
	s2 =	stileid.u32  }
0x3a: {  	s1 =	rddreg [dreg:$0x1];
	p0 =	sne.s32 s2, $0x0  }
0x3b: {  	s3 =	rddreg [dreg:$0x2];
	[bflag:$0x3] =	sbarrier.arrive $0xFFFF;
	s2 =	simm.s32 @!p0 $0x1C02  }
0x3c: {  	[timem:s3], [sflag:s2] =	dma.local @!p0 [hbm:s0], s1  }
0x3d: {  	s0 =	simm.s32 @!p0 $0x2  }
0x3e: {  	_ =	swait.ge @!p0 [sflag:s0], s1  }
0x3f: {  	s1 =	ssub.s32 @!p0 $0x0, s1;
	[sflag:s0] =	ssyncset.done @!p0 $0x0  }
0x40: {  	[sflag:s0] =	ssyncadd.s32 @!p0 s1  }
0x41: {  	[bflag:$0x3] =	sbarrier.arrive $0xFFFF  }
0x42: {  	_ =	shalt  }

</sc_bundles>
